<compile_context>
chip_gen: v7x
topology: tpu7x:2x2x1
jax: 0.10.2.dev20260603
libtpu: 0.0.44.dev20260713+nightly
codegen_flags: <defaults>
</compile_context>

<pallas_src>
import jax
import jax.numpy as jnp
from jax import lax
from jax.experimental import pallas as pl
from jax.experimental.pallas import tpu as pltpu
from jax.experimental.pallas import tpu_sc as plsc

NC = 2
NS = 16
NW = NC * NS

GBUF = 4
OBUF = 2
LANES = 16
BB = 128


def _make_sc_kernel(B, S, D, scale):
    nvec = D // LANES
    drows = D // 8

    mesh = plsc.VectorSubcoreMesh(core_axis_name="c", subcore_axis_name="s")

    def body(x_hbm, table_hbm, pe_hbm, out_hbm, idx_v, gbuf, obuf, pe_v,
             gsem, ssem):
        ci = lax.axis_index("c")
        si = lax.axis_index("s")
        w = si * NC + ci

        pltpu.sync_copy(x_hbm.at[w], idx_v)
        pltpu.sync_copy(pe_hbm.at[pl.ds(0, S)], pe_v)

        def start_gather(s, g):
            pltpu.async_copy(table_hbm.at[idx_v.at[s]], gbuf.at[g], gsem.at[g])

        def wait_gather(g):
            pltpu.make_async_copy(
                table_hbm.at[pl.ds(0, BB)], gbuf.at[g], gsem.at[g]
            ).wait()

        def start_write(s, o):
            pltpu.async_copy(
                obuf.at[pl.ds(o * 8, 8), :, pl.ds(0, BB)],
                out_hbm.at[s, :, w],
                ssem.at[o],
            )

        def wait_write(o):
            pltpu.make_async_copy(
                obuf.at[pl.ds(o * 8, 8), :, pl.ds(0, BB)],
                out_hbm.at[0, :, 0],
                ssem.at[o],
            ).wait()

        start_gather(0, 0)
        start_gather(1, 1)
        start_gather(2, 2)

        def s_body(s, g, o):
            @pl.when(s >= 2)
            def _():
                wait_write(o)

            @pl.when(s + 3 < S)
            def _():
                start_gather(s + 3, (g + 3) % GBUF)

            wait_gather(g)

            pvecs = [pe_v[s, pl.ds(j * LANES, LANES)] for j in range(nvec)]
            lanes = jnp.arange(LANES, dtype=jnp.int32)
            didx = [lanes + j * LANES for j in range(nvec)]
            rt_i = [d // 8 for d in didx]
            d8_i = [d % 8 for d in didx]
            zero = lanes * 0

            @plsc.parallel_loop(0, BB, step=1, unroll=4)
            def _(r):
                rv = zero + r
                for j in range(nvec):
                    v = gbuf[g, r, pl.ds(j * LANES, LANES)]
                    val = v * scale + pvecs[j]
                    plsc.store_scatter(obuf, [rt_i[j] + o * 8, d8_i[j], rv], val)

            start_write(s, o)

        def outer(t, carry):
            s0 = t * GBUF
            for k in range(GBUF):
                s_body(s0 + k, k, k % OBUF)
            return carry

        lax.fori_loop(0, S // GBUF, outer, 0)
        wait_write(0)
        wait_write(1)

    return pl.kernel(
        body,
        out_type=jax.ShapeDtypeStruct((S, drows, NW, 8, BB), jnp.float32),
        mesh=mesh,
        scratch_types=[
            pltpu.VMEM((S, BB), jnp.int32),
            pltpu.VMEM((GBUF, BB, BB), jnp.float32),
            pltpu.VMEM((OBUF * 8, 8, BB + 1), jnp.float32),
            pltpu.VMEM((S, D), jnp.float32),
            pltpu.SemaphoreType.DMA((GBUF,)),
            pltpu.SemaphoreType.DMA((OBUF,)),
        ],
        compiler_params=pltpu.CompilerParams(
            use_tc_tiling_on_sc=False, needs_layout_passes=False
        ),
    )


def kernel(x, table, pos_encoding):
    B, S = x.shape
    V, D = table.shape
    scale = float(D) ** 0.5
    assert B == NW * BB
    assert D % LANES == 0 and S % GBUF == 0 and S % OBUF == 0

    xr = x.astype(jnp.int32).reshape(NW, BB, S).transpose((0, 2, 1))
    table_p = jnp.pad(table, ((0, 0), (0, 128 - D)))
    out5 = _make_sc_kernel(B, S, D, scale)(xr, table_p, pos_encoding)
    return out5.transpose((2, 4, 0, 1, 3)).reshape(B, S, D)

# --- scband reference (transcript-rebuilt; emitter-appended) ---
"""Pipeline reference for scband-text-preprocessor-12472585027898 (READ-ONLY COPY).

The authoritative reference and input builder live on the scoring server;
editing this copy changes nothing except your own understanding.
"""

import jax, jax.numpy as jnp
import numpy as np

VOCAB = 1000000
EMBED_DIM = 64
MAX_SEQ_LEN = 512
BATCH = 4096
SEQ_LEN = 200

def setup_inputs(seed: int = 0) -> dict:
    key = jax.random.key(seed)
    k1, k2, k3 = jax.random.split(key, 3)
    x = jax.random.randint(k1, (BATCH, SEQ_LEN), 0, VOCAB, dtype=jnp.int64 if jax.config.jax_enable_x64 else jnp.int32)
    table = jax.random.normal(k2, (VOCAB, EMBED_DIM), dtype=jnp.float32) * 0.02
    pos_encoding = jax.random.normal(k3, (MAX_SEQ_LEN, EMBED_DIM), dtype=jnp.float32) * 0.02
    return {"x": x, "table": table, "pos_encoding": pos_encoding}

def reference(x, table, pos_encoding):
    batch, seq_len = x.shape
    scale = float(table.shape[1]) ** 0.5
    emb = jnp.take(table, x, axis=0)  # [B, S, D] gather
    pe = jnp.broadcast_to(pos_encoding[:seq_len][None, :, :], (batch, seq_len, pos_encoding.shape[1]))
    return emb * scale + pe

if __name__ == "__main__":
    import jax
    _d = setup_inputs()
    print(jax.jit(kernel)(*tuple(_d.values())))

</pallas_src>

<mosaic_0001>
#map = affine_map<(d0, d1) -> (0, 0, 0)>
#map1 = affine_map<(d0, d1) -> (0, 0)>
#map2 = affine_map<(d0, d1) -> (0, 0, 0, 0, 0)>
module attributes {stable_mosaic.version = 14 : i64} {
  func.func @body(%arg0: i32, %arg1: i32, %arg2: memref<32x200x128xi32, #tpu.memory_space<hbm>>, %arg3: memref<1000000x128xf32, #tpu.memory_space<hbm>>, %arg4: memref<512x64xf32, #tpu.memory_space<hbm>>, %arg5: memref<200x8x32x8x128xf32, #tpu.memory_space<hbm>>, %arg6: memref<200x128xi32, #tpu.memory_space<vmem>>, %arg7: memref<4x128x128xf32, #tpu.memory_space<vmem>>, %arg8: memref<16x8x129xf32, #tpu.memory_space<vmem>>, %arg9: memref<200x64xf32, #tpu.memory_space<vmem>>, %arg10: memref<4x!tpu.dma_semaphore, #tpu.memory_space<semaphore_mem>>, %arg11: memref<2x!tpu.dma_semaphore, #tpu.memory_space<semaphore_mem>>) attributes {dimension_semantics = [#tpu.dimension_semantics<core_parallel>, #tpu.dimension_semantics<subcore_parallel>], iteration_bounds = array<i64: 2, 16>, scalar_prefetch = 0 : i64, scratch_operands = 6 : i64, tpu.core_type = #tpu.core_type<sc_vector_subcore>, window_params = [{transform_indices = #map}, {transform_indices = #map1}, {transform_indices = #map1}, {transform_indices = #map2}]} {
    %mul3A = arith.constant 2 : i32
    %mul3A_0 = arith.muli %arg1, %mul3A : i32
    %add3A = arith.addi %mul3A_0, %arg0 : i32
    "tpu.region"() ({
      %run_scoped3A = tpu.sem_alloc : memref<!tpu.dma_semaphore, #tpu.memory_space<semaphore_mem>>
      %dma_start3A_95 = arith.constant 0 : i32
      %dma_start3A_96 = arith.constant 0 : i32
      %dma_start3A_97 = tpu.memref_slice %arg2[%add3A, %dma_start3A_95, %dma_start3A_96] : memref<32x200x128xi32, #tpu.memory_space<hbm>> -> memref<1x200x128xi32, #tpu.memory_space<hbm>>
      %dma_start3A_98 = tpu.memref_squeeze %dma_start3A_97 : memref<1x200x128xi32, #tpu.memory_space<hbm>> -> memref<200x128xi32, #tpu.memory_space<hbm>>
      %dma_start3A_99 = arith.constant 0 : i32
      %dma_start3A_100 = arith.constant 0 : i32
      %dma_start3A_101 = tpu.memref_slice %arg2[%add3A, %dma_start3A_99, %dma_start3A_100] : memref<32x200x128xi32, #tpu.memory_space<hbm>> -> memref<1x200x128xi32, #tpu.memory_space<hbm>>
      %dma_start3A_102 = tpu.memref_squeeze %dma_start3A_101 : memref<1x200x128xi32, #tpu.memory_space<hbm>> -> memref<200x128xi32, #tpu.memory_space<hbm>>
      tpu.enqueue_dma source(%dma_start3A_102 : memref<200x128xi32, #tpu.memory_space<hbm>>) target(%arg6 : memref<200x128xi32, #tpu.memory_space<vmem>>) target_semaphore(%run_scoped3A : memref<!tpu.dma_semaphore, #tpu.memory_space<semaphore_mem>>)
      %dma_wait3A_103 = arith.constant 0 : i32
      %dma_wait3A_104 = arith.constant 0 : i32
      %dma_wait3A_105 = tpu.memref_slice %arg2[%add3A, %dma_wait3A_103, %dma_wait3A_104] : memref<32x200x128xi32, #tpu.memory_space<hbm>> -> memref<1x200x128xi32, #tpu.memory_space<hbm>>
      %dma_wait3A_106 = tpu.memref_squeeze %dma_wait3A_105 : memref<1x200x128xi32, #tpu.memory_space<hbm>> -> memref<200x128xi32, #tpu.memory_space<hbm>>
      %dma_wait3A_107 = arith.constant 0 : i32
      %dma_wait3A_108 = arith.constant 0 : i32
      %dma_wait3A_109 = tpu.memref_slice %arg2[%add3A, %dma_wait3A_107, %dma_wait3A_108] : memref<32x200x128xi32, #tpu.memory_space<hbm>> -> memref<1x200x128xi32, #tpu.memory_space<hbm>>
      %dma_wait3A_110 = tpu.memref_squeeze %dma_wait3A_109 : memref<1x200x128xi32, #tpu.memory_space<hbm>> -> memref<200x128xi32, #tpu.memory_space<hbm>>
      tpu.wait_dma2 semaphore(%run_scoped3A : memref<!tpu.dma_semaphore, #tpu.memory_space<semaphore_mem>>) src(%dma_wait3A_110 : memref<200x128xi32, #tpu.memory_space<hbm>>) dst(%arg6 : memref<200x128xi32, #tpu.memory_space<vmem>>)
      tpu.yield
    }) : () -> ()
    "tpu.region"() ({
      %run_scoped3A = tpu.sem_alloc : memref<!tpu.dma_semaphore, #tpu.memory_space<semaphore_mem>>
      %dma_start3A_95 = arith.constant 0 : i32
      %dma_start3A_96 = arith.constant 0 : i32
      %dma_start3A_97 = tpu.memref_slice %arg4[%dma_start3A_95, %dma_start3A_96] : memref<512x64xf32, #tpu.memory_space<hbm>> -> memref<200x64xf32, #tpu.memory_space<hbm>>
      %dma_start3A_98 = arith.constant 0 : i32
      %dma_start3A_99 = arith.constant 0 : i32
      %dma_start3A_100 = tpu.memref_slice %arg4[%dma_start3A_98, %dma_start3A_99] : memref<512x64xf32, #tpu.memory_space<hbm>> -> memref<200x64xf32, #tpu.memory_space<hbm>>
      tpu.enqueue_dma source(%dma_start3A_100 : memref<200x64xf32, #tpu.memory_space<hbm>>) target(%arg9 : memref<200x64xf32, #tpu.memory_space<vmem>>) target_semaphore(%run_scoped3A : memref<!tpu.dma_semaphore, #tpu.memory_space<semaphore_mem>>)
      %dma_wait3A_101 = arith.constant 0 : i32
      %dma_wait3A_102 = arith.constant 0 : i32
      %dma_wait3A_103 = tpu.memref_slice %arg4[%dma_wait3A_101, %dma_wait3A_102] : memref<512x64xf32, #tpu.memory_space<hbm>> -> memref<200x64xf32, #tpu.memory_space<hbm>>
      %dma_wait3A_104 = arith.constant 0 : i32
      %dma_wait3A_105 = arith.constant 0 : i32
      %dma_wait3A_106 = tpu.memref_slice %arg4[%dma_wait3A_104, %dma_wait3A_105] : memref<512x64xf32, #tpu.memory_space<hbm>> -> memref<200x64xf32, #tpu.memory_space<hbm>>
      tpu.wait_dma2 semaphore(%run_scoped3A : memref<!tpu.dma_semaphore, #tpu.memory_space<semaphore_mem>>) src(%dma_wait3A_106 : memref<200x64xf32, #tpu.memory_space<hbm>>) dst(%arg9 : memref<200x64xf32, #tpu.memory_space<vmem>>)
      tpu.yield
    }) : () -> ()
    %dma_start3A = arith.constant 0 : i32
    %dma_start3A_1 = arith.constant 0 : i32
    %dma_start3A_2 = arith.constant 0 : i32
    %dma_start3A_3 = arith.constant 0 : i32
    %dma_start3A_4 = arith.constant 0 : i32
    %dma_start3A_5 = tpu.memref_slice %arg7[%dma_start3A_1, %dma_start3A_3, %dma_start3A_4] : memref<4x128x128xf32, #tpu.memory_space<vmem>> -> memref<1x128x128xf32, #tpu.memory_space<vmem>>
    %dma_start3A_6 = tpu.memref_squeeze %dma_start3A_5 : memref<1x128x128xf32, #tpu.memory_space<vmem>> -> memref<128x128xf32, #tpu.memory_space<vmem>>
    %dma_start3A_7 = arith.constant 0 : i32
    %dma_start3A_8 = tpu.memref_slice %arg6[%dma_start3A, %dma_start3A_7] : memref<200x128xi32, #tpu.memory_space<vmem>> -> memref<1x128xi32, #tpu.memory_space<vmem>>
    %dma_start3A_9 = tpu.memref_squeeze %dma_start3A_8 : memref<1x128xi32, #tpu.memory_space<vmem>> -> memref<128xi32, #tpu.memory_space<vmem>>
    %dma_start3A_10 = arith.constant 0 : i32
    %dma_start3A_11 = arith.constant 0 : i32
    %dma_start3A_12 = tpu.memref_slice %arg3[%dma_start3A_10, %dma_start3A_11] : memref<1000000x128xf32, #tpu.memory_space<hbm>> -> memref<1000000x128xf32, #tpu.memory_space<hbm>>
    %dma_start3A_13 = tpu.memref_slice %arg10[%dma_start3A_2] : memref<4x!tpu.dma_semaphore, #tpu.memory_space<semaphore_mem>> -> memref<1x!tpu.dma_semaphore, #tpu.memory_space<semaphore_mem>>
    %dma_start3A_14 = tpu.memref_squeeze %dma_start3A_13 : memref<1x!tpu.dma_semaphore, #tpu.memory_space<semaphore_mem>> -> memref<!tpu.dma_semaphore, #tpu.memory_space<semaphore_mem>>
    tpu.enqueue_indirect_dma source(%dma_start3A_12 : memref<1000000x128xf32, #tpu.memory_space<hbm>>) target(%dma_start3A_6 : memref<128x128xf32, #tpu.memory_space<vmem>>) offsets(%dma_start3A_9 : memref<128xi32, #tpu.memory_space<vmem>>) semaphore(%dma_start3A_14 : memref<!tpu.dma_semaphore, #tpu.memory_space<semaphore_mem>>)
    %dma_start3A_15 = arith.constant 1 : i32
    %dma_start3A_16 = arith.constant 1 : i32
    %dma_start3A_17 = arith.constant 1 : i32
    %dma_start3A_18 = arith.constant 0 : i32
    %dma_start3A_19 = arith.constant 0 : i32
    %dma_start3A_20 = tpu.memref_slice %arg7[%dma_start3A_16, %dma_start3A_18, %dma_start3A_19] : memref<4x128x128xf32, #tpu.memory_space<vmem>> -> memref<1x128x128xf32, #tpu.memory_space<vmem>>
    %dma_start3A_21 = tpu.memref_squeeze %dma_start3A_20 : memref<1x128x128xf32, #tpu.memory_space<vmem>> -> memref<128x128xf32, #tpu.memory_space<vmem>>
    %dma_start3A_22 = arith.constant 0 : i32
    %dma_start3A_23 = tpu.memref_slice %arg6[%dma_start3A_15, %dma_start3A_22] : memref<200x128xi32, #tpu.memory_space<vmem>> -> memref<1x128xi32, #tpu.memory_space<vmem>>
    %dma_start3A_24 = tpu.memref_squeeze %dma_start3A_23 : memref<1x128xi32, #tpu.memory_space<vmem>> -> memref<128xi32, #tpu.memory_space<vmem>>
    %dma_start3A_25 = arith.constant 0 : i32
    %dma_start3A_26 = arith.constant 0 : i32
    %dma_start3A_27 = tpu.memref_slice %arg3[%dma_start3A_25, %dma_start3A_26] : memref<1000000x128xf32, #tpu.memory_space<hbm>> -> memref<1000000x128xf32, #tpu.memory_space<hbm>>
    %dma_start3A_28 = tpu.memref_slice %arg10[%dma_start3A_17] : memref<4x!tpu.dma_semaphore, #tpu.memory_space<semaphore_mem>> -> memref<1x!tpu.dma_semaphore, #tpu.memory_space<semaphore_mem>>
    %dma_start3A_29 = tpu.memref_squeeze %dma_start3A_28 : memref<1x!tpu.dma_semaphore, #tpu.memory_space<semaphore_mem>> -> memref<!tpu.dma_semaphore, #tpu.memory_space<semaphore_mem>>
    tpu.enqueue_indirect_dma source(%dma_start3A_27 : memref<1000000x128xf32, #tpu.memory_space<hbm>>) target(%dma_start3A_21 : memref<128x128xf32, #tpu.memory_space<vmem>>) offsets(%dma_start3A_24 : memref<128xi32, #tpu.memory_space<vmem>>) semaphore(%dma_start3A_29 : memref<!tpu.dma_semaphore, #tpu.memory_space<semaphore_mem>>)
    %dma_start3A_30 = arith.constant 2 : i32
    %dma_start3A_31 = arith.constant 2 : i32
    %dma_start3A_32 = arith.constant 2 : i32
    %dma_start3A_33 = arith.constant 0 : i32
    %dma_start3A_34 = arith.constant 0 : i32
    %dma_start3A_35 = tpu.memref_slice %arg7[%dma_start3A_31, %dma_start3A_33, %dma_start3A_34] : memref<4x128x128xf32, #tpu.memory_space<vmem>> -> memref<1x128x128xf32, #tpu.memory_space<vmem>>
    %dma_start3A_36 = tpu.memref_squeeze %dma_start3A_35 : memref<1x128x128xf32, #tpu.memory_space<vmem>> -> memref<128x128xf32, #tpu.memory_space<vmem>>
    %dma_start3A_37 = arith.constant 0 : i32
    %dma_start3A_38 = tpu.memref_slice %arg6[%dma_start3A_30, %dma_start3A_37] : memref<200x128xi32, #tpu.memory_space<vmem>> -> memref<1x128xi32, #tpu.memory_space<vmem>>
    %dma_start3A_39 = tpu.memref_squeeze %dma_start3A_38 : memref<1x128xi32, #tpu.memory_space<vmem>> -> memref<128xi32, #tpu.memory_space<vmem>>
    %dma_start3A_40 = arith.constant 0 : i32
    %dma_start3A_41 = arith.constant 0 : i32
    %dma_start3A_42 = tpu.memref_slice %arg3[%dma_start3A_40, %dma_start3A_41] : memref<1000000x128xf32, #tpu.memory_space<hbm>> -> memref<1000000x128xf32, #tpu.memory_space<hbm>>
    %dma_start3A_43 = tpu.memref_slice %arg10[%dma_start3A_32] : memref<4x!tpu.dma_semaphore, #tpu.memory_space<semaphore_mem>> -> memref<1x!tpu.dma_semaphore, #tpu.memory_space<semaphore_mem>>
    %dma_start3A_44 = tpu.memref_squeeze %dma_start3A_43 : memref<1x!tpu.dma_semaphore, #tpu.memory_space<semaphore_mem>> -> memref<!tpu.dma_semaphore, #tpu.memory_space<semaphore_mem>>
    tpu.enqueue_indirect_dma source(%dma_start3A_42 : memref<1000000x128xf32, #tpu.memory_space<hbm>>) target(%dma_start3A_36 : memref<128x128xf32, #tpu.memory_space<vmem>>) offsets(%dma_start3A_39 : memref<128xi32, #tpu.memory_space<vmem>>) semaphore(%dma_start3A_44 : memref<!tpu.dma_semaphore, #tpu.memory_space<semaphore_mem>>)
    %scan3A = arith.constant 0 : i32
    %scan3A_45 = arith.constant 0 : i32
    %scan3A_46 = arith.constant 50 : i32
    %scan3A_47 = arith.addi %scan3A_45, %scan3A_46 : i32
    %scan3A_48 = arith.constant 1 : i32
    scf.for %scan3A_95 = %scan3A_45 to %scan3A_47 step %scan3A_48  : i32 {
      %mul3A_96 = arith.constant 4 : i32
      %mul3A_97 = arith.muli %scan3A_95, %mul3A_96 : i32
      %add3A_98 = arith.constant 0 : i32
      %add3A_99 = arith.addi %mul3A_97, %add3A_98 : i32
      %ge3A = arith.constant 2 : i32
      %ge3A_100 = arith.cmpi sge, %add3A_99, %ge3A : i32
      %convert_element_type3A = arith.extui %ge3A_100 : i1 to i32
      %cond3A = arith.constant 0 : i32
      %cond3A_101 = arith.cmpi ne, %convert_element_type3A, %cond3A : i32
      scf.if %cond3A_101 {
        %dma_wait3A_1266 = arith.constant 0 : i32
        %dma_wait3A_1267 = arith.constant 0 : i32
        %dma_wait3A_1268 = arith.constant 0 : i32
        %dma_wait3A_1269 = arith.constant 0 : i32
        %dma_wait3A_1270 = arith.constant 0 : i32
        %dma_wait3A_1271 = arith.constant 0 : i32
        %dma_wait3A_1272 = tpu.memref_slice %arg8[%dma_wait3A_1269, %dma_wait3A_1270, %dma_wait3A_1271] : memref<16x8x129xf32, #tpu.memory_space<vmem>> -> memref<8x8x128xf32, #tpu.memory_space<vmem>>
        %dma_wait3A_1273 = arith.constant 0 : i32
        %dma_wait3A_1274 = arith.constant 0 : i32
        %dma_wait3A_1275 = arith.constant 0 : i32
        %dma_wait3A_1276 = tpu.memref_slice %arg5[%dma_wait3A_1266, %dma_wait3A_1273, %dma_wait3A_1267, %dma_wait3A_1274, %dma_wait3A_1275] : memref<200x8x32x8x128xf32, #tpu.memory_space<hbm>> -> memref<1x8x1x8x128xf32, #tpu.memory_space<hbm>>
        %dma_wait3A_1277 = tpu.memref_squeeze %dma_wait3A_1276 : memref<1x8x1x8x128xf32, #tpu.memory_space<hbm>> -> memref<8x8x128xf32, #tpu.memory_space<hbm>>
        %dma_wait3A_1278 = tpu.memref_slice %arg11[%dma_wait3A_1268] : memref<2x!tpu.dma_semaphore, #tpu.memory_space<semaphore_mem>> -> memref<1x!tpu.dma_semaphore, #tpu.memory_space<semaphore_mem>>
        %dma_wait3A_1279 = tpu.memref_squeeze %dma_wait3A_1278 : memref<1x!tpu.dma_semaphore, #tpu.memory_space<semaphore_mem>> -> memref<!tpu.dma_semaphore, #tpu.memory_space<semaphore_mem>>
        %dma_wait3A_1280 = arith.constant 0 : i32
        %dma_wait3A_1281 = arith.constant 0 : i32
        %dma_wait3A_1282 = arith.constant 0 : i32
        %dma_wait3A_1283 = tpu.memref_slice %arg5[%dma_wait3A_1266, %dma_wait3A_1280, %dma_wait3A_1267, %dma_wait3A_1281, %dma_wait3A_1282] : memref<200x8x32x8x128xf32, #tpu.memory_space<hbm>> -> memref<1x8x1x8x128xf32, #tpu.memory_space<hbm>>
        %dma_wait3A_1284 = tpu.memref_squeeze %dma_wait3A_1283 : memref<1x8x1x8x128xf32, #tpu.memory_space<hbm>> -> memref<8x8x128xf32, #tpu.memory_space<hbm>>
        %dma_wait3A_1285 = arith.constant 0 : i32
        %dma_wait3A_1286 = arith.constant 0 : i32
        %dma_wait3A_1287 = arith.constant 0 : i32
        %dma_wait3A_1288 = tpu.memref_slice %arg8[%dma_wait3A_1285, %dma_wait3A_1286, %dma_wait3A_1287] : memref<16x8x129xf32, #tpu.memory_space<vmem>> -> memref<8x8x128xf32, #tpu.memory_space<vmem>>
        tpu.wait_dma2 semaphore(%dma_wait3A_1279 : memref<!tpu.dma_semaphore, #tpu.memory_space<semaphore_mem>>) src(%dma_wait3A_1288 : memref<8x8x128xf32, #tpu.memory_space<vmem>>) dst(%dma_wait3A_1284 : memref<8x8x128xf32, #tpu.memory_space<hbm>>)
      } else {
      }
      %add3A_102 = arith.constant 3 : i32
      %add3A_103 = arith.addi %add3A_99, %add3A_102 : i32
      %lt3A = arith.constant 200 : i32
      %lt3A_104 = arith.cmpi slt, %add3A_103, %lt3A : i32
      %convert_element_type3A_105 = arith.extui %lt3A_104 : i1 to i32
      %cond3A_106 = arith.constant 0 : i32
      %cond3A_107 = arith.cmpi ne, %convert_element_type3A_105, %cond3A_106 : i32
      scf.if %cond3A_107 {
        %add3A_1266 = arith.constant 3 : i32
        %add3A_1267 = arith.addi %add3A_99, %add3A_1266 : i32
        %dma_start3A_1268 = arith.constant 3 : i32
        %dma_start3A_1269 = arith.constant 3 : i32
        %dma_start3A_1270 = arith.constant 0 : i32
        %dma_start3A_1271 = arith.constant 0 : i32
        %dma_start3A_1272 = tpu.memref_slice %arg7[%dma_start3A_1268, %dma_start3A_1270, %dma_start3A_1271] : memref<4x128x128xf32, #tpu.memory_space<vmem>> -> memref<1x128x128xf32, #tpu.memory_space<vmem>>
        %dma_start3A_1273 = tpu.memref_squeeze %dma_start3A_1272 : memref<1x128x128xf32, #tpu.memory_space<vmem>> -> memref<128x128xf32, #tpu.memory_space<vmem>>
        %dma_start3A_1274 = arith.constant 0 : i32
        %dma_start3A_1275 = tpu.memref_slice %arg6[%add3A_1267, %dma_start3A_1274] : memref<200x128xi32, #tpu.memory_space<vmem>> -> memref<1x128xi32, #tpu.memory_space<vmem>>
        %dma_start3A_1276 = tpu.memref_squeeze %dma_start3A_1275 : memref<1x128xi32, #tpu.memory_space<vmem>> -> memref<128xi32, #tpu.memory_space<vmem>>
        %dma_start3A_1277 = arith.constant 0 : i32
        %dma_start3A_1278 = arith.constant 0 : i32
        %dma_start3A_1279 = tpu.memref_slice %arg3[%dma_start3A_1277, %dma_start3A_1278] : memref<1000000x128xf32, #tpu.memory_space<hbm>> -> memref<1000000x128xf32, #tpu.memory_space<hbm>>
        %dma_start3A_1280 = tpu.memref_slice %arg10[%dma_start3A_1269] : memref<4x!tpu.dma_semaphore, #tpu.memory_space<semaphore_mem>> -> memref<1x!tpu.dma_semaphore, #tpu.memory_space<semaphore_mem>>
        %dma_start3A_1281 = tpu.memref_squeeze %dma_start3A_1280 : memref<1x!tpu.dma_semaphore, #tpu.memory_space<semaphore_mem>> -> memref<!tpu.dma_semaphore, #tpu.memory_space<semaphore_mem>>
        tpu.enqueue_indirect_dma source(%dma_start3A_1279 : memref<1000000x128xf32, #tpu.memory_space<hbm>>) target(%dma_start3A_1273 : memref<128x128xf32, #tpu.memory_space<vmem>>) offsets(%dma_start3A_1276 : memref<128xi32, #tpu.memory_space<vmem>>) semaphore(%dma_start3A_1281 : memref<!tpu.dma_semaphore, #tpu.memory_space<semaphore_mem>>)
      } else {
      }
      %dma_wait3A_108 = arith.constant 0 : i32
      %dma_wait3A_109 = arith.constant 0 : i32
      %dma_wait3A_110 = arith.constant 0 : i32
      %dma_wait3A_111 = arith.constant 0 : i32
      %dma_wait3A_112 = tpu.memref_slice %arg7[%dma_wait3A_108, %dma_wait3A_110, %dma_wait3A_111] : memref<4x128x128xf32, #tpu.memory_space<vmem>> -> memref<1x128x128xf32, #tpu.memory_space<vmem>>
      %dma_wait3A_113 = tpu.memref_squeeze %dma_wait3A_112 : memref<1x128x128xf32, #tpu.memory_space<vmem>> -> memref<128x128xf32, #tpu.memory_space<vmem>>
      %dma_wait3A_114 = arith.constant 0 : i32
      %dma_wait3A_115 = arith.constant 0 : i32
      %dma_wait3A_116 = tpu.memref_slice %arg3[%dma_wait3A_114, %dma_wait3A_115] : memref<1000000x128xf32, #tpu.memory_space<hbm>> -> memref<128x128xf32, #tpu.memory_space<hbm>>
      %dma_wait3A_117 = tpu.memref_slice %arg10[%dma_wait3A_109] : memref<4x!tpu.dma_semaphore, #tpu.memory_space<semaphore_mem>> -> memref<1x!tpu.dma_semaphore, #tpu.memory_space<semaphore_mem>>
      %dma_wait3A_118 = tpu.memref_squeeze %dma_wait3A_117 : memref<1x!tpu.dma_semaphore, #tpu.memory_space<semaphore_mem>> -> memref<!tpu.dma_semaphore, #tpu.memory_space<semaphore_mem>>
      %dma_wait3A_119 = arith.constant 0 : i32
      %dma_wait3A_120 = arith.constant 0 : i32
      %dma_wait3A_121 = tpu.memref_slice %arg7[%dma_wait3A_108, %dma_wait3A_119, %dma_wait3A_120] : memref<4x128x128xf32, #tpu.memory_space<vmem>> -> memref<1x128x128xf32, #tpu.memory_space<vmem>>
      %dma_wait3A_122 = tpu.memref_squeeze %dma_wait3A_121 : memref<1x128x128xf32, #tpu.memory_space<vmem>> -> memref<128x128xf32, #tpu.memory_space<vmem>>
      %dma_wait3A_123 = arith.constant 0 : i32
      %dma_wait3A_124 = arith.constant 0 : i32
      %dma_wait3A_125 = tpu.memref_slice %arg3[%dma_wait3A_123, %dma_wait3A_124] : memref<1000000x128xf32, #tpu.memory_space<hbm>> -> memref<128x128xf32, #tpu.memory_space<hbm>>
      tpu.wait_dma2 semaphore(%dma_wait3A_118 : memref<!tpu.dma_semaphore, #tpu.memory_space<semaphore_mem>>) src(%dma_wait3A_125 : memref<128x128xf32, #tpu.memory_space<hbm>>) dst(%dma_wait3A_122 : memref<128x128xf32, #tpu.memory_space<vmem>>)
      %get3A = arith.index_cast %add3A_99 : i32 to index
      %get3A_126 = arith.constant 0 : index
      %get3A_127 = tpu.vector_load %arg9[%get3A, %get3A_126] {strides = array<i32>} : memref<200x64xf32, #tpu.memory_space<vmem>>, vector<16xf32>,
      %get3A_128 = arith.index_cast %add3A_99 : i32 to index
      %get3A_129 = arith.constant 16 : index
      %get3A_130 = tpu.vector_load %arg9[%get3A_128, %get3A_129] {strides = array<i32>} : memref<200x64xf32, #tpu.memory_space<vmem>>, vector<16xf32>,
      %get3A_131 = arith.index_cast %add3A_99 : i32 to index
      %get3A_132 = arith.constant 32 : index
      %get3A_133 = tpu.vector_load %arg9[%get3A_131, %get3A_132] {strides = array<i32>} : memref<200x64xf32, #tpu.memory_space<vmem>>, vector<16xf32>,
      %get3A_134 = arith.index_cast %add3A_99 : i32 to index
      %get3A_135 = arith.constant 48 : index
      %get3A_136 = tpu.vector_load %arg9[%get3A_134, %get3A_135] {strides = array<i32>} : memref<200x64xf32, #tpu.memory_space<vmem>>, vector<16xf32>,
      %iota3A = tpu.iota {dimensions = array<i32: 0>} : vector<16xi32>
      %add3A_137 = arith.constant 0 : i32
      %add3A_138 = vector.broadcast %add3A_137 : i32 to vector<16xi32>
      %add3A_139 = arith.addi %iota3A, %add3A_138 : vector<16xi32>
      %add3A_140 = arith.constant 16 : i32
      %add3A_141 = vector.broadcast %add3A_140 : i32 to vector<16xi32>
      %add3A_142 = arith.addi %iota3A, %add3A_141 : vector<16xi32>
      %add3A_143 = arith.constant 32 : i32
      %add3A_144 = vector.broadcast %add3A_143 : i32 to vector<16xi32>
      %add3A_145 = arith.addi %iota3A, %add3A_144 : vector<16xi32>
      %add3A_146 = arith.constant 48 : i32
      %add3A_147 = vector.broadcast %add3A_146 : i32 to vector<16xi32>
      %add3A_148 = arith.addi %iota3A, %add3A_147 : vector<16xi32>
      %jit3A = arith.constant 8 : i32
      %div3A = vector.broadcast %jit3A : i32 to vector<16xi32>
      %div3A_149 = arith.divsi %add3A_139, %div3A : vector<16xi32>
      %sign3A = arith.constant 0 : i32
      %sign3A_150 = vector.broadcast %sign3A : i32 to vector<16xi32>
      %sign3A_151 = arith.cmpi sgt, %add3A_139, %sign3A_150 : vector<16xi32>
      %sign3A_152 = arith.extui %sign3A_151 : vector<16xi1> to vector<16xi32>
      %sign3A_153 = arith.constant 0 : i32
      %sign3A_154 = vector.broadcast %sign3A_153 : i32 to vector<16xi32>
      %sign3A_155 = arith.cmpi slt, %add3A_139, %sign3A_154 : vector<16xi32>
      %sign3A_156 = arith.extui %sign3A_155 : vector<16xi1> to vector<16xi32>
      %sign3A_157 = arith.subi %sign3A_152, %sign3A_156 : vector<16xi32>
      %sign3A_158 = arith.constant 0 : i32
      %sign3A_159 = arith.cmpi sgt, %jit3A, %sign3A_158 : i32
      %sign3A_160 = arith.extui %sign3A_159 : i1 to i32
      %sign3A_161 = arith.constant 0 : i32
      %sign3A_162 = arith.cmpi slt, %jit3A, %sign3A_161 : i32
      %sign3A_163 = arith.extui %sign3A_162 : i1 to i32
      %sign3A_164 = arith.subi %sign3A_160, %sign3A_163 : i32
      %ne3A = vector.broadcast %sign3A_164 : i32 to vector<16xi32>
      %ne3A_165 = arith.cmpi ne, %sign3A_157, %ne3A : vector<16xi32>
      %rem3A = vector.broadcast %jit3A : i32 to vector<16xi32>
      %rem3A_166 = arith.remsi %add3A_139, %rem3A : vector<16xi32>
      %ne3A_167 = arith.constant 0 : i32
      %ne3A_168 = vector.broadcast %ne3A_167 : i32 to vector<16xi32>
      %ne3A_169 = arith.cmpi ne, %rem3A_166, %ne3A_168 : vector<16xi32>
      %and3A = arith.andi %ne3A_165, %ne3A_169 : vector<16xi1>
      %sub3A = arith.constant 1 : i32
      %sub3A_170 = vector.broadcast %sub3A : i32 to vector<16xi32>
      %sub3A_171 = arith.subi %div3A_149, %sub3A_170 : vector<16xi32>
      %select_n3A = arith.select %and3A, %sub3A_171, %div3A_149 : vector<16xi1>, vector<16xi32>
      %jit3A_172 = arith.constant 8 : i32
      %div3A_173 = vector.broadcast %jit3A_172 : i32 to vector<16xi32>
      %div3A_174 = arith.divsi %add3A_142, %div3A_173 : vector<16xi32>
      %sign3A_175 = arith.constant 0 : i32
      %sign3A_176 = vector.broadcast %sign3A_175 : i32 to vector<16xi32>
      %sign3A_177 = arith.cmpi sgt, %add3A_142, %sign3A_176 : vector<16xi32>
      %sign3A_178 = arith.extui %sign3A_177 : vector<16xi1> to vector<16xi32>
      %sign3A_179 = arith.constant 0 : i32
      %sign3A_180 = vector.broadcast %sign3A_179 : i32 to vector<16xi32>
      %sign3A_181 = arith.cmpi slt, %add3A_142, %sign3A_180 : vector<16xi32>
      %sign3A_182 = arith.extui %sign3A_181 : vector<16xi1> to vector<16xi32>
      %sign3A_183 = arith.subi %sign3A_178, %sign3A_182 : vector<16xi32>
      %sign3A_184 = arith.constant 0 : i32
      %sign3A_185 = arith.cmpi sgt, %jit3A_172, %sign3A_184 : i32
      %sign3A_186 = arith.extui %sign3A_185 : i1 to i32
      %sign3A_187 = arith.constant 0 : i32
      %sign3A_188 = arith.cmpi slt, %jit3A_172, %sign3A_187 : i32
      %sign3A_189 = arith.extui %sign3A_188 : i1 to i32
      %sign3A_190 = arith.subi %sign3A_186, %sign3A_189 : i32
      %ne3A_191 = vector.broadcast %sign3A_190 : i32 to vector<16xi32>
      %ne3A_192 = arith.cmpi ne, %sign3A_183, %ne3A_191 : vector<16xi32>
      %rem3A_193 = vector.broadcast %jit3A_172 : i32 to vector<16xi32>
      %rem3A_194 = arith.remsi %add3A_142, %rem3A_193 : vector<16xi32>
      %ne3A_195 = arith.constant 0 : i32
      %ne3A_196 = vector.broadcast %ne3A_195 : i32 to vector<16xi32>
      %ne3A_197 = arith.cmpi ne, %rem3A_194, %ne3A_196 : vector<16xi32>
      %and3A_198 = arith.andi %ne3A_192, %ne3A_197 : vector<16xi1>
      %sub3A_199 = arith.constant 1 : i32
      %sub3A_200 = vector.broadcast %sub3A_199 : i32 to vector<16xi32>
      %sub3A_201 = arith.subi %div3A_174, %sub3A_200 : vector<16xi32>
      %select_n3A_202 = arith.select %and3A_198, %sub3A_201, %div3A_174 : vector<16xi1>, vector<16xi32>
      %jit3A_203 = arith.constant 8 : i32
      %div3A_204 = vector.broadcast %jit3A_203 : i32 to vector<16xi32>
      %div3A_205 = arith.divsi %add3A_145, %div3A_204 : vector<16xi32>
      %sign3A_206 = arith.constant 0 : i32
      %sign3A_207 = vector.broadcast %sign3A_206 : i32 to vector<16xi32>
      %sign3A_208 = arith.cmpi sgt, %add3A_145, %sign3A_207 : vector<16xi32>
      %sign3A_209 = arith.extui %sign3A_208 : vector<16xi1> to vector<16xi32>
      %sign3A_210 = arith.constant 0 : i32
      %sign3A_211 = vector.broadcast %sign3A_210 : i32 to vector<16xi32>
      %sign3A_212 = arith.cmpi slt, %add3A_145, %sign3A_211 : vector<16xi32>
      %sign3A_213 = arith.extui %sign3A_212 : vector<16xi1> to vector<16xi32>
      %sign3A_214 = arith.subi %sign3A_209, %sign3A_213 : vector<16xi32>
      %sign3A_215 = arith.constant 0 : i32
      %sign3A_216 = arith.cmpi sgt, %jit3A_203, %sign3A_215 : i32
      %sign3A_217 = arith.extui %sign3A_216 : i1 to i32
      %sign3A_218 = arith.constant 0 : i32
      %sign3A_219 = arith.cmpi slt, %jit3A_203, %sign3A_218 : i32
      %sign3A_220 = arith.extui %sign3A_219 : i1 to i32
      %sign3A_221 = arith.subi %sign3A_217, %sign3A_220 : i32
      %ne3A_222 = vector.broadcast %sign3A_221 : i32 to vector<16xi32>
      %ne3A_223 = arith.cmpi ne, %sign3A_214, %ne3A_222 : vector<16xi32>
      %rem3A_224 = vector.broadcast %jit3A_203 : i32 to vector<16xi32>
      %rem3A_225 = arith.remsi %add3A_145, %rem3A_224 : vector<16xi32>
      %ne3A_226 = arith.constant 0 : i32
      %ne3A_227 = vector.broadcast %ne3A_226 : i32 to vector<16xi32>
      %ne3A_228 = arith.cmpi ne, %rem3A_225, %ne3A_227 : vector<16xi32>
      %and3A_229 = arith.andi %ne3A_223, %ne3A_228 : vector<16xi1>
      %sub3A_230 = arith.constant 1 : i32
      %sub3A_231 = vector.broadcast %sub3A_230 : i32 to vector<16xi32>
      %sub3A_232 = arith.subi %div3A_205, %sub3A_231 : vector<16xi32>
      %select_n3A_233 = arith.select %and3A_229, %sub3A_232, %div3A_205 : vector<16xi1>, vector<16xi32>
      %jit3A_234 = arith.constant 8 : i32
      %div3A_235 = vector.broadcast %jit3A_234 : i32 to vector<16xi32>
      %div3A_236 = arith.divsi %add3A_148, %div3A_235 : vector<16xi32>
      %sign3A_237 = arith.constant 0 : i32
      %sign3A_238 = vector.broadcast %sign3A_237 : i32 to vector<16xi32>
      %sign3A_239 = arith.cmpi sgt, %add3A_148, %sign3A_238 : vector<16xi32>
      %sign3A_240 = arith.extui %sign3A_239 : vector<16xi1> to vector<16xi32>
      %sign3A_241 = arith.constant 0 : i32
      %sign3A_242 = vector.broadcast %sign3A_241 : i32 to vector<16xi32>
      %sign3A_243 = arith.cmpi slt, %add3A_148, %sign3A_242 : vector<16xi32>
      %sign3A_244 = arith.extui %sign3A_243 : vector<16xi1> to vector<16xi32>
      %sign3A_245 = arith.subi %sign3A_240, %sign3A_244 : vector<16xi32>
      %sign3A_246 = arith.constant 0 : i32
      %sign3A_247 = arith.cmpi sgt, %jit3A_234, %sign3A_246 : i32
      %sign3A_248 = arith.extui %sign3A_247 : i1 to i32
      %sign3A_249 = arith.constant 0 : i32
      %sign3A_250 = arith.cmpi slt, %jit3A_234, %sign3A_249 : i32
      %sign3A_251 = arith.extui %sign3A_250 : i1 to i32
      %sign3A_252 = arith.subi %sign3A_248, %sign3A_251 : i32
      %ne3A_253 = vector.broadcast %sign3A_252 : i32 to vector<16xi32>
      %ne3A_254 = arith.cmpi ne, %sign3A_245, %ne3A_253 : vector<16xi32>
      %rem3A_255 = vector.broadcast %jit3A_234 : i32 to vector<16xi32>
      %rem3A_256 = arith.remsi %add3A_148, %rem3A_255 : vector<16xi32>
      %ne3A_257 = arith.constant 0 : i32
      %ne3A_258 = vector.broadcast %ne3A_257 : i32 to vector<16xi32>
      %ne3A_259 = arith.cmpi ne, %rem3A_256, %ne3A_258 : vector<16xi32>
      %and3A_260 = arith.andi %ne3A_254, %ne3A_259 : vector<16xi1>
      %sub3A_261 = arith.constant 1 : i32
      %sub3A_262 = vector.broadcast %sub3A_261 : i32 to vector<16xi32>
      %sub3A_263 = arith.subi %div3A_236, %sub3A_262 : vector<16xi32>
      %select_n3A_264 = arith.select %and3A_260, %sub3A_263, %div3A_236 : vector<16xi1>, vector<16xi32>
      %jit3A_265 = arith.constant 8 : i32
      %eq3A = arith.constant 0 : i32
      %eq3A_266 = arith.cmpi eq, %jit3A_265, %eq3A : i32
      %jit3A_267 = arith.constant 1 : i32
      %select_n3A_268 = arith.select %eq3A_266, %jit3A_267, %jit3A_265 : i32
      %rem3A_269 = vector.broadcast %select_n3A_268 : i32 to vector<16xi32>
      %rem3A_270 = arith.remsi %add3A_139, %rem3A_269 : vector<16xi32>
      %ne3A_271 = arith.constant 0 : i32
      %ne3A_272 = vector.broadcast %ne3A_271 : i32 to vector<16xi32>
      %ne3A_273 = arith.cmpi ne, %rem3A_270, %ne3A_272 : vector<16xi32>
      %lt3A_274 = arith.constant 0 : i32
      %lt3A_275 = vector.broadcast %lt3A_274 : i32 to vector<16xi32>
      %lt3A_276 = arith.cmpi slt, %rem3A_270, %lt3A_275 : vector<16xi32>
      %lt3A_277 = arith.constant 0 : i32
      %lt3A_278 = arith.cmpi slt, %select_n3A_268, %lt3A_277 : i32
      %ne3A_279 = vector.broadcast %lt3A_278 : i1 to vector<16xi1>
      %ne3A_280 = vector.broadcast %ne3A_279 : vector<16xi1> to vector<16xi1>
      %ne3A_281 = arith.xori %lt3A_276, %ne3A_280 : vector<16xi1>
      %and3A_282 = arith.andi %ne3A_281, %ne3A_273 : vector<16xi1>
      %add3A_283 = vector.broadcast %select_n3A_268 : i32 to vector<16xi32>
      %add3A_284 = arith.addi %rem3A_270, %add3A_283 : vector<16xi32>
      %select_n3A_285 = arith.select %and3A_282, %add3A_284, %rem3A_270 : vector<16xi1>, vector<16xi32>
      %jit3A_286 = arith.constant 8 : i32
      %eq3A_287 = arith.constant 0 : i32
      %eq3A_288 = arith.cmpi eq, %jit3A_286, %eq3A_287 : i32
      %jit3A_289 = arith.constant 1 : i32
      %select_n3A_290 = arith.select %eq3A_288, %jit3A_289, %jit3A_286 : i32
      %rem3A_291 = vector.broadcast %select_n3A_290 : i32 to vector<16xi32>
      %rem3A_292 = arith.remsi %add3A_142, %rem3A_291 : vector<16xi32>
      %ne3A_293 = arith.constant 0 : i32
      %ne3A_294 = vector.broadcast %ne3A_293 : i32 to vector<16xi32>
      %ne3A_295 = arith.cmpi ne, %rem3A_292, %ne3A_294 : vector<16xi32>
      %lt3A_296 = arith.constant 0 : i32
      %lt3A_297 = vector.broadcast %lt3A_296 : i32 to vector<16xi32>
      %lt3A_298 = arith.cmpi slt, %rem3A_292, %lt3A_297 : vector<16xi32>
      %lt3A_299 = arith.constant 0 : i32
      %lt3A_300 = arith.cmpi slt, %select_n3A_290, %lt3A_299 : i32
      %ne3A_301 = vector.broadcast %lt3A_300 : i1 to vector<16xi1>
      %ne3A_302 = vector.broadcast %ne3A_301 : vector<16xi1> to vector<16xi1>
      %ne3A_303 = arith.xori %lt3A_298, %ne3A_302 : vector<16xi1>
      %and3A_304 = arith.andi %ne3A_303, %ne3A_295 : vector<16xi1>
      %add3A_305 = vector.broadcast %select_n3A_290 : i32 to vector<16xi32>
      %add3A_306 = arith.addi %rem3A_292, %add3A_305 : vector<16xi32>
      %select_n3A_307 = arith.select %and3A_304, %add3A_306, %rem3A_292 : vector<16xi1>, vector<16xi32>
      %jit3A_308 = arith.constant 8 : i32
      %eq3A_309 = arith.constant 0 : i32
      %eq3A_310 = arith.cmpi eq, %jit3A_308, %eq3A_309 : i32
      %jit3A_311 = arith.constant 1 : i32
      %select_n3A_312 = arith.select %eq3A_310, %jit3A_311, %jit3A_308 : i32
      %rem3A_313 = vector.broadcast %select_n3A_312 : i32 to vector<16xi32>
      %rem3A_314 = arith.remsi %add3A_145, %rem3A_313 : vector<16xi32>
      %ne3A_315 = arith.constant 0 : i32
      %ne3A_316 = vector.broadcast %ne3A_315 : i32 to vector<16xi32>
      %ne3A_317 = arith.cmpi ne, %rem3A_314, %ne3A_316 : vector<16xi32>
      %lt3A_318 = arith.constant 0 : i32
      %lt3A_319 = vector.broadcast %lt3A_318 : i32 to vector<16xi32>
      %lt3A_320 = arith.cmpi slt, %rem3A_314, %lt3A_319 : vector<16xi32>
      %lt3A_321 = arith.constant 0 : i32
      %lt3A_322 = arith.cmpi slt, %select_n3A_312, %lt3A_321 : i32
      %ne3A_323 = vector.broadcast %lt3A_322 : i1 to vector<16xi1>
      %ne3A_324 = vector.broadcast %ne3A_323 : vector<16xi1> to vector<16xi1>
      %ne3A_325 = arith.xori %lt3A_320, %ne3A_324 : vector<16xi1>
      %and3A_326 = arith.andi %ne3A_325, %ne3A_317 : vector<16xi1>
      %add3A_327 = vector.broadcast %select_n3A_312 : i32 to vector<16xi32>
      %add3A_328 = arith.addi %rem3A_314, %add3A_327 : vector<16xi32>
      %select_n3A_329 = arith.select %and3A_326, %add3A_328, %rem3A_314 : vector<16xi1>, vector<16xi32>
      %jit3A_330 = arith.constant 8 : i32
      %eq3A_331 = arith.constant 0 : i32
      %eq3A_332 = arith.cmpi eq, %jit3A_330, %eq3A_331 : i32
      %jit3A_333 = arith.constant 1 : i32
      %select_n3A_334 = arith.select %eq3A_332, %jit3A_333, %jit3A_330 : i32
      %rem3A_335 = vector.broadcast %select_n3A_334 : i32 to vector<16xi32>
      %rem3A_336 = arith.remsi %add3A_148, %rem3A_335 : vector<16xi32>
      %ne3A_337 = arith.constant 0 : i32
      %ne3A_338 = vector.broadcast %ne3A_337 : i32 to vector<16xi32>
      %ne3A_339 = arith.cmpi ne, %rem3A_336, %ne3A_338 : vector<16xi32>
      %lt3A_340 = arith.constant 0 : i32
      %lt3A_341 = vector.broadcast %lt3A_340 : i32 to vector<16xi32>
      %lt3A_342 = arith.cmpi slt, %rem3A_336, %lt3A_341 : vector<16xi32>
      %lt3A_343 = arith.constant 0 : i32
      %lt3A_344 = arith.cmpi slt, %select_n3A_334, %lt3A_343 : i32
      %ne3A_345 = vector.broadcast %lt3A_344 : i1 to vector<16xi1>
      %ne3A_346 = vector.broadcast %ne3A_345 : vector<16xi1> to vector<16xi1>
      %ne3A_347 = arith.xori %lt3A_342, %ne3A_346 : vector<16xi1>
      %and3A_348 = arith.andi %ne3A_347, %ne3A_339 : vector<16xi1>
      %add3A_349 = vector.broadcast %select_n3A_334 : i32 to vector<16xi32>
      %add3A_350 = arith.addi %rem3A_336, %add3A_349 : vector<16xi32>
      %select_n3A_351 = arith.select %and3A_348, %add3A_350, %rem3A_336 : vector<16xi1>, vector<16xi32>
      %mul3A_352 = arith.constant 0 : i32
      %mul3A_353 = vector.broadcast %mul3A_352 : i32 to vector<16xi32>
      %mul3A_354 = arith.muli %iota3A, %mul3A_353 : vector<16xi32>
      %parallel_loop3A = arith.constant 0 : i32
      %parallel_loop3A_355 = arith.constant 128 : i32
      %parallel_loop3A_356 = arith.constant 1 : i32
      scf.for %parallel_loop3A_1266 = %parallel_loop3A to %parallel_loop3A_355 step %parallel_loop3A_356  : i32 {
        %parallel_loop3A_1267 = vector.broadcast %parallel_loop3A_1266 : i32 to vector<16xi32>
        %parallel_loop3A_1268 = arith.addi %mul3A_354, %parallel_loop3A_1267 : vector<16xi32>
        %parallel_loop3A_1269 = arith.constant 0 : i32
        %parallel_loop3A_1270 = arith.index_cast %parallel_loop3A_1269 : i32 to index
        %parallel_loop3A_1271 = arith.index_cast %parallel_loop3A_1266 : i32 to index
        %parallel_loop3A_1272 = arith.constant 0 : index
        %parallel_loop3A_1273 = tpu.vector_load %arg7[%parallel_loop3A_1270, %parallel_loop3A_1271, %parallel_loop3A_1272] {strides = array<i32>} : memref<4x128x128xf32, #tpu.memory_space<vmem>>, vector<16xf32>,
        %parallel_loop3A_1274 = arith.constant 8.000000e+00 : f32
        %parallel_loop3A_1275 = vector.broadcast %parallel_loop3A_1274 : f32 to vector<16xf32>
        %parallel_loop3A_1276 = arith.mulf %parallel_loop3A_1273, %parallel_loop3A_1275 : vector<16xf32>
        %parallel_loop3A_1277 = arith.addf %parallel_loop3A_1276, %get3A_127 : vector<16xf32>
        %parallel_loop3A_1278 = arith.constant 0 : i32
        %parallel_loop3A_1279 = vector.broadcast %parallel_loop3A_1278 : i32 to vector<16xi32>
        %parallel_loop3A_1280 = arith.addi %select_n3A, %parallel_loop3A_1279 : vector<16xi32>
        tpu.vector_store_idx %arg8[%parallel_loop3A_1280, %select_n3A_285, %parallel_loop3A_1268], %parallel_loop3A_1277 : memref<16x8x129xf32, #tpu.memory_space<vmem>>[vector<16xi32>, vector<16xi32>, vector<16xi32>], vector<16xf32>,
        %parallel_loop3A_1281 = arith.constant 0 : i32
        %parallel_loop3A_1282 = arith.index_cast %parallel_loop3A_1281 : i32 to index
        %parallel_loop3A_1283 = arith.index_cast %parallel_loop3A_1266 : i32 to index
        %parallel_loop3A_1284 = arith.constant 16 : index
        %parallel_loop3A_1285 = tpu.vector_load %arg7[%parallel_loop3A_1282, %parallel_loop3A_1283, %parallel_loop3A_1284] {strides = array<i32>} : memref<4x128x128xf32, #tpu.memory_space<vmem>>, vector<16xf32>,
        %parallel_loop3A_1286 = arith.constant 8.000000e+00 : f32
        %parallel_loop3A_1287 = vector.broadcast %parallel_loop3A_1286 : f32 to vector<16xf32>
        %parallel_loop3A_1288 = arith.mulf %parallel_loop3A_1285, %parallel_loop3A_1287 : vector<16xf32>
        %parallel_loop3A_1289 = arith.addf %parallel_loop3A_1288, %get3A_130 : vector<16xf32>
        %parallel_loop3A_1290 = arith.constant 0 : i32
        %parallel_loop3A_1291 = vector.broadcast %parallel_loop3A_1290 : i32 to vector<16xi32>
        %parallel_loop3A_1292 = arith.addi %select_n3A_202, %parallel_loop3A_1291 : vector<16xi32>
        tpu.vector_store_idx %arg8[%parallel_loop3A_1292, %select_n3A_307, %parallel_loop3A_1268], %parallel_loop3A_1289 : memref<16x8x129xf32, #tpu.memory_space<vmem>>[vector<16xi32>, vector<16xi32>, vector<16xi32>], vector<16xf32>,
        %parallel_loop3A_1293 = arith.constant 0 : i32
        %parallel_loop3A_1294 = arith.index_cast %parallel_loop3A_1293 : i32 to index
        %parallel_loop3A_1295 = arith.index_cast %parallel_loop3A_1266 : i32 to index
        %parallel_loop3A_1296 = arith.constant 32 : index
        %parallel_loop3A_1297 = tpu.vector_load %arg7[%parallel_loop3A_1294, %parallel_loop3A_1295, %parallel_loop3A_1296] {strides = array<i32>} : memref<4x128x128xf32, #tpu.memory_space<vmem>>, vector<16xf32>,
        %parallel_loop3A_1298 = arith.constant 8.000000e+00 : f32
        %parallel_loop3A_1299 = vector.broadcast %parallel_loop3A_1298 : f32 to vector<16xf32>
        %parallel_loop3A_1300 = arith.mulf %parallel_loop3A_1297, %parallel_loop3A_1299 : vector<16xf32>
        %parallel_loop3A_1301 = arith.addf %parallel_loop3A_1300, %get3A_133 : vector<16xf32>
        %parallel_loop3A_1302 = arith.constant 0 : i32
        %parallel_loop3A_1303 = vector.broadcast %parallel_loop3A_1302 : i32 to vector<16xi32>
        %parallel_loop3A_1304 = arith.addi %select_n3A_233, %parallel_loop3A_1303 : vector<16xi32>
        tpu.vector_store_idx %arg8[%parallel_loop3A_1304, %select_n3A_329, %parallel_loop3A_1268], %parallel_loop3A_1301 : memref<16x8x129xf32, #tpu.memory_space<vmem>>[vector<16xi32>, vector<16xi32>, vector<16xi32>], vector<16xf32>,
        %parallel_loop3A_1305 = arith.constant 0 : i32
        %parallel_loop3A_1306 = arith.index_cast %parallel_loop3A_1305 : i32 to index
        %parallel_loop3A_1307 = arith.index_cast %parallel_loop3A_1266 : i32 to index
        %parallel_loop3A_1308 = arith.constant 48 : index
        %parallel_loop3A_1309 = tpu.vector_load %arg7[%parallel_loop3A_1306, %parallel_loop3A_1307, %parallel_loop3A_1308] {strides = array<i32>} : memref<4x128x128xf32, #tpu.memory_space<vmem>>, vector<16xf32>,
        %parallel_loop3A_1310 = arith.constant 8.000000e+00 : f32
        %parallel_loop3A_1311 = vector.broadcast %parallel_loop3A_1310 : f32 to vector<16xf32>
        %parallel_loop3A_1312 = arith.mulf %parallel_loop3A_1309, %parallel_loop3A_1311 : vector<16xf32>
        %parallel_loop3A_1313 = arith.addf %parallel_loop3A_1312, %get3A_136 : vector<16xf32>
        %parallel_loop3A_1314 = arith.constant 0 : i32
        %parallel_loop3A_1315 = vector.broadcast %parallel_loop3A_1314 : i32 to vector<16xi32>
        %parallel_loop3A_1316 = arith.addi %select_n3A_264, %parallel_loop3A_1315 : vector<16xi32>
        tpu.vector_store_idx %arg8[%parallel_loop3A_1316, %select_n3A_351, %parallel_loop3A_1268], %parallel_loop3A_1313 : memref<16x8x129xf32, #tpu.memory_space<vmem>>[vector<16xi32>, vector<16xi32>, vector<16xi32>], vector<16xf32>,
      } {sc.loop_unroll_factor = 4 : i64, sc.parallel_access}
      %dma_start3A_357 = arith.constant 0 : i32
      %dma_start3A_358 = arith.constant 0 : i32
      %dma_start3A_359 = arith.constant 0 : i32
      %dma_start3A_360 = arith.constant 0 : i32
      %dma_start3A_361 = tpu.memref_slice %arg8[%dma_start3A_358, %dma_start3A_359, %dma_start3A_360] : memref<16x8x129xf32, #tpu.memory_space<vmem>> -> memref<8x8x128xf32, #tpu.memory_space<vmem>>
      %dma_start3A_362 = arith.constant 0 : i32
      %dma_start3A_363 = arith.constant 0 : i32
      %dma_start3A_364 = arith.constant 0 : i32
      %dma_start3A_365 = tpu.memref_slice %arg5[%add3A_99, %dma_start3A_362, %add3A, %dma_start3A_363, %dma_start3A_364] : memref<200x8x32x8x128xf32, #tpu.memory_space<hbm>> -> memref<1x8x1x8x128xf32, #tpu.memory_space<hbm>>
      %dma_start3A_366 = tpu.memref_squeeze %dma_start3A_365 : memref<1x8x1x8x128xf32, #tpu.memory_space<hbm>> -> memref<8x8x128xf32, #tpu.memory_space<hbm>>
      %dma_start3A_367 = tpu.memref_slice %arg11[%dma_start3A_357] : memref<2x!tpu.dma_semaphore, #tpu.memory_space<semaphore_mem>> -> memref<1x!tpu.dma_semaphore, #tpu.memory_space<semaphore_mem>>
      %dma_start3A_368 = tpu.memref_squeeze %dma_start3A_367 : memref<1x!tpu.dma_semaphore, #tpu.memory_space<semaphore_mem>> -> memref<!tpu.dma_semaphore, #tpu.memory_space<semaphore_mem>>
      %dma_start3A_369 = arith.constant 0 : i32
      %dma_start3A_370 = arith.constant 0 : i32
      %dma_start3A_371 = arith.constant 0 : i32
      %dma_start3A_372 = tpu.memref_slice %arg5[%add3A_99, %dma_start3A_369, %add3A, %dma_start3A_370, %dma_start3A_371] : memref<200x8x32x8x128xf32, #tpu.memory_space<hbm>> -> memref<1x8x1x8x128xf32, #tpu.memory_space<hbm>>
      %dma_start3A_373 = tpu.memref_squeeze %dma_start3A_372 : memref<1x8x1x8x128xf32, #tpu.memory_space<hbm>> -> memref<8x8x128xf32, #tpu.memory_space<hbm>>
      %dma_start3A_374 = arith.constant 0 : i32
      %dma_start3A_375 = arith.constant 0 : i32
      %dma_start3A_376 = arith.constant 0 : i32
      %dma_start3A_377 = tpu.memref_slice %arg8[%dma_start3A_374, %dma_start3A_375, %dma_start3A_376] : memref<16x8x129xf32, #tpu.memory_space<vmem>> -> memref<8x8x128xf32, #tpu.memory_space<vmem>>
      tpu.enqueue_dma source(%dma_start3A_377 : memref<8x8x128xf32, #tpu.memory_space<vmem>>) target(%dma_start3A_373 : memref<8x8x128xf32, #tpu.memory_space<hbm>>) target_semaphore(%dma_start3A_368 : memref<!tpu.dma_semaphore, #tpu.memory_space<semaphore_mem>>)
      %add3A_378 = arith.constant 1 : i32
      %add3A_379 = arith.addi %mul3A_97, %add3A_378 : i32
      %ge3A_380 = arith.constant 2 : i32
      %ge3A_381 = arith.cmpi sge, %add3A_379, %ge3A_380 : i32
      %convert_element_type3A_382 = arith.extui %ge3A_381 : i1 to i32
      %cond3A_383 = arith.constant 0 : i32
      %cond3A_384 = arith.cmpi ne, %convert_element_type3A_382, %cond3A_383 : i32
      scf.if %cond3A_384 {
        %dma_wait3A_1266 = arith.constant 0 : i32
        %dma_wait3A_1267 = arith.constant 0 : i32
        %dma_wait3A_1268 = arith.constant 1 : i32
        %dma_wait3A_1269 = arith.constant 8 : i32
        %dma_wait3A_1270 = arith.constant 0 : i32
        %dma_wait3A_1271 = arith.constant 0 : i32
        %dma_wait3A_1272 = tpu.memref_slice %arg8[%dma_wait3A_1269, %dma_wait3A_1270, %dma_wait3A_1271] : memref<16x8x129xf32, #tpu.memory_space<vmem>> -> memref<8x8x128xf32, #tpu.memory_space<vmem>>
        %dma_wait3A_1273 = arith.constant 0 : i32
        %dma_wait3A_1274 = arith.constant 0 : i32
        %dma_wait3A_1275 = arith.constant 0 : i32
        %dma_wait3A_1276 = tpu.memref_slice %arg5[%dma_wait3A_1266, %dma_wait3A_1273, %dma_wait3A_1267, %dma_wait3A_1274, %dma_wait3A_1275] : memref<200x8x32x8x128xf32, #tpu.memory_space<hbm>> -> memref<1x8x1x8x128xf32, #tpu.memory_space<hbm>>
        %dma_wait3A_1277 = tpu.memref_squeeze %dma_wait3A_1276 : memref<1x8x1x8x128xf32, #tpu.memory_space<hbm>> -> memref<8x8x128xf32, #tpu.memory_space<hbm>>
        %dma_wait3A_1278 = tpu.memref_slice %arg11[%dma_wait3A_1268] : memref<2x!tpu.dma_semaphore, #tpu.memory_space<semaphore_mem>> -> memref<1x!tpu.dma_semaphore, #tpu.memory_space<semaphore_mem>>
        %dma_wait3A_1279 = tpu.memref_squeeze %dma_wait3A_1278 : memref<1x!tpu.dma_semaphore, #tpu.memory_space<semaphore_mem>> -> memref<!tpu.dma_semaphore, #tpu.memory_space<semaphore_mem>>
        %dma_wait3A_1280 = arith.constant 0 : i32
        %dma_wait3A_1281 = arith.constant 0 : i32
        %dma_wait3A_1282 = arith.constant 0 : i32
        %dma_wait3A_1283 = tpu.memref_slice %arg5[%dma_wait3A_1266, %dma_wait3A_1280, %dma_wait3A_1267, %dma_wait3A_1281, %dma_wait3A_1282] : memref<200x8x32x8x128xf32, #tpu.memory_space<hbm>> -> memref<1x8x1x8x128xf32, #tpu.memory_space<hbm>>
        %dma_wait3A_1284 = tpu.memref_squeeze %dma_wait3A_1283 : memref<1x8x1x8x128xf32, #tpu.memory_space<hbm>> -> memref<8x8x128xf32, #tpu.memory_space<hbm>>
        %dma_wait3A_1285 = arith.constant 8 : i32
        %dma_wait3A_1286 = arith.constant 0 : i32
        %dma_wait3A_1287 = arith.constant 0 : i32
        %dma_wait3A_1288 = tpu.memref_slice %arg8[%dma_wait3A_1285, %dma_wait3A_1286, %dma_wait3A_1287] : memref<16x8x129xf32, #tpu.memory_space<vmem>> -> memref<8x8x128xf32, #tpu.memory_space<vmem>>
        tpu.wait_dma2 semaphore(%dma_wait3A_1279 : memref<!tpu.dma_semaphore, #tpu.memory_space<semaphore_mem>>) src(%dma_wait3A_1288 : memref<8x8x128xf32, #tpu.memory_space<vmem>>) dst(%dma_wait3A_1284 : memref<8x8x128xf32, #tpu.memory_space<hbm>>)
      } else {
      }
      %add3A_385 = arith.constant 3 : i32
      %add3A_386 = arith.addi %add3A_379, %add3A_385 : i32
      %lt3A_387 = arith.constant 200 : i32
      %lt3A_388 = arith.cmpi slt, %add3A_386, %lt3A_387 : i32
      %convert_element_type3A_389 = arith.extui %lt3A_388 : i1 to i32
      %cond3A_390 = arith.constant 0 : i32
      %cond3A_391 = arith.cmpi ne, %convert_element_type3A_389, %cond3A_390 : i32
      scf.if %cond3A_391 {
        %add3A_1266 = arith.constant 3 : i32
        %add3A_1267 = arith.addi %add3A_379, %add3A_1266 : i32
        %dma_start3A_1268 = arith.constant 0 : i32
        %dma_start3A_1269 = arith.constant 0 : i32
        %dma_start3A_1270 = arith.constant 0 : i32
        %dma_start3A_1271 = arith.constant 0 : i32
        %dma_start3A_1272 = tpu.memref_slice %arg7[%dma_start3A_1268, %dma_start3A_1270, %dma_start3A_1271] : memref<4x128x128xf32, #tpu.memory_space<vmem>> -> memref<1x128x128xf32, #tpu.memory_space<vmem>>
        %dma_start3A_1273 = tpu.memref_squeeze %dma_start3A_1272 : memref<1x128x128xf32, #tpu.memory_space<vmem>> -> memref<128x128xf32, #tpu.memory_space<vmem>>
        %dma_start3A_1274 = arith.constant 0 : i32
        %dma_start3A_1275 = tpu.memref_slice %arg6[%add3A_1267, %dma_start3A_1274] : memref<200x128xi32, #tpu.memory_space<vmem>> -> memref<1x128xi32, #tpu.memory_space<vmem>>
        %dma_start3A_1276 = tpu.memref_squeeze %dma_start3A_1275 : memref<1x128xi32, #tpu.memory_space<vmem>> -> memref<128xi32, #tpu.memory_space<vmem>>
        %dma_start3A_1277 = arith.constant 0 : i32
        %dma_start3A_1278 = arith.constant 0 : i32
        %dma_start3A_1279 = tpu.memref_slice %arg3[%dma_start3A_1277, %dma_start3A_1278] : memref<1000000x128xf32, #tpu.memory_space<hbm>> -> memref<1000000x128xf32, #tpu.memory_space<hbm>>
        %dma_start3A_1280 = tpu.memref_slice %arg10[%dma_start3A_1269] : memref<4x!tpu.dma_semaphore, #tpu.memory_space<semaphore_mem>> -> memref<1x!tpu.dma_semaphore, #tpu.memory_space<semaphore_mem>>
        %dma_start3A_1281 = tpu.memref_squeeze %dma_start3A_1280 : memref<1x!tpu.dma_semaphore, #tpu.memory_space<semaphore_mem>> -> memref<!tpu.dma_semaphore, #tpu.memory_space<semaphore_mem>>
        tpu.enqueue_indirect_dma source(%dma_start3A_1279 : memref<1000000x128xf32, #tpu.memory_space<hbm>>) target(%dma_start3A_1273 : memref<128x128xf32, #tpu.memory_space<vmem>>) offsets(%dma_start3A_1276 : memref<128xi32, #tpu.memory_space<vmem>>) semaphore(%dma_start3A_1281 : memref<!tpu.dma_semaphore, #tpu.memory_space<semaphore_mem>>)
      } else {
      }
      %dma_wait3A_392 = arith.constant 1 : i32
      %dma_wait3A_393 = arith.constant 1 : i32
      %dma_wait3A_394 = arith.constant 0 : i32
      %dma_wait3A_395 = arith.constant 0 : i32
      %dma_wait3A_396 = tpu.memref_slice %arg7[%dma_wait3A_392, %dma_wait3A_394, %dma_wait3A_395] : memref<4x128x128xf32, #tpu.memory_space<vmem>> -> memref<1x128x128xf32, #tpu.memory_space<vmem>>
      %dma_wait3A_397 = tpu.memref_squeeze %dma_wait3A_396 : memref<1x128x128xf32, #tpu.memory_space<vmem>> -> memref<128x128xf32, #tpu.memory_space<vmem>>
      %dma_wait3A_398 = arith.constant 0 : i32
      %dma_wait3A_399 = arith.constant 0 : i32
      %dma_wait3A_400 = tpu.memref_slice %arg3[%dma_wait3A_398, %dma_wait3A_399] : memref<1000000x128xf32, #tpu.memory_space<hbm>> -> memref<128x128xf32, #tpu.memory_space<hbm>>
      %dma_wait3A_401 = tpu.memref_slice %arg10[%dma_wait3A_393] : memref<4x!tpu.dma_semaphore, #tpu.memory_space<semaphore_mem>> -> memref<1x!tpu.dma_semaphore, #tpu.memory_space<semaphore_mem>>
      %dma_wait3A_402 = tpu.memref_squeeze %dma_wait3A_401 : memref<1x!tpu.dma_semaphore, #tpu.memory_space<semaphore_mem>> -> memref<!tpu.dma_semaphore, #tpu.memory_space<semaphore_mem>>
      %dma_wait3A_403 = arith.constant 0 : i32
      %dma_wait3A_404 = arith.constant 0 : i32
      %dma_wait3A_405 = tpu.memref_slice %arg7[%dma_wait3A_392, %dma_wait3A_403, %dma_wait3A_404] : memref<4x128x128xf32, #tpu.memory_space<vmem>> -> memref<1x128x128xf32, #tpu.memory_space<vmem>>
      %dma_wait3A_406 = tpu.memref_squeeze %dma_wait3A_405 : memref<1x128x128xf32, #tpu.memory_space<vmem>> -> memref<128x128xf32, #tpu.memory_space<vmem>>
      %dma_wait3A_407 = arith.constant 0 : i32
      %dma_wait3A_408 = arith.constant 0 : i32
      %dma_wait3A_409 = tpu.memref_slice %arg3[%dma_wait3A_407, %dma_wait3A_408] : memref<1000000x128xf32, #tpu.memory_space<hbm>> -> memref<128x128xf32, #tpu.memory_space<hbm>>
      tpu.wait_dma2 semaphore(%dma_wait3A_402 : memref<!tpu.dma_semaphore, #tpu.memory_space<semaphore_mem>>) src(%dma_wait3A_409 : memref<128x128xf32, #tpu.memory_space<hbm>>) dst(%dma_wait3A_406 : memref<128x128xf32, #tpu.memory_space<vmem>>)
      %get3A_410 = arith.index_cast %add3A_379 : i32 to index
      %get3A_411 = arith.constant 0 : index
      %get3A_412 = tpu.vector_load %arg9[%get3A_410, %get3A_411] {strides = array<i32>} : memref<200x64xf32, #tpu.memory_space<vmem>>, vector<16xf32>,
      %get3A_413 = arith.index_cast %add3A_379 : i32 to index
      %get3A_414 = arith.constant 16 : index
      %get3A_415 = tpu.vector_load %arg9[%get3A_413, %get3A_414] {strides = array<i32>} : memref<200x64xf32, #tpu.memory_space<vmem>>, vector<16xf32>,
      %get3A_416 = arith.index_cast %add3A_379 : i32 to index
      %get3A_417 = arith.constant 32 : index
      %get3A_418 = tpu.vector_load %arg9[%get3A_416, %get3A_417] {strides = array<i32>} : memref<200x64xf32, #tpu.memory_space<vmem>>, vector<16xf32>,
      %get3A_419 = arith.index_cast %add3A_379 : i32 to index
      %get3A_420 = arith.constant 48 : index
      %get3A_421 = tpu.vector_load %arg9[%get3A_419, %get3A_420] {strides = array<i32>} : memref<200x64xf32, #tpu.memory_space<vmem>>, vector<16xf32>,
      %iota3A_422 = tpu.iota {dimensions = array<i32: 0>} : vector<16xi32>
      %add3A_423 = arith.constant 0 : i32
      %add3A_424 = vector.broadcast %add3A_423 : i32 to vector<16xi32>
      %add3A_425 = arith.addi %iota3A_422, %add3A_424 : vector<16xi32>
      %add3A_426 = arith.constant 16 : i32
      %add3A_427 = vector.broadcast %add3A_426 : i32 to vector<16xi32>
      %add3A_428 = arith.addi %iota3A_422, %add3A_427 : vector<16xi32>
      %add3A_429 = arith.constant 32 : i32
      %add3A_430 = vector.broadcast %add3A_429 : i32 to vector<16xi32>
      %add3A_431 = arith.addi %iota3A_422, %add3A_430 : vector<16xi32>
      %add3A_432 = arith.constant 48 : i32
      %add3A_433 = vector.broadcast %add3A_432 : i32 to vector<16xi32>
      %add3A_434 = arith.addi %iota3A_422, %add3A_433 : vector<16xi32>
      %jit3A_435 = arith.constant 8 : i32
      %div3A_436 = vector.broadcast %jit3A_435 : i32 to vector<16xi32>
      %div3A_437 = arith.divsi %add3A_425, %div3A_436 : vector<16xi32>
      %sign3A_438 = arith.constant 0 : i32
      %sign3A_439 = vector.broadcast %sign3A_438 : i32 to vector<16xi32>
      %sign3A_440 = arith.cmpi sgt, %add3A_425, %sign3A_439 : vector<16xi32>
      %sign3A_441 = arith.extui %sign3A_440 : vector<16xi1> to vector<16xi32>
      %sign3A_442 = arith.constant 0 : i32
      %sign3A_443 = vector.broadcast %sign3A_442 : i32 to vector<16xi32>
      %sign3A_444 = arith.cmpi slt, %add3A_425, %sign3A_443 : vector<16xi32>
      %sign3A_445 = arith.extui %sign3A_444 : vector<16xi1> to vector<16xi32>
      %sign3A_446 = arith.subi %sign3A_441, %sign3A_445 : vector<16xi32>
      %sign3A_447 = arith.constant 0 : i32
      %sign3A_448 = arith.cmpi sgt, %jit3A_435, %sign3A_447 : i32
      %sign3A_449 = arith.extui %sign3A_448 : i1 to i32
      %sign3A_450 = arith.constant 0 : i32
      %sign3A_451 = arith.cmpi slt, %jit3A_435, %sign3A_450 : i32
      %sign3A_452 = arith.extui %sign3A_451 : i1 to i32
      %sign3A_453 = arith.subi %sign3A_449, %sign3A_452 : i32
      %ne3A_454 = vector.broadcast %sign3A_453 : i32 to vector<16xi32>
      %ne3A_455 = arith.cmpi ne, %sign3A_446, %ne3A_454 : vector<16xi32>
      %rem3A_456 = vector.broadcast %jit3A_435 : i32 to vector<16xi32>
      %rem3A_457 = arith.remsi %add3A_425, %rem3A_456 : vector<16xi32>
      %ne3A_458 = arith.constant 0 : i32
      %ne3A_459 = vector.broadcast %ne3A_458 : i32 to vector<16xi32>
      %ne3A_460 = arith.cmpi ne, %rem3A_457, %ne3A_459 : vector<16xi32>
      %and3A_461 = arith.andi %ne3A_455, %ne3A_460 : vector<16xi1>
      %sub3A_462 = arith.constant 1 : i32
      %sub3A_463 = vector.broadcast %sub3A_462 : i32 to vector<16xi32>
      %sub3A_464 = arith.subi %div3A_437, %sub3A_463 : vector<16xi32>
      %select_n3A_465 = arith.select %and3A_461, %sub3A_464, %div3A_437 : vector<16xi1>, vector<16xi32>
      %jit3A_466 = arith.constant 8 : i32
      %div3A_467 = vector.broadcast %jit3A_466 : i32 to vector<16xi32>
      %div3A_468 = arith.divsi %add3A_428, %div3A_467 : vector<16xi32>
      %sign3A_469 = arith.constant 0 : i32
      %sign3A_470 = vector.broadcast %sign3A_469 : i32 to vector<16xi32>
      %sign3A_471 = arith.cmpi sgt, %add3A_428, %sign3A_470 : vector<16xi32>
      %sign3A_472 = arith.extui %sign3A_471 : vector<16xi1> to vector<16xi32>
      %sign3A_473 = arith.constant 0 : i32
      %sign3A_474 = vector.broadcast %sign3A_473 : i32 to vector<16xi32>
      %sign3A_475 = arith.cmpi slt, %add3A_428, %sign3A_474 : vector<16xi32>
      %sign3A_476 = arith.extui %sign3A_475 : vector<16xi1> to vector<16xi32>
      %sign3A_477 = arith.subi %sign3A_472, %sign3A_476 : vector<16xi32>
      %sign3A_478 = arith.constant 0 : i32
      %sign3A_479 = arith.cmpi sgt, %jit3A_466, %sign3A_478 : i32
      %sign3A_480 = arith.extui %sign3A_479 : i1 to i32
      %sign3A_481 = arith.constant 0 : i32
      %sign3A_482 = arith.cmpi slt, %jit3A_466, %sign3A_481 : i32
      %sign3A_483 = arith.extui %sign3A_482 : i1 to i32
      %sign3A_484 = arith.subi %sign3A_480, %sign3A_483 : i32
      %ne3A_485 = vector.broadcast %sign3A_484 : i32 to vector<16xi32>
      %ne3A_486 = arith.cmpi ne, %sign3A_477, %ne3A_485 : vector<16xi32>
      %rem3A_487 = vector.broadcast %jit3A_466 : i32 to vector<16xi32>
      %rem3A_488 = arith.remsi %add3A_428, %rem3A_487 : vector<16xi32>
      %ne3A_489 = arith.constant 0 : i32
      %ne3A_490 = vector.broadcast %ne3A_489 : i32 to vector<16xi32>
      %ne3A_491 = arith.cmpi ne, %rem3A_488, %ne3A_490 : vector<16xi32>
      %and3A_492 = arith.andi %ne3A_486, %ne3A_491 : vector<16xi1>
      %sub3A_493 = arith.constant 1 : i32
      %sub3A_494 = vector.broadcast %sub3A_493 : i32 to vector<16xi32>
      %sub3A_495 = arith.subi %div3A_468, %sub3A_494 : vector<16xi32>
      %select_n3A_496 = arith.select %and3A_492, %sub3A_495, %div3A_468 : vector<16xi1>, vector<16xi32>
      %jit3A_497 = arith.constant 8 : i32
      %div3A_498 = vector.broadcast %jit3A_497 : i32 to vector<16xi32>
      %div3A_499 = arith.divsi %add3A_431, %div3A_498 : vector<16xi32>
      %sign3A_500 = arith.constant 0 : i32
      %sign3A_501 = vector.broadcast %sign3A_500 : i32 to vector<16xi32>
      %sign3A_502 = arith.cmpi sgt, %add3A_431, %sign3A_501 : vector<16xi32>
      %sign3A_503 = arith.extui %sign3A_502 : vector<16xi1> to vector<16xi32>
      %sign3A_504 = arith.constant 0 : i32
      %sign3A_505 = vector.broadcast %sign3A_504 : i32 to vector<16xi32>
      %sign3A_506 = arith.cmpi slt, %add3A_431, %sign3A_505 : vector<16xi32>
      %sign3A_507 = arith.extui %sign3A_506 : vector<16xi1> to vector<16xi32>
      %sign3A_508 = arith.subi %sign3A_503, %sign3A_507 : vector<16xi32>
      %sign3A_509 = arith.constant 0 : i32
      %sign3A_510 = arith.cmpi sgt, %jit3A_497, %sign3A_509 : i32
      %sign3A_511 = arith.extui %sign3A_510 : i1 to i32
      %sign3A_512 = arith.constant 0 : i32
      %sign3A_513 = arith.cmpi slt, %jit3A_497, %sign3A_512 : i32
      %sign3A_514 = arith.extui %sign3A_513 : i1 to i32
      %sign3A_515 = arith.subi %sign3A_511, %sign3A_514 : i32
      %ne3A_516 = vector.broadcast %sign3A_515 : i32 to vector<16xi32>
      %ne3A_517 = arith.cmpi ne, %sign3A_508, %ne3A_516 : vector<16xi32>
      %rem3A_518 = vector.broadcast %jit3A_497 : i32 to vector<16xi32>
      %rem3A_519 = arith.remsi %add3A_431, %rem3A_518 : vector<16xi32>
      %ne3A_520 = arith.constant 0 : i32
      %ne3A_521 = vector.broadcast %ne3A_520 : i32 to vector<16xi32>
      %ne3A_522 = arith.cmpi ne, %rem3A_519, %ne3A_521 : vector<16xi32>
      %and3A_523 = arith.andi %ne3A_517, %ne3A_522 : vector<16xi1>
      %sub3A_524 = arith.constant 1 : i32
      %sub3A_525 = vector.broadcast %sub3A_524 : i32 to vector<16xi32>
      %sub3A_526 = arith.subi %div3A_499, %sub3A_525 : vector<16xi32>
      %select_n3A_527 = arith.select %and3A_523, %sub3A_526, %div3A_499 : vector<16xi1>, vector<16xi32>
      %jit3A_528 = arith.constant 8 : i32
      %div3A_529 = vector.broadcast %jit3A_528 : i32 to vector<16xi32>
      %div3A_530 = arith.divsi %add3A_434, %div3A_529 : vector<16xi32>
      %sign3A_531 = arith.constant 0 : i32
      %sign3A_532 = vector.broadcast %sign3A_531 : i32 to vector<16xi32>
      %sign3A_533 = arith.cmpi sgt, %add3A_434, %sign3A_532 : vector<16xi32>
      %sign3A_534 = arith.extui %sign3A_533 : vector<16xi1> to vector<16xi32>
      %sign3A_535 = arith.constant 0 : i32
      %sign3A_536 = vector.broadcast %sign3A_535 : i32 to vector<16xi32>
      %sign3A_537 = arith.cmpi slt, %add3A_434, %sign3A_536 : vector<16xi32>
      %sign3A_538 = arith.extui %sign3A_537 : vector<16xi1> to vector<16xi32>
      %sign3A_539 = arith.subi %sign3A_534, %sign3A_538 : vector<16xi32>
      %sign3A_540 = arith.constant 0 : i32
      %sign3A_541 = arith.cmpi sgt, %jit3A_528, %sign3A_540 : i32
      %sign3A_542 = arith.extui %sign3A_541 : i1 to i32
      %sign3A_543 = arith.constant 0 : i32
      %sign3A_544 = arith.cmpi slt, %jit3A_528, %sign3A_543 : i32
      %sign3A_545 = arith.extui %sign3A_544 : i1 to i32
      %sign3A_546 = arith.subi %sign3A_542, %sign3A_545 : i32
      %ne3A_547 = vector.broadcast %sign3A_546 : i32 to vector<16xi32>
      %ne3A_548 = arith.cmpi ne, %sign3A_539, %ne3A_547 : vector<16xi32>
      %rem3A_549 = vector.broadcast %jit3A_528 : i32 to vector<16xi32>
      %rem3A_550 = arith.remsi %add3A_434, %rem3A_549 : vector<16xi32>
      %ne3A_551 = arith.constant 0 : i32
      %ne3A_552 = vector.broadcast %ne3A_551 : i32 to vector<16xi32>
      %ne3A_553 = arith.cmpi ne, %rem3A_550, %ne3A_552 : vector<16xi32>
      %and3A_554 = arith.andi %ne3A_548, %ne3A_553 : vector<16xi1>
      %sub3A_555 = arith.constant 1 : i32
      %sub3A_556 = vector.broadcast %sub3A_555 : i32 to vector<16xi32>
      %sub3A_557 = arith.subi %div3A_530, %sub3A_556 : vector<16xi32>
      %select_n3A_558 = arith.select %and3A_554, %sub3A_557, %div3A_530 : vector<16xi1>, vector<16xi32>
      %jit3A_559 = arith.constant 8 : i32
      %eq3A_560 = arith.constant 0 : i32
      %eq3A_561 = arith.cmpi eq, %jit3A_559, %eq3A_560 : i32
      %jit3A_562 = arith.constant 1 : i32
      %select_n3A_563 = arith.select %eq3A_561, %jit3A_562, %jit3A_559 : i32
      %rem3A_564 = vector.broadcast %select_n3A_563 : i32 to vector<16xi32>
      %rem3A_565 = arith.remsi %add3A_425, %rem3A_564 : vector<16xi32>
      %ne3A_566 = arith.constant 0 : i32
      %ne3A_567 = vector.broadcast %ne3A_566 : i32 to vector<16xi32>
      %ne3A_568 = arith.cmpi ne, %rem3A_565, %ne3A_567 : vector<16xi32>
      %lt3A_569 = arith.constant 0 : i32
      %lt3A_570 = vector.broadcast %lt3A_569 : i32 to vector<16xi32>
      %lt3A_571 = arith.cmpi slt, %rem3A_565, %lt3A_570 : vector<16xi32>
      %lt3A_572 = arith.constant 0 : i32
      %lt3A_573 = arith.cmpi slt, %select_n3A_563, %lt3A_572 : i32
      %ne3A_574 = vector.broadcast %lt3A_573 : i1 to vector<16xi1>
      %ne3A_575 = vector.broadcast %ne3A_574 : vector<16xi1> to vector<16xi1>
      %ne3A_576 = arith.xori %lt3A_571, %ne3A_575 : vector<16xi1>
      %and3A_577 = arith.andi %ne3A_576, %ne3A_568 : vector<16xi1>
      %add3A_578 = vector.broadcast %select_n3A_563 : i32 to vector<16xi32>
      %add3A_579 = arith.addi %rem3A_565, %add3A_578 : vector<16xi32>
      %select_n3A_580 = arith.select %and3A_577, %add3A_579, %rem3A_565 : vector<16xi1>, vector<16xi32>
      %jit3A_581 = arith.constant 8 : i32
      %eq3A_582 = arith.constant 0 : i32
      %eq3A_583 = arith.cmpi eq, %jit3A_581, %eq3A_582 : i32
      %jit3A_584 = arith.constant 1 : i32
      %select_n3A_585 = arith.select %eq3A_583, %jit3A_584, %jit3A_581 : i32
      %rem3A_586 = vector.broadcast %select_n3A_585 : i32 to vector<16xi32>
      %rem3A_587 = arith.remsi %add3A_428, %rem3A_586 : vector<16xi32>
      %ne3A_588 = arith.constant 0 : i32
      %ne3A_589 = vector.broadcast %ne3A_588 : i32 to vector<16xi32>
      %ne3A_590 = arith.cmpi ne, %rem3A_587, %ne3A_589 : vector<16xi32>
      %lt3A_591 = arith.constant 0 : i32
      %lt3A_592 = vector.broadcast %lt3A_591 : i32 to vector<16xi32>
      %lt3A_593 = arith.cmpi slt, %rem3A_587, %lt3A_592 : vector<16xi32>
      %lt3A_594 = arith.constant 0 : i32
      %lt3A_595 = arith.cmpi slt, %select_n3A_585, %lt3A_594 : i32
      %ne3A_596 = vector.broadcast %lt3A_595 : i1 to vector<16xi1>
      %ne3A_597 = vector.broadcast %ne3A_596 : vector<16xi1> to vector<16xi1>
      %ne3A_598 = arith.xori %lt3A_593, %ne3A_597 : vector<16xi1>
      %and3A_599 = arith.andi %ne3A_598, %ne3A_590 : vector<16xi1>
      %add3A_600 = vector.broadcast %select_n3A_585 : i32 to vector<16xi32>
      %add3A_601 = arith.addi %rem3A_587, %add3A_600 : vector<16xi32>
      %select_n3A_602 = arith.select %and3A_599, %add3A_601, %rem3A_587 : vector<16xi1>, vector<16xi32>
      %jit3A_603 = arith.constant 8 : i32
      %eq3A_604 = arith.constant 0 : i32
      %eq3A_605 = arith.cmpi eq, %jit3A_603, %eq3A_604 : i32
      %jit3A_606 = arith.constant 1 : i32
      %select_n3A_607 = arith.select %eq3A_605, %jit3A_606, %jit3A_603 : i32
      %rem3A_608 = vector.broadcast %select_n3A_607 : i32 to vector<16xi32>
      %rem3A_609 = arith.remsi %add3A_431, %rem3A_608 : vector<16xi32>
      %ne3A_610 = arith.constant 0 : i32
      %ne3A_611 = vector.broadcast %ne3A_610 : i32 to vector<16xi32>
      %ne3A_612 = arith.cmpi ne, %rem3A_609, %ne3A_611 : vector<16xi32>
      %lt3A_613 = arith.constant 0 : i32
      %lt3A_614 = vector.broadcast %lt3A_613 : i32 to vector<16xi32>
      %lt3A_615 = arith.cmpi slt, %rem3A_609, %lt3A_614 : vector<16xi32>
      %lt3A_616 = arith.constant 0 : i32
      %lt3A_617 = arith.cmpi slt, %select_n3A_607, %lt3A_616 : i32
      %ne3A_618 = vector.broadcast %lt3A_617 : i1 to vector<16xi1>
      %ne3A_619 = vector.broadcast %ne3A_618 : vector<16xi1> to vector<16xi1>
      %ne3A_620 = arith.xori %lt3A_615, %ne3A_619 : vector<16xi1>
      %and3A_621 = arith.andi %ne3A_620, %ne3A_612 : vector<16xi1>
      %add3A_622 = vector.broadcast %select_n3A_607 : i32 to vector<16xi32>
      %add3A_623 = arith.addi %rem3A_609, %add3A_622 : vector<16xi32>
      %select_n3A_624 = arith.select %and3A_621, %add3A_623, %rem3A_609 : vector<16xi1>, vector<16xi32>
      %jit3A_625 = arith.constant 8 : i32
      %eq3A_626 = arith.constant 0 : i32
      %eq3A_627 = arith.cmpi eq, %jit3A_625, %eq3A_626 : i32
      %jit3A_628 = arith.constant 1 : i32
      %select_n3A_629 = arith.select %eq3A_627, %jit3A_628, %jit3A_625 : i32
      %rem3A_630 = vector.broadcast %select_n3A_629 : i32 to vector<16xi32>
      %rem3A_631 = arith.remsi %add3A_434, %rem3A_630 : vector<16xi32>
      %ne3A_632 = arith.constant 0 : i32
      %ne3A_633 = vector.broadcast %ne3A_632 : i32 to vector<16xi32>
      %ne3A_634 = arith.cmpi ne, %rem3A_631, %ne3A_633 : vector<16xi32>
      %lt3A_635 = arith.constant 0 : i32
      %lt3A_636 = vector.broadcast %lt3A_635 : i32 to vector<16xi32>
      %lt3A_637 = arith.cmpi slt, %rem3A_631, %lt3A_636 : vector<16xi32>
      %lt3A_638 = arith.constant 0 : i32
      %lt3A_639 = arith.cmpi slt, %select_n3A_629, %lt3A_638 : i32
      %ne3A_640 = vector.broadcast %lt3A_639 : i1 to vector<16xi1>
      %ne3A_641 = vector.broadcast %ne3A_640 : vector<16xi1> to vector<16xi1>
      %ne3A_642 = arith.xori %lt3A_637, %ne3A_641 : vector<16xi1>
      %and3A_643 = arith.andi %ne3A_642, %ne3A_634 : vector<16xi1>
      %add3A_644 = vector.broadcast %select_n3A_629 : i32 to vector<16xi32>
      %add3A_645 = arith.addi %rem3A_631, %add3A_644 : vector<16xi32>
      %select_n3A_646 = arith.select %and3A_643, %add3A_645, %rem3A_631 : vector<16xi1>, vector<16xi32>
      %mul3A_647 = arith.constant 0 : i32
      %mul3A_648 = vector.broadcast %mul3A_647 : i32 to vector<16xi32>
      %mul3A_649 = arith.muli %iota3A_422, %mul3A_648 : vector<16xi32>
      %parallel_loop3A_650 = arith.constant 0 : i32
      %parallel_loop3A_651 = arith.constant 128 : i32
      %parallel_loop3A_652 = arith.constant 1 : i32
      scf.for %parallel_loop3A_1266 = %parallel_loop3A_650 to %parallel_loop3A_651 step %parallel_loop3A_652  : i32 {
        %parallel_loop3A_1267 = vector.broadcast %parallel_loop3A_1266 : i32 to vector<16xi32>
        %parallel_loop3A_1268 = arith.addi %mul3A_649, %parallel_loop3A_1267 : vector<16xi32>
        %parallel_loop3A_1269 = arith.constant 1 : i32
        %parallel_loop3A_1270 = arith.index_cast %parallel_loop3A_1269 : i32 to index
        %parallel_loop3A_1271 = arith.index_cast %parallel_loop3A_1266 : i32 to index
        %parallel_loop3A_1272 = arith.constant 0 : index
        %parallel_loop3A_1273 = tpu.vector_load %arg7[%parallel_loop3A_1270, %parallel_loop3A_1271, %parallel_loop3A_1272] {strides = array<i32>} : memref<4x128x128xf32, #tpu.memory_space<vmem>>, vector<16xf32>,
        %parallel_loop3A_1274 = arith.constant 8.000000e+00 : f32
        %parallel_loop3A_1275 = vector.broadcast %parallel_loop3A_1274 : f32 to vector<16xf32>
        %parallel_loop3A_1276 = arith.mulf %parallel_loop3A_1273, %parallel_loop3A_1275 : vector<16xf32>
        %parallel_loop3A_1277 = arith.addf %parallel_loop3A_1276, %get3A_412 : vector<16xf32>
        %parallel_loop3A_1278 = arith.constant 8 : i32
        %parallel_loop3A_1279 = vector.broadcast %parallel_loop3A_1278 : i32 to vector<16xi32>
        %parallel_loop3A_1280 = arith.addi %select_n3A_465, %parallel_loop3A_1279 : vector<16xi32>
        tpu.vector_store_idx %arg8[%parallel_loop3A_1280, %select_n3A_580, %parallel_loop3A_1268], %parallel_loop3A_1277 : memref<16x8x129xf32, #tpu.memory_space<vmem>>[vector<16xi32>, vector<16xi32>, vector<16xi32>], vector<16xf32>,
        %parallel_loop3A_1281 = arith.constant 1 : i32
        %parallel_loop3A_1282 = arith.index_cast %parallel_loop3A_1281 : i32 to index
        %parallel_loop3A_1283 = arith.index_cast %parallel_loop3A_1266 : i32 to index
        %parallel_loop3A_1284 = arith.constant 16 : index
        %parallel_loop3A_1285 = tpu.vector_load %arg7[%parallel_loop3A_1282, %parallel_loop3A_1283, %parallel_loop3A_1284] {strides = array<i32>} : memref<4x128x128xf32, #tpu.memory_space<vmem>>, vector<16xf32>,
        %parallel_loop3A_1286 = arith.constant 8.000000e+00 : f32
        %parallel_loop3A_1287 = vector.broadcast %parallel_loop3A_1286 : f32 to vector<16xf32>
        %parallel_loop3A_1288 = arith.mulf %parallel_loop3A_1285, %parallel_loop3A_1287 : vector<16xf32>
        %parallel_loop3A_1289 = arith.addf %parallel_loop3A_1288, %get3A_415 : vector<16xf32>
        %parallel_loop3A_1290 = arith.constant 8 : i32
        %parallel_loop3A_1291 = vector.broadcast %parallel_loop3A_1290 : i32 to vector<16xi32>
        %parallel_loop3A_1292 = arith.addi %select_n3A_496, %parallel_loop3A_1291 : vector<16xi32>
        tpu.vector_store_idx %arg8[%parallel_loop3A_1292, %select_n3A_602, %parallel_loop3A_1268], %parallel_loop3A_1289 : memref<16x8x129xf32, #tpu.memory_space<vmem>>[vector<16xi32>, vector<16xi32>, vector<16xi32>], vector<16xf32>,
        %parallel_loop3A_1293 = arith.constant 1 : i32
        %parallel_loop3A_1294 = arith.index_cast %parallel_loop3A_1293 : i32 to index
        %parallel_loop3A_1295 = arith.index_cast %parallel_loop3A_1266 : i32 to index
        %parallel_loop3A_1296 = arith.constant 32 : index
        %parallel_loop3A_1297 = tpu.vector_load %arg7[%parallel_loop3A_1294, %parallel_loop3A_1295, %parallel_loop3A_1296] {strides = array<i32>} : memref<4x128x128xf32, #tpu.memory_space<vmem>>, vector<16xf32>,
        %parallel_loop3A_1298 = arith.constant 8.000000e+00 : f32
        %parallel_loop3A_1299 = vector.broadcast %parallel_loop3A_1298 : f32 to vector<16xf32>
        %parallel_loop3A_1300 = arith.mulf %parallel_loop3A_1297, %parallel_loop3A_1299 : vector<16xf32>
        %parallel_loop3A_1301 = arith.addf %parallel_loop3A_1300, %get3A_418 : vector<16xf32>
        %parallel_loop3A_1302 = arith.constant 8 : i32
        %parallel_loop3A_1303 = vector.broadcast %parallel_loop3A_1302 : i32 to vector<16xi32>
        %parallel_loop3A_1304 = arith.addi %select_n3A_527, %parallel_loop3A_1303 : vector<16xi32>
        tpu.vector_store_idx %arg8[%parallel_loop3A_1304, %select_n3A_624, %parallel_loop3A_1268], %parallel_loop3A_1301 : memref<16x8x129xf32, #tpu.memory_space<vmem>>[vector<16xi32>, vector<16xi32>, vector<16xi32>], vector<16xf32>,
        %parallel_loop3A_1305 = arith.constant 1 : i32
        %parallel_loop3A_1306 = arith.index_cast %parallel_loop3A_1305 : i32 to index
        %parallel_loop3A_1307 = arith.index_cast %parallel_loop3A_1266 : i32 to index
        %parallel_loop3A_1308 = arith.constant 48 : index
        %parallel_loop3A_1309 = tpu.vector_load %arg7[%parallel_loop3A_1306, %parallel_loop3A_1307, %parallel_loop3A_1308] {strides = array<i32>} : memref<4x128x128xf32, #tpu.memory_space<vmem>>, vector<16xf32>,
        %parallel_loop3A_1310 = arith.constant 8.000000e+00 : f32
        %parallel_loop3A_1311 = vector.broadcast %parallel_loop3A_1310 : f32 to vector<16xf32>
        %parallel_loop3A_1312 = arith.mulf %parallel_loop3A_1309, %parallel_loop3A_1311 : vector<16xf32>
        %parallel_loop3A_1313 = arith.addf %parallel_loop3A_1312, %get3A_421 : vector<16xf32>
        %parallel_loop3A_1314 = arith.constant 8 : i32
        %parallel_loop3A_1315 = vector.broadcast %parallel_loop3A_1314 : i32 to vector<16xi32>
        %parallel_loop3A_1316 = arith.addi %select_n3A_558, %parallel_loop3A_1315 : vector<16xi32>
        tpu.vector_store_idx %arg8[%parallel_loop3A_1316, %select_n3A_646, %parallel_loop3A_1268], %parallel_loop3A_1313 : memref<16x8x129xf32, #tpu.memory_space<vmem>>[vector<16xi32>, vector<16xi32>, vector<16xi32>], vector<16xf32>,
      } {sc.loop_unroll_factor = 4 : i64, sc.parallel_access}
      %dma_start3A_653 = arith.constant 1 : i32
      %dma_start3A_654 = arith.constant 8 : i32
      %dma_start3A_655 = arith.constant 0 : i32
      %dma_start3A_656 = arith.constant 0 : i32
      %dma_start3A_657 = tpu.memref_slice %arg8[%dma_start3A_654, %dma_start3A_655, %dma_start3A_656] : memref<16x8x129xf32, #tpu.memory_space<vmem>> -> memref<8x8x128xf32, #tpu.memory_space<vmem>>
      %dma_start3A_658 = arith.constant 0 : i32
      %dma_start3A_659 = arith.constant 0 : i32
      %dma_start3A_660 = arith.constant 0 : i32
      %dma_start3A_661 = tpu.memref_slice %arg5[%add3A_379, %dma_start3A_658, %add3A, %dma_start3A_659, %dma_start3A_660] : memref<200x8x32x8x128xf32, #tpu.memory_space<hbm>> -> memref<1x8x1x8x128xf32, #tpu.memory_space<hbm>>
      %dma_start3A_662 = tpu.memref_squeeze %dma_start3A_661 : memref<1x8x1x8x128xf32, #tpu.memory_space<hbm>> -> memref<8x8x128xf32, #tpu.memory_space<hbm>>
      %dma_start3A_663 = tpu.memref_slice %arg11[%dma_start3A_653] : memref<2x!tpu.dma_semaphore, #tpu.memory_space<semaphore_mem>> -> memref<1x!tpu.dma_semaphore, #tpu.memory_space<semaphore_mem>>
      %dma_start3A_664 = tpu.memref_squeeze %dma_start3A_663 : memref<1x!tpu.dma_semaphore, #tpu.memory_space<semaphore_mem>> -> memref<!tpu.dma_semaphore, #tpu.memory_space<semaphore_mem>>
      %dma_start3A_665 = arith.constant 0 : i32
      %dma_start3A_666 = arith.constant 0 : i32
      %dma_start3A_667 = arith.constant 0 : i32
      %dma_start3A_668 = tpu.memref_slice %arg5[%add3A_379, %dma_start3A_665, %add3A, %dma_start3A_666, %dma_start3A_667] : memref<200x8x32x8x128xf32, #tpu.memory_space<hbm>> -> memref<1x8x1x8x128xf32, #tpu.memory_space<hbm>>
      %dma_start3A_669 = tpu.memref_squeeze %dma_start3A_668 : memref<1x8x1x8x128xf32, #tpu.memory_space<hbm>> -> memref<8x8x128xf32, #tpu.memory_space<hbm>>
      %dma_start3A_670 = arith.constant 8 : i32
      %dma_start3A_671 = arith.constant 0 : i32
      %dma_start3A_672 = arith.constant 0 : i32
      %dma_start3A_673 = tpu.memref_slice %arg8[%dma_start3A_670, %dma_start3A_671, %dma_start3A_672] : memref<16x8x129xf32, #tpu.memory_space<vmem>> -> memref<8x8x128xf32, #tpu.memory_space<vmem>>
      tpu.enqueue_dma source(%dma_start3A_673 : memref<8x8x128xf32, #tpu.memory_space<vmem>>) target(%dma_start3A_669 : memref<8x8x128xf32, #tpu.memory_space<hbm>>) target_semaphore(%dma_start3A_664 : memref<!tpu.dma_semaphore, #tpu.memory_space<semaphore_mem>>)
      %add3A_674 = arith.constant 2 : i32
      %add3A_675 = arith.addi %mul3A_97, %add3A_674 : i32
      %ge3A_676 = arith.constant 2 : i32
      %ge3A_677 = arith.cmpi sge, %add3A_675, %ge3A_676 : i32
      %convert_element_type3A_678 = arith.extui %ge3A_677 : i1 to i32
      %cond3A_679 = arith.constant 0 : i32
      %cond3A_680 = arith.cmpi ne, %convert_element_type3A_678, %cond3A_679 : i32
      scf.if %cond3A_680 {
        %dma_wait3A_1266 = arith.constant 0 : i32
        %dma_wait3A_1267 = arith.constant 0 : i32
        %dma_wait3A_1268 = arith.constant 0 : i32
        %dma_wait3A_1269 = arith.constant 0 : i32
        %dma_wait3A_1270 = arith.constant 0 : i32
        %dma_wait3A_1271 = arith.constant 0 : i32
        %dma_wait3A_1272 = tpu.memref_slice %arg8[%dma_wait3A_1269, %dma_wait3A_1270, %dma_wait3A_1271] : memref<16x8x129xf32, #tpu.memory_space<vmem>> -> memref<8x8x128xf32, #tpu.memory_space<vmem>>
        %dma_wait3A_1273 = arith.constant 0 : i32
        %dma_wait3A_1274 = arith.constant 0 : i32
        %dma_wait3A_1275 = arith.constant 0 : i32
        %dma_wait3A_1276 = tpu.memref_slice %arg5[%dma_wait3A_1266, %dma_wait3A_1273, %dma_wait3A_1267, %dma_wait3A_1274, %dma_wait3A_1275] : memref<200x8x32x8x128xf32, #tpu.memory_space<hbm>> -> memref<1x8x1x8x128xf32, #tpu.memory_space<hbm>>
        %dma_wait3A_1277 = tpu.memref_squeeze %dma_wait3A_1276 : memref<1x8x1x8x128xf32, #tpu.memory_space<hbm>> -> memref<8x8x128xf32, #tpu.memory_space<hbm>>
        %dma_wait3A_1278 = tpu.memref_slice %arg11[%dma_wait3A_1268] : memref<2x!tpu.dma_semaphore, #tpu.memory_space<semaphore_mem>> -> memref<1x!tpu.dma_semaphore, #tpu.memory_space<semaphore_mem>>
        %dma_wait3A_1279 = tpu.memref_squeeze %dma_wait3A_1278 : memref<1x!tpu.dma_semaphore, #tpu.memory_space<semaphore_mem>> -> memref<!tpu.dma_semaphore, #tpu.memory_space<semaphore_mem>>
        %dma_wait3A_1280 = arith.constant 0 : i32
        %dma_wait3A_1281 = arith.constant 0 : i32
        %dma_wait3A_1282 = arith.constant 0 : i32
        %dma_wait3A_1283 = tpu.memref_slice %arg5[%dma_wait3A_1266, %dma_wait3A_1280, %dma_wait3A_1267, %dma_wait3A_1281, %dma_wait3A_1282] : memref<200x8x32x8x128xf32, #tpu.memory_space<hbm>> -> memref<1x8x1x8x128xf32, #tpu.memory_space<hbm>>
        %dma_wait3A_1284 = tpu.memref_squeeze %dma_wait3A_1283 : memref<1x8x1x8x128xf32, #tpu.memory_space<hbm>> -> memref<8x8x128xf32, #tpu.memory_space<hbm>>
        %dma_wait3A_1285 = arith.constant 0 : i32
        %dma_wait3A_1286 = arith.constant 0 : i32
        %dma_wait3A_1287 = arith.constant 0 : i32
        %dma_wait3A_1288 = tpu.memref_slice %arg8[%dma_wait3A_1285, %dma_wait3A_1286, %dma_wait3A_1287] : memref<16x8x129xf32, #tpu.memory_space<vmem>> -> memref<8x8x128xf32, #tpu.memory_space<vmem>>
        tpu.wait_dma2 semaphore(%dma_wait3A_1279 : memref<!tpu.dma_semaphore, #tpu.memory_space<semaphore_mem>>) src(%dma_wait3A_1288 : memref<8x8x128xf32, #tpu.memory_space<vmem>>) dst(%dma_wait3A_1284 : memref<8x8x128xf32, #tpu.memory_space<hbm>>)
      } else {
      }
      %add3A_681 = arith.constant 3 : i32
      %add3A_682 = arith.addi %add3A_675, %add3A_681 : i32
      %lt3A_683 = arith.constant 200 : i32
      %lt3A_684 = arith.cmpi slt, %add3A_682, %lt3A_683 : i32
      %convert_element_type3A_685 = arith.extui %lt3A_684 : i1 to i32
      %cond3A_686 = arith.constant 0 : i32
      %cond3A_687 = arith.cmpi ne, %convert_element_type3A_685, %cond3A_686 : i32
      scf.if %cond3A_687 {
        %add3A_1266 = arith.constant 3 : i32
        %add3A_1267 = arith.addi %add3A_675, %add3A_1266 : i32
        %dma_start3A_1268 = arith.constant 1 : i32
        %dma_start3A_1269 = arith.constant 1 : i32
        %dma_start3A_1270 = arith.constant 0 : i32
        %dma_start3A_1271 = arith.constant 0 : i32
        %dma_start3A_1272 = tpu.memref_slice %arg7[%dma_start3A_1268, %dma_start3A_1270, %dma_start3A_1271] : memref<4x128x128xf32, #tpu.memory_space<vmem>> -> memref<1x128x128xf32, #tpu.memory_space<vmem>>
        %dma_start3A_1273 = tpu.memref_squeeze %dma_start3A_1272 : memref<1x128x128xf32, #tpu.memory_space<vmem>> -> memref<128x128xf32, #tpu.memory_space<vmem>>
        %dma_start3A_1274 = arith.constant 0 : i32
        %dma_start3A_1275 = tpu.memref_slice %arg6[%add3A_1267, %dma_start3A_1274] : memref<200x128xi32, #tpu.memory_space<vmem>> -> memref<1x128xi32, #tpu.memory_space<vmem>>
        %dma_start3A_1276 = tpu.memref_squeeze %dma_start3A_1275 : memref<1x128xi32, #tpu.memory_space<vmem>> -> memref<128xi32, #tpu.memory_space<vmem>>
        %dma_start3A_1277 = arith.constant 0 : i32
        %dma_start3A_1278 = arith.constant 0 : i32
        %dma_start3A_1279 = tpu.memref_slice %arg3[%dma_start3A_1277, %dma_start3A_1278] : memref<1000000x128xf32, #tpu.memory_space<hbm>> -> memref<1000000x128xf32, #tpu.memory_space<hbm>>
        %dma_start3A_1280 = tpu.memref_slice %arg10[%dma_start3A_1269] : memref<4x!tpu.dma_semaphore, #tpu.memory_space<semaphore_mem>> -> memref<1x!tpu.dma_semaphore, #tpu.memory_space<semaphore_mem>>
        %dma_start3A_1281 = tpu.memref_squeeze %dma_start3A_1280 : memref<1x!tpu.dma_semaphore, #tpu.memory_space<semaphore_mem>> -> memref<!tpu.dma_semaphore, #tpu.memory_space<semaphore_mem>>
        tpu.enqueue_indirect_dma source(%dma_start3A_1279 : memref<1000000x128xf32, #tpu.memory_space<hbm>>) target(%dma_start3A_1273 : memref<128x128xf32, #tpu.memory_space<vmem>>) offsets(%dma_start3A_1276 : memref<128xi32, #tpu.memory_space<vmem>>) semaphore(%dma_start3A_1281 : memref<!tpu.dma_semaphore, #tpu.memory_space<semaphore_mem>>)
      } else {
      }
      %dma_wait3A_688 = arith.constant 2 : i32
      %dma_wait3A_689 = arith.constant 2 : i32
      %dma_wait3A_690 = arith.constant 0 : i32
      %dma_wait3A_691 = arith.constant 0 : i32
      %dma_wait3A_692 = tpu.memref_slice %arg7[%dma_wait3A_688, %dma_wait3A_690, %dma_wait3A_691] : memref<4x128x128xf32, #tpu.memory_space<vmem>> -> memref<1x128x128xf32, #tpu.memory_space<vmem>>
      %dma_wait3A_693 = tpu.memref_squeeze %dma_wait3A_692 : memref<1x128x128xf32, #tpu.memory_space<vmem>> -> memref<128x128xf32, #tpu.memory_space<vmem>>
      %dma_wait3A_694 = arith.constant 0 : i32
      %dma_wait3A_695 = arith.constant 0 : i32
      %dma_wait3A_696 = tpu.memref_slice %arg3[%dma_wait3A_694, %dma_wait3A_695] : memref<1000000x128xf32, #tpu.memory_space<hbm>> -> memref<128x128xf32, #tpu.memory_space<hbm>>
      %dma_wait3A_697 = tpu.memref_slice %arg10[%dma_wait3A_689] : memref<4x!tpu.dma_semaphore, #tpu.memory_space<semaphore_mem>> -> memref<1x!tpu.dma_semaphore, #tpu.memory_space<semaphore_mem>>
      %dma_wait3A_698 = tpu.memref_squeeze %dma_wait3A_697 : memref<1x!tpu.dma_semaphore, #tpu.memory_space<semaphore_mem>> -> memref<!tpu.dma_semaphore, #tpu.memory_space<semaphore_mem>>
      %dma_wait3A_699 = arith.constant 0 : i32
      %dma_wait3A_700 = arith.constant 0 : i32
      %dma_wait3A_701 = tpu.memref_slice %arg7[%dma_wait3A_688, %dma_wait3A_699, %dma_wait3A_700] : memref<4x128x128xf32, #tpu.memory_space<vmem>> -> memref<1x128x128xf32, #tpu.memory_space<vmem>>
      %dma_wait3A_702 = tpu.memref_squeeze %dma_wait3A_701 : memref<1x128x128xf32, #tpu.memory_space<vmem>> -> memref<128x128xf32, #tpu.memory_space<vmem>>
      %dma_wait3A_703 = arith.constant 0 : i32
      %dma_wait3A_704 = arith.constant 0 : i32
      %dma_wait3A_705 = tpu.memref_slice %arg3[%dma_wait3A_703, %dma_wait3A_704] : memref<1000000x128xf32, #tpu.memory_space<hbm>> -> memref<128x128xf32, #tpu.memory_space<hbm>>
      tpu.wait_dma2 semaphore(%dma_wait3A_698 : memref<!tpu.dma_semaphore, #tpu.memory_space<semaphore_mem>>) src(%dma_wait3A_705 : memref<128x128xf32, #tpu.memory_space<hbm>>) dst(%dma_wait3A_702 : memref<128x128xf32, #tpu.memory_space<vmem>>)
      %get3A_706 = arith.index_cast %add3A_675 : i32 to index
      %get3A_707 = arith.constant 0 : index
      %get3A_708 = tpu.vector_load %arg9[%get3A_706, %get3A_707] {strides = array<i32>} : memref<200x64xf32, #tpu.memory_space<vmem>>, vector<16xf32>,
      %get3A_709 = arith.index_cast %add3A_675 : i32 to index
      %get3A_710 = arith.constant 16 : index
      %get3A_711 = tpu.vector_load %arg9[%get3A_709, %get3A_710] {strides = array<i32>} : memref<200x64xf32, #tpu.memory_space<vmem>>, vector<16xf32>,
      %get3A_712 = arith.index_cast %add3A_675 : i32 to index
      %get3A_713 = arith.constant 32 : index
      %get3A_714 = tpu.vector_load %arg9[%get3A_712, %get3A_713] {strides = array<i32>} : memref<200x64xf32, #tpu.memory_space<vmem>>, vector<16xf32>,
      %get3A_715 = arith.index_cast %add3A_675 : i32 to index
      %get3A_716 = arith.constant 48 : index
      %get3A_717 = tpu.vector_load %arg9[%get3A_715, %get3A_716] {strides = array<i32>} : memref<200x64xf32, #tpu.memory_space<vmem>>, vector<16xf32>,
      %iota3A_718 = tpu.iota {dimensions = array<i32: 0>} : vector<16xi32>
      %add3A_719 = arith.constant 0 : i32
      %add3A_720 = vector.broadcast %add3A_719 : i32 to vector<16xi32>
      %add3A_721 = arith.addi %iota3A_718, %add3A_720 : vector<16xi32>
      %add3A_722 = arith.constant 16 : i32
      %add3A_723 = vector.broadcast %add3A_722 : i32 to vector<16xi32>
      %add3A_724 = arith.addi %iota3A_718, %add3A_723 : vector<16xi32>
      %add3A_725 = arith.constant 32 : i32
      %add3A_726 = vector.broadcast %add3A_725 : i32 to vector<16xi32>
      %add3A_727 = arith.addi %iota3A_718, %add3A_726 : vector<16xi32>
      %add3A_728 = arith.constant 48 : i32
      %add3A_729 = vector.broadcast %add3A_728 : i32 to vector<16xi32>
      %add3A_730 = arith.addi %iota3A_718, %add3A_729 : vector<16xi32>
      %jit3A_731 = arith.constant 8 : i32
      %div3A_732 = vector.broadcast %jit3A_731 : i32 to vector<16xi32>
      %div3A_733 = arith.divsi %add3A_721, %div3A_732 : vector<16xi32>
      %sign3A_734 = arith.constant 0 : i32
      %sign3A_735 = vector.broadcast %sign3A_734 : i32 to vector<16xi32>
      %sign3A_736 = arith.cmpi sgt, %add3A_721, %sign3A_735 : vector<16xi32>
      %sign3A_737 = arith.extui %sign3A_736 : vector<16xi1> to vector<16xi32>
      %sign3A_738 = arith.constant 0 : i32
      %sign3A_739 = vector.broadcast %sign3A_738 : i32 to vector<16xi32>
      %sign3A_740 = arith.cmpi slt, %add3A_721, %sign3A_739 : vector<16xi32>
      %sign3A_741 = arith.extui %sign3A_740 : vector<16xi1> to vector<16xi32>
      %sign3A_742 = arith.subi %sign3A_737, %sign3A_741 : vector<16xi32>
      %sign3A_743 = arith.constant 0 : i32
      %sign3A_744 = arith.cmpi sgt, %jit3A_731, %sign3A_743 : i32
      %sign3A_745 = arith.extui %sign3A_744 : i1 to i32
      %sign3A_746 = arith.constant 0 : i32
      %sign3A_747 = arith.cmpi slt, %jit3A_731, %sign3A_746 : i32
      %sign3A_748 = arith.extui %sign3A_747 : i1 to i32
      %sign3A_749 = arith.subi %sign3A_745, %sign3A_748 : i32
      %ne3A_750 = vector.broadcast %sign3A_749 : i32 to vector<16xi32>
      %ne3A_751 = arith.cmpi ne, %sign3A_742, %ne3A_750 : vector<16xi32>
      %rem3A_752 = vector.broadcast %jit3A_731 : i32 to vector<16xi32>
      %rem3A_753 = arith.remsi %add3A_721, %rem3A_752 : vector<16xi32>
      %ne3A_754 = arith.constant 0 : i32
      %ne3A_755 = vector.broadcast %ne3A_754 : i32 to vector<16xi32>
      %ne3A_756 = arith.cmpi ne, %rem3A_753, %ne3A_755 : vector<16xi32>
      %and3A_757 = arith.andi %ne3A_751, %ne3A_756 : vector<16xi1>
      %sub3A_758 = arith.constant 1 : i32
      %sub3A_759 = vector.broadcast %sub3A_758 : i32 to vector<16xi32>
      %sub3A_760 = arith.subi %div3A_733, %sub3A_759 : vector<16xi32>
      %select_n3A_761 = arith.select %and3A_757, %sub3A_760, %div3A_733 : vector<16xi1>, vector<16xi32>
      %jit3A_762 = arith.constant 8 : i32
      %div3A_763 = vector.broadcast %jit3A_762 : i32 to vector<16xi32>
      %div3A_764 = arith.divsi %add3A_724, %div3A_763 : vector<16xi32>
      %sign3A_765 = arith.constant 0 : i32
      %sign3A_766 = vector.broadcast %sign3A_765 : i32 to vector<16xi32>
      %sign3A_767 = arith.cmpi sgt, %add3A_724, %sign3A_766 : vector<16xi32>
      %sign3A_768 = arith.extui %sign3A_767 : vector<16xi1> to vector<16xi32>
      %sign3A_769 = arith.constant 0 : i32
      %sign3A_770 = vector.broadcast %sign3A_769 : i32 to vector<16xi32>
      %sign3A_771 = arith.cmpi slt, %add3A_724, %sign3A_770 : vector<16xi32>
      %sign3A_772 = arith.extui %sign3A_771 : vector<16xi1> to vector<16xi32>
      %sign3A_773 = arith.subi %sign3A_768, %sign3A_772 : vector<16xi32>
      %sign3A_774 = arith.constant 0 : i32
      %sign3A_775 = arith.cmpi sgt, %jit3A_762, %sign3A_774 : i32
      %sign3A_776 = arith.extui %sign3A_775 : i1 to i32
      %sign3A_777 = arith.constant 0 : i32
      %sign3A_778 = arith.cmpi slt, %jit3A_762, %sign3A_777 : i32
      %sign3A_779 = arith.extui %sign3A_778 : i1 to i32
      %sign3A_780 = arith.subi %sign3A_776, %sign3A_779 : i32
      %ne3A_781 = vector.broadcast %sign3A_780 : i32 to vector<16xi32>
      %ne3A_782 = arith.cmpi ne, %sign3A_773, %ne3A_781 : vector<16xi32>
      %rem3A_783 = vector.broadcast %jit3A_762 : i32 to vector<16xi32>
      %rem3A_784 = arith.remsi %add3A_724, %rem3A_783 : vector<16xi32>
      %ne3A_785 = arith.constant 0 : i32
      %ne3A_786 = vector.broadcast %ne3A_785 : i32 to vector<16xi32>
      %ne3A_787 = arith.cmpi ne, %rem3A_784, %ne3A_786 : vector<16xi32>
      %and3A_788 = arith.andi %ne3A_782, %ne3A_787 : vector<16xi1>
      %sub3A_789 = arith.constant 1 : i32
      %sub3A_790 = vector.broadcast %sub3A_789 : i32 to vector<16xi32>
      %sub3A_791 = arith.subi %div3A_764, %sub3A_790 : vector<16xi32>
      %select_n3A_792 = arith.select %and3A_788, %sub3A_791, %div3A_764 : vector<16xi1>, vector<16xi32>
      %jit3A_793 = arith.constant 8 : i32
      %div3A_794 = vector.broadcast %jit3A_793 : i32 to vector<16xi32>
      %div3A_795 = arith.divsi %add3A_727, %div3A_794 : vector<16xi32>
      %sign3A_796 = arith.constant 0 : i32
      %sign3A_797 = vector.broadcast %sign3A_796 : i32 to vector<16xi32>
      %sign3A_798 = arith.cmpi sgt, %add3A_727, %sign3A_797 : vector<16xi32>
      %sign3A_799 = arith.extui %sign3A_798 : vector<16xi1> to vector<16xi32>
      %sign3A_800 = arith.constant 0 : i32
      %sign3A_801 = vector.broadcast %sign3A_800 : i32 to vector<16xi32>
      %sign3A_802 = arith.cmpi slt, %add3A_727, %sign3A_801 : vector<16xi32>
      %sign3A_803 = arith.extui %sign3A_802 : vector<16xi1> to vector<16xi32>
      %sign3A_804 = arith.subi %sign3A_799, %sign3A_803 : vector<16xi32>
      %sign3A_805 = arith.constant 0 : i32
      %sign3A_806 = arith.cmpi sgt, %jit3A_793, %sign3A_805 : i32
      %sign3A_807 = arith.extui %sign3A_806 : i1 to i32
      %sign3A_808 = arith.constant 0 : i32
      %sign3A_809 = arith.cmpi slt, %jit3A_793, %sign3A_808 : i32
      %sign3A_810 = arith.extui %sign3A_809 : i1 to i32
      %sign3A_811 = arith.subi %sign3A_807, %sign3A_810 : i32
      %ne3A_812 = vector.broadcast %sign3A_811 : i32 to vector<16xi32>
      %ne3A_813 = arith.cmpi ne, %sign3A_804, %ne3A_812 : vector<16xi32>
      %rem3A_814 = vector.broadcast %jit3A_793 : i32 to vector<16xi32>
      %rem3A_815 = arith.remsi %add3A_727, %rem3A_814 : vector<16xi32>
      %ne3A_816 = arith.constant 0 : i32
      %ne3A_817 = vector.broadcast %ne3A_816 : i32 to vector<16xi32>
      %ne3A_818 = arith.cmpi ne, %rem3A_815, %ne3A_817 : vector<16xi32>
      %and3A_819 = arith.andi %ne3A_813, %ne3A_818 : vector<16xi1>
      %sub3A_820 = arith.constant 1 : i32
      %sub3A_821 = vector.broadcast %sub3A_820 : i32 to vector<16xi32>
      %sub3A_822 = arith.subi %div3A_795, %sub3A_821 : vector<16xi32>
      %select_n3A_823 = arith.select %and3A_819, %sub3A_822, %div3A_795 : vector<16xi1>, vector<16xi32>
      %jit3A_824 = arith.constant 8 : i32
      %div3A_825 = vector.broadcast %jit3A_824 : i32 to vector<16xi32>
      %div3A_826 = arith.divsi %add3A_730, %div3A_825 : vector<16xi32>
      %sign3A_827 = arith.constant 0 : i32
      %sign3A_828 = vector.broadcast %sign3A_827 : i32 to vector<16xi32>
      %sign3A_829 = arith.cmpi sgt, %add3A_730, %sign3A_828 : vector<16xi32>
      %sign3A_830 = arith.extui %sign3A_829 : vector<16xi1> to vector<16xi32>
      %sign3A_831 = arith.constant 0 : i32
      %sign3A_832 = vector.broadcast %sign3A_831 : i32 to vector<16xi32>
      %sign3A_833 = arith.cmpi slt, %add3A_730, %sign3A_832 : vector<16xi32>
      %sign3A_834 = arith.extui %sign3A_833 : vector<16xi1> to vector<16xi32>
      %sign3A_835 = arith.subi %sign3A_830, %sign3A_834 : vector<16xi32>
      %sign3A_836 = arith.constant 0 : i32
      %sign3A_837 = arith.cmpi sgt, %jit3A_824, %sign3A_836 : i32
      %sign3A_838 = arith.extui %sign3A_837 : i1 to i32
      %sign3A_839 = arith.constant 0 : i32
      %sign3A_840 = arith.cmpi slt, %jit3A_824, %sign3A_839 : i32
      %sign3A_841 = arith.extui %sign3A_840 : i1 to i32
      %sign3A_842 = arith.subi %sign3A_838, %sign3A_841 : i32
      %ne3A_843 = vector.broadcast %sign3A_842 : i32 to vector<16xi32>
      %ne3A_844 = arith.cmpi ne, %sign3A_835, %ne3A_843 : vector<16xi32>
      %rem3A_845 = vector.broadcast %jit3A_824 : i32 to vector<16xi32>
      %rem3A_846 = arith.remsi %add3A_730, %rem3A_845 : vector<16xi32>
      %ne3A_847 = arith.constant 0 : i32
      %ne3A_848 = vector.broadcast %ne3A_847 : i32 to vector<16xi32>
      %ne3A_849 = arith.cmpi ne, %rem3A_846, %ne3A_848 : vector<16xi32>
      %and3A_850 = arith.andi %ne3A_844, %ne3A_849 : vector<16xi1>
      %sub3A_851 = arith.constant 1 : i32
      %sub3A_852 = vector.broadcast %sub3A_851 : i32 to vector<16xi32>
      %sub3A_853 = arith.subi %div3A_826, %sub3A_852 : vector<16xi32>
      %select_n3A_854 = arith.select %and3A_850, %sub3A_853, %div3A_826 : vector<16xi1>, vector<16xi32>
      %jit3A_855 = arith.constant 8 : i32
      %eq3A_856 = arith.constant 0 : i32
      %eq3A_857 = arith.cmpi eq, %jit3A_855, %eq3A_856 : i32
      %jit3A_858 = arith.constant 1 : i32
      %select_n3A_859 = arith.select %eq3A_857, %jit3A_858, %jit3A_855 : i32
      %rem3A_860 = vector.broadcast %select_n3A_859 : i32 to vector<16xi32>
      %rem3A_861 = arith.remsi %add3A_721, %rem3A_860 : vector<16xi32>
      %ne3A_862 = arith.constant 0 : i32
      %ne3A_863 = vector.broadcast %ne3A_862 : i32 to vector<16xi32>
      %ne3A_864 = arith.cmpi ne, %rem3A_861, %ne3A_863 : vector<16xi32>
      %lt3A_865 = arith.constant 0 : i32
      %lt3A_866 = vector.broadcast %lt3A_865 : i32 to vector<16xi32>
      %lt3A_867 = arith.cmpi slt, %rem3A_861, %lt3A_866 : vector<16xi32>
      %lt3A_868 = arith.constant 0 : i32
      %lt3A_869 = arith.cmpi slt, %select_n3A_859, %lt3A_868 : i32
      %ne3A_870 = vector.broadcast %lt3A_869 : i1 to vector<16xi1>
      %ne3A_871 = vector.broadcast %ne3A_870 : vector<16xi1> to vector<16xi1>
      %ne3A_872 = arith.xori %lt3A_867, %ne3A_871 : vector<16xi1>
      %and3A_873 = arith.andi %ne3A_872, %ne3A_864 : vector<16xi1>
      %add3A_874 = vector.broadcast %select_n3A_859 : i32 to vector<16xi32>
      %add3A_875 = arith.addi %rem3A_861, %add3A_874 : vector<16xi32>
      %select_n3A_876 = arith.select %and3A_873, %add3A_875, %rem3A_861 : vector<16xi1>, vector<16xi32>
      %jit3A_877 = arith.constant 8 : i32
      %eq3A_878 = arith.constant 0 : i32
      %eq3A_879 = arith.cmpi eq, %jit3A_877, %eq3A_878 : i32
      %jit3A_880 = arith.constant 1 : i32
      %select_n3A_881 = arith.select %eq3A_879, %jit3A_880, %jit3A_877 : i32
      %rem3A_882 = vector.broadcast %select_n3A_881 : i32 to vector<16xi32>
      %rem3A_883 = arith.remsi %add3A_724, %rem3A_882 : vector<16xi32>
      %ne3A_884 = arith.constant 0 : i32
      %ne3A_885 = vector.broadcast %ne3A_884 : i32 to vector<16xi32>
      %ne3A_886 = arith.cmpi ne, %rem3A_883, %ne3A_885 : vector<16xi32>
      %lt3A_887 = arith.constant 0 : i32
      %lt3A_888 = vector.broadcast %lt3A_887 : i32 to vector<16xi32>
      %lt3A_889 = arith.cmpi slt, %rem3A_883, %lt3A_888 : vector<16xi32>
      %lt3A_890 = arith.constant 0 : i32
      %lt3A_891 = arith.cmpi slt, %select_n3A_881, %lt3A_890 : i32
      %ne3A_892 = vector.broadcast %lt3A_891 : i1 to vector<16xi1>
      %ne3A_893 = vector.broadcast %ne3A_892 : vector<16xi1> to vector<16xi1>
      %ne3A_894 = arith.xori %lt3A_889, %ne3A_893 : vector<16xi1>
      %and3A_895 = arith.andi %ne3A_894, %ne3A_886 : vector<16xi1>
      %add3A_896 = vector.broadcast %select_n3A_881 : i32 to vector<16xi32>
      %add3A_897 = arith.addi %rem3A_883, %add3A_896 : vector<16xi32>
      %select_n3A_898 = arith.select %and3A_895, %add3A_897, %rem3A_883 : vector<16xi1>, vector<16xi32>
      %jit3A_899 = arith.constant 8 : i32
      %eq3A_900 = arith.constant 0 : i32
      %eq3A_901 = arith.cmpi eq, %jit3A_899, %eq3A_900 : i32
      %jit3A_902 = arith.constant 1 : i32
      %select_n3A_903 = arith.select %eq3A_901, %jit3A_902, %jit3A_899 : i32
      %rem3A_904 = vector.broadcast %select_n3A_903 : i32 to vector<16xi32>
      %rem3A_905 = arith.remsi %add3A_727, %rem3A_904 : vector<16xi32>
      %ne3A_906 = arith.constant 0 : i32
      %ne3A_907 = vector.broadcast %ne3A_906 : i32 to vector<16xi32>
      %ne3A_908 = arith.cmpi ne, %rem3A_905, %ne3A_907 : vector<16xi32>
      %lt3A_909 = arith.constant 0 : i32
      %lt3A_910 = vector.broadcast %lt3A_909 : i32 to vector<16xi32>
      %lt3A_911 = arith.cmpi slt, %rem3A_905, %lt3A_910 : vector<16xi32>
      %lt3A_912 = arith.constant 0 : i32
      %lt3A_913 = arith.cmpi slt, %select_n3A_903, %lt3A_912 : i32
      %ne3A_914 = vector.broadcast %lt3A_913 : i1 to vector<16xi1>
      %ne3A_915 = vector.broadcast %ne3A_914 : vector<16xi1> to vector<16xi1>
      %ne3A_916 = arith.xori %lt3A_911, %ne3A_915 : vector<16xi1>
      %and3A_917 = arith.andi %ne3A_916, %ne3A_908 : vector<16xi1>
      %add3A_918 = vector.broadcast %select_n3A_903 : i32 to vector<16xi32>
      %add3A_919 = arith.addi %rem3A_905, %add3A_918 : vector<16xi32>
      %select_n3A_920 = arith.select %and3A_917, %add3A_919, %rem3A_905 : vector<16xi1>, vector<16xi32>
      %jit3A_921 = arith.constant 8 : i32
      %eq3A_922 = arith.constant 0 : i32
      %eq3A_923 = arith.cmpi eq, %jit3A_921, %eq3A_922 : i32
      %jit3A_924 = arith.constant 1 : i32
      %select_n3A_925 = arith.select %eq3A_923, %jit3A_924, %jit3A_921 : i32
      %rem3A_926 = vector.broadcast %select_n3A_925 : i32 to vector<16xi32>
      %rem3A_927 = arith.remsi %add3A_730, %rem3A_926 : vector<16xi32>
      %ne3A_928 = arith.constant 0 : i32
      %ne3A_929 = vector.broadcast %ne3A_928 : i32 to vector<16xi32>
      %ne3A_930 = arith.cmpi ne, %rem3A_927, %ne3A_929 : vector<16xi32>
      %lt3A_931 = arith.constant 0 : i32
      %lt3A_932 = vector.broadcast %lt3A_931 : i32 to vector<16xi32>
      %lt3A_933 = arith.cmpi slt, %rem3A_927, %lt3A_932 : vector<16xi32>
      %lt3A_934 = arith.constant 0 : i32
      %lt3A_935 = arith.cmpi slt, %select_n3A_925, %lt3A_934 : i32
      %ne3A_936 = vector.broadcast %lt3A_935 : i1 to vector<16xi1>
      %ne3A_937 = vector.broadcast %ne3A_936 : vector<16xi1> to vector<16xi1>
      %ne3A_938 = arith.xori %lt3A_933, %ne3A_937 : vector<16xi1>
      %and3A_939 = arith.andi %ne3A_938, %ne3A_930 : vector<16xi1>
      %add3A_940 = vector.broadcast %select_n3A_925 : i32 to vector<16xi32>
      %add3A_941 = arith.addi %rem3A_927, %add3A_940 : vector<16xi32>
      %select_n3A_942 = arith.select %and3A_939, %add3A_941, %rem3A_927 : vector<16xi1>, vector<16xi32>
      %mul3A_943 = arith.constant 0 : i32
      %mul3A_944 = vector.broadcast %mul3A_943 : i32 to vector<16xi32>
      %mul3A_945 = arith.muli %iota3A_718, %mul3A_944 : vector<16xi32>
      %parallel_loop3A_946 = arith.constant 0 : i32
      %parallel_loop3A_947 = arith.constant 128 : i32
      %parallel_loop3A_948 = arith.constant 1 : i32
      scf.for %parallel_loop3A_1266 = %parallel_loop3A_946 to %parallel_loop3A_947 step %parallel_loop3A_948  : i32 {
        %parallel_loop3A_1267 = vector.broadcast %parallel_loop3A_1266 : i32 to vector<16xi32>
        %parallel_loop3A_1268 = arith.addi %mul3A_945, %parallel_loop3A_1267 : vector<16xi32>
        %parallel_loop3A_1269 = arith.constant 2 : i32
        %parallel_loop3A_1270 = arith.index_cast %parallel_loop3A_1269 : i32 to index
        %parallel_loop3A_1271 = arith.index_cast %parallel_loop3A_1266 : i32 to index
        %parallel_loop3A_1272 = arith.constant 0 : index
        %parallel_loop3A_1273 = tpu.vector_load %arg7[%parallel_loop3A_1270, %parallel_loop3A_1271, %parallel_loop3A_1272] {strides = array<i32>} : memref<4x128x128xf32, #tpu.memory_space<vmem>>, vector<16xf32>,
        %parallel_loop3A_1274 = arith.constant 8.000000e+00 : f32
        %parallel_loop3A_1275 = vector.broadcast %parallel_loop3A_1274 : f32 to vector<16xf32>
        %parallel_loop3A_1276 = arith.mulf %parallel_loop3A_1273, %parallel_loop3A_1275 : vector<16xf32>
        %parallel_loop3A_1277 = arith.addf %parallel_loop3A_1276, %get3A_708 : vector<16xf32>
        %parallel_loop3A_1278 = arith.constant 0 : i32
        %parallel_loop3A_1279 = vector.broadcast %parallel_loop3A_1278 : i32 to vector<16xi32>
        %parallel_loop3A_1280 = arith.addi %select_n3A_761, %parallel_loop3A_1279 : vector<16xi32>
        tpu.vector_store_idx %arg8[%parallel_loop3A_1280, %select_n3A_876, %parallel_loop3A_1268], %parallel_loop3A_1277 : memref<16x8x129xf32, #tpu.memory_space<vmem>>[vector<16xi32>, vector<16xi32>, vector<16xi32>], vector<16xf32>,
        %parallel_loop3A_1281 = arith.constant 2 : i32
        %parallel_loop3A_1282 = arith.index_cast %parallel_loop3A_1281 : i32 to index
        %parallel_loop3A_1283 = arith.index_cast %parallel_loop3A_1266 : i32 to index
        %parallel_loop3A_1284 = arith.constant 16 : index
        %parallel_loop3A_1285 = tpu.vector_load %arg7[%parallel_loop3A_1282, %parallel_loop3A_1283, %parallel_loop3A_1284] {strides = array<i32>} : memref<4x128x128xf32, #tpu.memory_space<vmem>>, vector<16xf32>,
        %parallel_loop3A_1286 = arith.constant 8.000000e+00 : f32
        %parallel_loop3A_1287 = vector.broadcast %parallel_loop3A_1286 : f32 to vector<16xf32>
        %parallel_loop3A_1288 = arith.mulf %parallel_loop3A_1285, %parallel_loop3A_1287 : vector<16xf32>
        %parallel_loop3A_1289 = arith.addf %parallel_loop3A_1288, %get3A_711 : vector<16xf32>
        %parallel_loop3A_1290 = arith.constant 0 : i32
        %parallel_loop3A_1291 = vector.broadcast %parallel_loop3A_1290 : i32 to vector<16xi32>
        %parallel_loop3A_1292 = arith.addi %select_n3A_792, %parallel_loop3A_1291 : vector<16xi32>
        tpu.vector_store_idx %arg8[%parallel_loop3A_1292, %select_n3A_898, %parallel_loop3A_1268], %parallel_loop3A_1289 : memref<16x8x129xf32, #tpu.memory_space<vmem>>[vector<16xi32>, vector<16xi32>, vector<16xi32>], vector<16xf32>,
        %parallel_loop3A_1293 = arith.constant 2 : i32
        %parallel_loop3A_1294 = arith.index_cast %parallel_loop3A_1293 : i32 to index
        %parallel_loop3A_1295 = arith.index_cast %parallel_loop3A_1266 : i32 to index
        %parallel_loop3A_1296 = arith.constant 32 : index
        %parallel_loop3A_1297 = tpu.vector_load %arg7[%parallel_loop3A_1294, %parallel_loop3A_1295, %parallel_loop3A_1296] {strides = array<i32>} : memref<4x128x128xf32, #tpu.memory_space<vmem>>, vector<16xf32>,
        %parallel_loop3A_1298 = arith.constant 8.000000e+00 : f32
        %parallel_loop3A_1299 = vector.broadcast %parallel_loop3A_1298 : f32 to vector<16xf32>
        %parallel_loop3A_1300 = arith.mulf %parallel_loop3A_1297, %parallel_loop3A_1299 : vector<16xf32>
        %parallel_loop3A_1301 = arith.addf %parallel_loop3A_1300, %get3A_714 : vector<16xf32>
        %parallel_loop3A_1302 = arith.constant 0 : i32
        %parallel_loop3A_1303 = vector.broadcast %parallel_loop3A_1302 : i32 to vector<16xi32>
        %parallel_loop3A_1304 = arith.addi %select_n3A_823, %parallel_loop3A_1303 : vector<16xi32>
        tpu.vector_store_idx %arg8[%parallel_loop3A_1304, %select_n3A_920, %parallel_loop3A_1268], %parallel_loop3A_1301 : memref<16x8x129xf32, #tpu.memory_space<vmem>>[vector<16xi32>, vector<16xi32>, vector<16xi32>], vector<16xf32>,
        %parallel_loop3A_1305 = arith.constant 2 : i32
        %parallel_loop3A_1306 = arith.index_cast %parallel_loop3A_1305 : i32 to index
        %parallel_loop3A_1307 = arith.index_cast %parallel_loop3A_1266 : i32 to index
        %parallel_loop3A_1308 = arith.constant 48 : index
        %parallel_loop3A_1309 = tpu.vector_load %arg7[%parallel_loop3A_1306, %parallel_loop3A_1307, %parallel_loop3A_1308] {strides = array<i32>} : memref<4x128x128xf32, #tpu.memory_space<vmem>>, vector<16xf32>,
        %parallel_loop3A_1310 = arith.constant 8.000000e+00 : f32
        %parallel_loop3A_1311 = vector.broadcast %parallel_loop3A_1310 : f32 to vector<16xf32>
        %parallel_loop3A_1312 = arith.mulf %parallel_loop3A_1309, %parallel_loop3A_1311 : vector<16xf32>
        %parallel_loop3A_1313 = arith.addf %parallel_loop3A_1312, %get3A_717 : vector<16xf32>
        %parallel_loop3A_1314 = arith.constant 0 : i32
        %parallel_loop3A_1315 = vector.broadcast %parallel_loop3A_1314 : i32 to vector<16xi32>
        %parallel_loop3A_1316 = arith.addi %select_n3A_854, %parallel_loop3A_1315 : vector<16xi32>
        tpu.vector_store_idx %arg8[%parallel_loop3A_1316, %select_n3A_942, %parallel_loop3A_1268], %parallel_loop3A_1313 : memref<16x8x129xf32, #tpu.memory_space<vmem>>[vector<16xi32>, vector<16xi32>, vector<16xi32>], vector<16xf32>,
      } {sc.loop_unroll_factor = 4 : i64, sc.parallel_access}
      %dma_start3A_949 = arith.constant 0 : i32
      %dma_start3A_950 = arith.constant 0 : i32
      %dma_start3A_951 = arith.constant 0 : i32
      %dma_start3A_952 = arith.constant 0 : i32
      %dma_start3A_953 = tpu.memref_slice %arg8[%dma_start3A_950, %dma_start3A_951, %dma_start3A_952] : memref<16x8x129xf32, #tpu.memory_space<vmem>> -> memref<8x8x128xf32, #tpu.memory_space<vmem>>
      %dma_start3A_954 = arith.constant 0 : i32
      %dma_start3A_955 = arith.constant 0 : i32
      %dma_start3A_956 = arith.constant 0 : i32
      %dma_start3A_957 = tpu.memref_slice %arg5[%add3A_675, %dma_start3A_954, %add3A, %dma_start3A_955, %dma_start3A_956] : memref<200x8x32x8x128xf32, #tpu.memory_space<hbm>> -> memref<1x8x1x8x128xf32, #tpu.memory_space<hbm>>
      %dma_start3A_958 = tpu.memref_squeeze %dma_start3A_957 : memref<1x8x1x8x128xf32, #tpu.memory_space<hbm>> -> memref<8x8x128xf32, #tpu.memory_space<hbm>>
      %dma_start3A_959 = tpu.memref_slice %arg11[%dma_start3A_949] : memref<2x!tpu.dma_semaphore, #tpu.memory_space<semaphore_mem>> -> memref<1x!tpu.dma_semaphore, #tpu.memory_space<semaphore_mem>>
      %dma_start3A_960 = tpu.memref_squeeze %dma_start3A_959 : memref<1x!tpu.dma_semaphore, #tpu.memory_space<semaphore_mem>> -> memref<!tpu.dma_semaphore, #tpu.memory_space<semaphore_mem>>
      %dma_start3A_961 = arith.constant 0 : i32
      %dma_start3A_962 = arith.constant 0 : i32
      %dma_start3A_963 = arith.constant 0 : i32
      %dma_start3A_964 = tpu.memref_slice %arg5[%add3A_675, %dma_start3A_961, %add3A, %dma_start3A_962, %dma_start3A_963] : memref<200x8x32x8x128xf32, #tpu.memory_space<hbm>> -> memref<1x8x1x8x128xf32, #tpu.memory_space<hbm>>
      %dma_start3A_965 = tpu.memref_squeeze %dma_start3A_964 : memref<1x8x1x8x128xf32, #tpu.memory_space<hbm>> -> memref<8x8x128xf32, #tpu.memory_space<hbm>>
      %dma_start3A_966 = arith.constant 0 : i32
      %dma_start3A_967 = arith.constant 0 : i32
      %dma_start3A_968 = arith.constant 0 : i32
      %dma_start3A_969 = tpu.memref_slice %arg8[%dma_start3A_966, %dma_start3A_967, %dma_start3A_968] : memref<16x8x129xf32, #tpu.memory_space<vmem>> -> memref<8x8x128xf32, #tpu.memory_space<vmem>>
      tpu.enqueue_dma source(%dma_start3A_969 : memref<8x8x128xf32, #tpu.memory_space<vmem>>) target(%dma_start3A_965 : memref<8x8x128xf32, #tpu.memory_space<hbm>>) target_semaphore(%dma_start3A_960 : memref<!tpu.dma_semaphore, #tpu.memory_space<semaphore_mem>>)
      %add3A_970 = arith.constant 3 : i32
      %add3A_971 = arith.addi %mul3A_97, %add3A_970 : i32
      %ge3A_972 = arith.constant 2 : i32
      %ge3A_973 = arith.cmpi sge, %add3A_971, %ge3A_972 : i32
      %convert_element_type3A_974 = arith.extui %ge3A_973 : i1 to i32
      %cond3A_975 = arith.constant 0 : i32
      %cond3A_976 = arith.cmpi ne, %convert_element_type3A_974, %cond3A_975 : i32
      scf.if %cond3A_976 {
        %dma_wait3A_1266 = arith.constant 0 : i32
        %dma_wait3A_1267 = arith.constant 0 : i32
        %dma_wait3A_1268 = arith.constant 1 : i32
        %dma_wait3A_1269 = arith.constant 8 : i32
        %dma_wait3A_1270 = arith.constant 0 : i32
        %dma_wait3A_1271 = arith.constant 0 : i32
        %dma_wait3A_1272 = tpu.memref_slice %arg8[%dma_wait3A_1269, %dma_wait3A_1270, %dma_wait3A_1271] : memref<16x8x129xf32, #tpu.memory_space<vmem>> -> memref<8x8x128xf32, #tpu.memory_space<vmem>>
        %dma_wait3A_1273 = arith.constant 0 : i32
        %dma_wait3A_1274 = arith.constant 0 : i32
        %dma_wait3A_1275 = arith.constant 0 : i32
        %dma_wait3A_1276 = tpu.memref_slice %arg5[%dma_wait3A_1266, %dma_wait3A_1273, %dma_wait3A_1267, %dma_wait3A_1274, %dma_wait3A_1275] : memref<200x8x32x8x128xf32, #tpu.memory_space<hbm>> -> memref<1x8x1x8x128xf32, #tpu.memory_space<hbm>>
        %dma_wait3A_1277 = tpu.memref_squeeze %dma_wait3A_1276 : memref<1x8x1x8x128xf32, #tpu.memory_space<hbm>> -> memref<8x8x128xf32, #tpu.memory_space<hbm>>
        %dma_wait3A_1278 = tpu.memref_slice %arg11[%dma_wait3A_1268] : memref<2x!tpu.dma_semaphore, #tpu.memory_space<semaphore_mem>> -> memref<1x!tpu.dma_semaphore, #tpu.memory_space<semaphore_mem>>
        %dma_wait3A_1279 = tpu.memref_squeeze %dma_wait3A_1278 : memref<1x!tpu.dma_semaphore, #tpu.memory_space<semaphore_mem>> -> memref<!tpu.dma_semaphore, #tpu.memory_space<semaphore_mem>>
        %dma_wait3A_1280 = arith.constant 0 : i32
        %dma_wait3A_1281 = arith.constant 0 : i32
        %dma_wait3A_1282 = arith.constant 0 : i32
        %dma_wait3A_1283 = tpu.memref_slice %arg5[%dma_wait3A_1266, %dma_wait3A_1280, %dma_wait3A_1267, %dma_wait3A_1281, %dma_wait3A_1282] : memref<200x8x32x8x128xf32, #tpu.memory_space<hbm>> -> memref<1x8x1x8x128xf32, #tpu.memory_space<hbm>>
        %dma_wait3A_1284 = tpu.memref_squeeze %dma_wait3A_1283 : memref<1x8x1x8x128xf32, #tpu.memory_space<hbm>> -> memref<8x8x128xf32, #tpu.memory_space<hbm>>
        %dma_wait3A_1285 = arith.constant 8 : i32
        %dma_wait3A_1286 = arith.constant 0 : i32
        %dma_wait3A_1287 = arith.constant 0 : i32
        %dma_wait3A_1288 = tpu.memref_slice %arg8[%dma_wait3A_1285, %dma_wait3A_1286, %dma_wait3A_1287] : memref<16x8x129xf32, #tpu.memory_space<vmem>> -> memref<8x8x128xf32, #tpu.memory_space<vmem>>
        tpu.wait_dma2 semaphore(%dma_wait3A_1279 : memref<!tpu.dma_semaphore, #tpu.memory_space<semaphore_mem>>) src(%dma_wait3A_1288 : memref<8x8x128xf32, #tpu.memory_space<vmem>>) dst(%dma_wait3A_1284 : memref<8x8x128xf32, #tpu.memory_space<hbm>>)
      } else {
      }
      %add3A_977 = arith.constant 3 : i32
      %add3A_978 = arith.addi %add3A_971, %add3A_977 : i32
      %lt3A_979 = arith.constant 200 : i32
      %lt3A_980 = arith.cmpi slt, %add3A_978, %lt3A_979 : i32
      %convert_element_type3A_981 = arith.extui %lt3A_980 : i1 to i32
      %cond3A_982 = arith.constant 0 : i32
      %cond3A_983 = arith.cmpi ne, %convert_element_type3A_981, %cond3A_982 : i32
      scf.if %cond3A_983 {
        %add3A_1266 = arith.constant 3 : i32
        %add3A_1267 = arith.addi %add3A_971, %add3A_1266 : i32
        %dma_start3A_1268 = arith.constant 2 : i32
        %dma_start3A_1269 = arith.constant 2 : i32
        %dma_start3A_1270 = arith.constant 0 : i32
        %dma_start3A_1271 = arith.constant 0 : i32
        %dma_start3A_1272 = tpu.memref_slice %arg7[%dma_start3A_1268, %dma_start3A_1270, %dma_start3A_1271] : memref<4x128x128xf32, #tpu.memory_space<vmem>> -> memref<1x128x128xf32, #tpu.memory_space<vmem>>
        %dma_start3A_1273 = tpu.memref_squeeze %dma_start3A_1272 : memref<1x128x128xf32, #tpu.memory_space<vmem>> -> memref<128x128xf32, #tpu.memory_space<vmem>>
        %dma_start3A_1274 = arith.constant 0 : i32
        %dma_start3A_1275 = tpu.memref_slice %arg6[%add3A_1267, %dma_start3A_1274] : memref<200x128xi32, #tpu.memory_space<vmem>> -> memref<1x128xi32, #tpu.memory_space<vmem>>
        %dma_start3A_1276 = tpu.memref_squeeze %dma_start3A_1275 : memref<1x128xi32, #tpu.memory_space<vmem>> -> memref<128xi32, #tpu.memory_space<vmem>>
        %dma_start3A_1277 = arith.constant 0 : i32
        %dma_start3A_1278 = arith.constant 0 : i32
        %dma_start3A_1279 = tpu.memref_slice %arg3[%dma_start3A_1277, %dma_start3A_1278] : memref<1000000x128xf32, #tpu.memory_space<hbm>> -> memref<1000000x128xf32, #tpu.memory_space<hbm>>
        %dma_start3A_1280 = tpu.memref_slice %arg10[%dma_start3A_1269] : memref<4x!tpu.dma_semaphore, #tpu.memory_space<semaphore_mem>> -> memref<1x!tpu.dma_semaphore, #tpu.memory_space<semaphore_mem>>
        %dma_start3A_1281 = tpu.memref_squeeze %dma_start3A_1280 : memref<1x!tpu.dma_semaphore, #tpu.memory_space<semaphore_mem>> -> memref<!tpu.dma_semaphore, #tpu.memory_space<semaphore_mem>>
        tpu.enqueue_indirect_dma source(%dma_start3A_1279 : memref<1000000x128xf32, #tpu.memory_space<hbm>>) target(%dma_start3A_1273 : memref<128x128xf32, #tpu.memory_space<vmem>>) offsets(%dma_start3A_1276 : memref<128xi32, #tpu.memory_space<vmem>>) semaphore(%dma_start3A_1281 : memref<!tpu.dma_semaphore, #tpu.memory_space<semaphore_mem>>)
      } else {
      }
      %dma_wait3A_984 = arith.constant 3 : i32
      %dma_wait3A_985 = arith.constant 3 : i32
      %dma_wait3A_986 = arith.constant 0 : i32
      %dma_wait3A_987 = arith.constant 0 : i32
      %dma_wait3A_988 = tpu.memref_slice %arg7[%dma_wait3A_984, %dma_wait3A_986, %dma_wait3A_987] : memref<4x128x128xf32, #tpu.memory_space<vmem>> -> memref<1x128x128xf32, #tpu.memory_space<vmem>>
      %dma_wait3A_989 = tpu.memref_squeeze %dma_wait3A_988 : memref<1x128x128xf32, #tpu.memory_space<vmem>> -> memref<128x128xf32, #tpu.memory_space<vmem>>
      %dma_wait3A_990 = arith.constant 0 : i32
      %dma_wait3A_991 = arith.constant 0 : i32
      %dma_wait3A_992 = tpu.memref_slice %arg3[%dma_wait3A_990, %dma_wait3A_991] : memref<1000000x128xf32, #tpu.memory_space<hbm>> -> memref<128x128xf32, #tpu.memory_space<hbm>>
      %dma_wait3A_993 = tpu.memref_slice %arg10[%dma_wait3A_985] : memref<4x!tpu.dma_semaphore, #tpu.memory_space<semaphore_mem>> -> memref<1x!tpu.dma_semaphore, #tpu.memory_space<semaphore_mem>>
      %dma_wait3A_994 = tpu.memref_squeeze %dma_wait3A_993 : memref<1x!tpu.dma_semaphore, #tpu.memory_space<semaphore_mem>> -> memref<!tpu.dma_semaphore, #tpu.memory_space<semaphore_mem>>
      %dma_wait3A_995 = arith.constant 0 : i32
      %dma_wait3A_996 = arith.constant 0 : i32
      %dma_wait3A_997 = tpu.memref_slice %arg7[%dma_wait3A_984, %dma_wait3A_995, %dma_wait3A_996] : memref<4x128x128xf32, #tpu.memory_space<vmem>> -> memref<1x128x128xf32, #tpu.memory_space<vmem>>
      %dma_wait3A_998 = tpu.memref_squeeze %dma_wait3A_997 : memref<1x128x128xf32, #tpu.memory_space<vmem>> -> memref<128x128xf32, #tpu.memory_space<vmem>>
      %dma_wait3A_999 = arith.constant 0 : i32
      %dma_wait3A_1000 = arith.constant 0 : i32
      %dma_wait3A_1001 = tpu.memref_slice %arg3[%dma_wait3A_999, %dma_wait3A_1000] : memref<1000000x128xf32, #tpu.memory_space<hbm>> -> memref<128x128xf32, #tpu.memory_space<hbm>>
      tpu.wait_dma2 semaphore(%dma_wait3A_994 : memref<!tpu.dma_semaphore, #tpu.memory_space<semaphore_mem>>) src(%dma_wait3A_1001 : memref<128x128xf32, #tpu.memory_space<hbm>>) dst(%dma_wait3A_998 : memref<128x128xf32, #tpu.memory_space<vmem>>)
      %get3A_1002 = arith.index_cast %add3A_971 : i32 to index
      %get3A_1003 = arith.constant 0 : index
      %get3A_1004 = tpu.vector_load %arg9[%get3A_1002, %get3A_1003] {strides = array<i32>} : memref<200x64xf32, #tpu.memory_space<vmem>>, vector<16xf32>,
      %get3A_1005 = arith.index_cast %add3A_971 : i32 to index
      %get3A_1006 = arith.constant 16 : index
      %get3A_1007 = tpu.vector_load %arg9[%get3A_1005, %get3A_1006] {strides = array<i32>} : memref<200x64xf32, #tpu.memory_space<vmem>>, vector<16xf32>,
      %get3A_1008 = arith.index_cast %add3A_971 : i32 to index
      %get3A_1009 = arith.constant 32 : index
      %get3A_1010 = tpu.vector_load %arg9[%get3A_1008, %get3A_1009] {strides = array<i32>} : memref<200x64xf32, #tpu.memory_space<vmem>>, vector<16xf32>,
      %get3A_1011 = arith.index_cast %add3A_971 : i32 to index
      %get3A_1012 = arith.constant 48 : index
      %get3A_1013 = tpu.vector_load %arg9[%get3A_1011, %get3A_1012] {strides = array<i32>} : memref<200x64xf32, #tpu.memory_space<vmem>>, vector<16xf32>,
      %iota3A_1014 = tpu.iota {dimensions = array<i32: 0>} : vector<16xi32>
      %add3A_1015 = arith.constant 0 : i32
      %add3A_1016 = vector.broadcast %add3A_1015 : i32 to vector<16xi32>
      %add3A_1017 = arith.addi %iota3A_1014, %add3A_1016 : vector<16xi32>
      %add3A_1018 = arith.constant 16 : i32
      %add3A_1019 = vector.broadcast %add3A_1018 : i32 to vector<16xi32>
      %add3A_1020 = arith.addi %iota3A_1014, %add3A_1019 : vector<16xi32>
      %add3A_1021 = arith.constant 32 : i32
      %add3A_1022 = vector.broadcast %add3A_1021 : i32 to vector<16xi32>
      %add3A_1023 = arith.addi %iota3A_1014, %add3A_1022 : vector<16xi32>
      %add3A_1024 = arith.constant 48 : i32
      %add3A_1025 = vector.broadcast %add3A_1024 : i32 to vector<16xi32>
      %add3A_1026 = arith.addi %iota3A_1014, %add3A_1025 : vector<16xi32>
      %jit3A_1027 = arith.constant 8 : i32
      %div3A_1028 = vector.broadcast %jit3A_1027 : i32 to vector<16xi32>
      %div3A_1029 = arith.divsi %add3A_1017, %div3A_1028 : vector<16xi32>
      %sign3A_1030 = arith.constant 0 : i32
      %sign3A_1031 = vector.broadcast %sign3A_1030 : i32 to vector<16xi32>
      %sign3A_1032 = arith.cmpi sgt, %add3A_1017, %sign3A_1031 : vector<16xi32>
      %sign3A_1033 = arith.extui %sign3A_1032 : vector<16xi1> to vector<16xi32>
      %sign3A_1034 = arith.constant 0 : i32
      %sign3A_1035 = vector.broadcast %sign3A_1034 : i32 to vector<16xi32>
      %sign3A_1036 = arith.cmpi slt, %add3A_1017, %sign3A_1035 : vector<16xi32>
      %sign3A_1037 = arith.extui %sign3A_1036 : vector<16xi1> to vector<16xi32>
      %sign3A_1038 = arith.subi %sign3A_1033, %sign3A_1037 : vector<16xi32>
      %sign3A_1039 = arith.constant 0 : i32
      %sign3A_1040 = arith.cmpi sgt, %jit3A_1027, %sign3A_1039 : i32
      %sign3A_1041 = arith.extui %sign3A_1040 : i1 to i32
      %sign3A_1042 = arith.constant 0 : i32
      %sign3A_1043 = arith.cmpi slt, %jit3A_1027, %sign3A_1042 : i32
      %sign3A_1044 = arith.extui %sign3A_1043 : i1 to i32
      %sign3A_1045 = arith.subi %sign3A_1041, %sign3A_1044 : i32
      %ne3A_1046 = vector.broadcast %sign3A_1045 : i32 to vector<16xi32>
      %ne3A_1047 = arith.cmpi ne, %sign3A_1038, %ne3A_1046 : vector<16xi32>
      %rem3A_1048 = vector.broadcast %jit3A_1027 : i32 to vector<16xi32>
      %rem3A_1049 = arith.remsi %add3A_1017, %rem3A_1048 : vector<16xi32>
      %ne3A_1050 = arith.constant 0 : i32
      %ne3A_1051 = vector.broadcast %ne3A_1050 : i32 to vector<16xi32>
      %ne3A_1052 = arith.cmpi ne, %rem3A_1049, %ne3A_1051 : vector<16xi32>
      %and3A_1053 = arith.andi %ne3A_1047, %ne3A_1052 : vector<16xi1>
      %sub3A_1054 = arith.constant 1 : i32
      %sub3A_1055 = vector.broadcast %sub3A_1054 : i32 to vector<16xi32>
      %sub3A_1056 = arith.subi %div3A_1029, %sub3A_1055 : vector<16xi32>
      %select_n3A_1057 = arith.select %and3A_1053, %sub3A_1056, %div3A_1029 : vector<16xi1>, vector<16xi32>
      %jit3A_1058 = arith.constant 8 : i32
      %div3A_1059 = vector.broadcast %jit3A_1058 : i32 to vector<16xi32>
      %div3A_1060 = arith.divsi %add3A_1020, %div3A_1059 : vector<16xi32>
      %sign3A_1061 = arith.constant 0 : i32
      %sign3A_1062 = vector.broadcast %sign3A_1061 : i32 to vector<16xi32>
      %sign3A_1063 = arith.cmpi sgt, %add3A_1020, %sign3A_1062 : vector<16xi32>
      %sign3A_1064 = arith.extui %sign3A_1063 : vector<16xi1> to vector<16xi32>
      %sign3A_1065 = arith.constant 0 : i32
      %sign3A_1066 = vector.broadcast %sign3A_1065 : i32 to vector<16xi32>
      %sign3A_1067 = arith.cmpi slt, %add3A_1020, %sign3A_1066 : vector<16xi32>
      %sign3A_1068 = arith.extui %sign3A_1067 : vector<16xi1> to vector<16xi32>
      %sign3A_1069 = arith.subi %sign3A_1064, %sign3A_1068 : vector<16xi32>
      %sign3A_1070 = arith.constant 0 : i32
      %sign3A_1071 = arith.cmpi sgt, %jit3A_1058, %sign3A_1070 : i32
      %sign3A_1072 = arith.extui %sign3A_1071 : i1 to i32
      %sign3A_1073 = arith.constant 0 : i32
      %sign3A_1074 = arith.cmpi slt, %jit3A_1058, %sign3A_1073 : i32
      %sign3A_1075 = arith.extui %sign3A_1074 : i1 to i32
      %sign3A_1076 = arith.subi %sign3A_1072, %sign3A_1075 : i32
      %ne3A_1077 = vector.broadcast %sign3A_1076 : i32 to vector<16xi32>
      %ne3A_1078 = arith.cmpi ne, %sign3A_1069, %ne3A_1077 : vector<16xi32>
      %rem3A_1079 = vector.broadcast %jit3A_1058 : i32 to vector<16xi32>
      %rem3A_1080 = arith.remsi %add3A_1020, %rem3A_1079 : vector<16xi32>
      %ne3A_1081 = arith.constant 0 : i32
      %ne3A_1082 = vector.broadcast %ne3A_1081 : i32 to vector<16xi32>
      %ne3A_1083 = arith.cmpi ne, %rem3A_1080, %ne3A_1082 : vector<16xi32>
      %and3A_1084 = arith.andi %ne3A_1078, %ne3A_1083 : vector<16xi1>
      %sub3A_1085 = arith.constant 1 : i32
      %sub3A_1086 = vector.broadcast %sub3A_1085 : i32 to vector<16xi32>
      %sub3A_1087 = arith.subi %div3A_1060, %sub3A_1086 : vector<16xi32>
      %select_n3A_1088 = arith.select %and3A_1084, %sub3A_1087, %div3A_1060 : vector<16xi1>, vector<16xi32>
      %jit3A_1089 = arith.constant 8 : i32
      %div3A_1090 = vector.broadcast %jit3A_1089 : i32 to vector<16xi32>
      %div3A_1091 = arith.divsi %add3A_1023, %div3A_1090 : vector<16xi32>
      %sign3A_1092 = arith.constant 0 : i32
      %sign3A_1093 = vector.broadcast %sign3A_1092 : i32 to vector<16xi32>
      %sign3A_1094 = arith.cmpi sgt, %add3A_1023, %sign3A_1093 : vector<16xi32>
      %sign3A_1095 = arith.extui %sign3A_1094 : vector<16xi1> to vector<16xi32>
      %sign3A_1096 = arith.constant 0 : i32
      %sign3A_1097 = vector.broadcast %sign3A_1096 : i32 to vector<16xi32>
      %sign3A_1098 = arith.cmpi slt, %add3A_1023, %sign3A_1097 : vector<16xi32>
      %sign3A_1099 = arith.extui %sign3A_1098 : vector<16xi1> to vector<16xi32>
      %sign3A_1100 = arith.subi %sign3A_1095, %sign3A_1099 : vector<16xi32>
      %sign3A_1101 = arith.constant 0 : i32
      %sign3A_1102 = arith.cmpi sgt, %jit3A_1089, %sign3A_1101 : i32
      %sign3A_1103 = arith.extui %sign3A_1102 : i1 to i32
      %sign3A_1104 = arith.constant 0 : i32
      %sign3A_1105 = arith.cmpi slt, %jit3A_1089, %sign3A_1104 : i32
      %sign3A_1106 = arith.extui %sign3A_1105 : i1 to i32
      %sign3A_1107 = arith.subi %sign3A_1103, %sign3A_1106 : i32
      %ne3A_1108 = vector.broadcast %sign3A_1107 : i32 to vector<16xi32>
      %ne3A_1109 = arith.cmpi ne, %sign3A_1100, %ne3A_1108 : vector<16xi32>
      %rem3A_1110 = vector.broadcast %jit3A_1089 : i32 to vector<16xi32>
      %rem3A_1111 = arith.remsi %add3A_1023, %rem3A_1110 : vector<16xi32>
      %ne3A_1112 = arith.constant 0 : i32
      %ne3A_1113 = vector.broadcast %ne3A_1112 : i32 to vector<16xi32>
      %ne3A_1114 = arith.cmpi ne, %rem3A_1111, %ne3A_1113 : vector<16xi32>
      %and3A_1115 = arith.andi %ne3A_1109, %ne3A_1114 : vector<16xi1>
      %sub3A_1116 = arith.constant 1 : i32
      %sub3A_1117 = vector.broadcast %sub3A_1116 : i32 to vector<16xi32>
      %sub3A_1118 = arith.subi %div3A_1091, %sub3A_1117 : vector<16xi32>
      %select_n3A_1119 = arith.select %and3A_1115, %sub3A_1118, %div3A_1091 : vector<16xi1>, vector<16xi32>
      %jit3A_1120 = arith.constant 8 : i32
      %div3A_1121 = vector.broadcast %jit3A_1120 : i32 to vector<16xi32>
      %div3A_1122 = arith.divsi %add3A_1026, %div3A_1121 : vector<16xi32>
      %sign3A_1123 = arith.constant 0 : i32
      %sign3A_1124 = vector.broadcast %sign3A_1123 : i32 to vector<16xi32>
      %sign3A_1125 = arith.cmpi sgt, %add3A_1026, %sign3A_1124 : vector<16xi32>
      %sign3A_1126 = arith.extui %sign3A_1125 : vector<16xi1> to vector<16xi32>
      %sign3A_1127 = arith.constant 0 : i32
      %sign3A_1128 = vector.broadcast %sign3A_1127 : i32 to vector<16xi32>
      %sign3A_1129 = arith.cmpi slt, %add3A_1026, %sign3A_1128 : vector<16xi32>
      %sign3A_1130 = arith.extui %sign3A_1129 : vector<16xi1> to vector<16xi32>
      %sign3A_1131 = arith.subi %sign3A_1126, %sign3A_1130 : vector<16xi32>
      %sign3A_1132 = arith.constant 0 : i32
      %sign3A_1133 = arith.cmpi sgt, %jit3A_1120, %sign3A_1132 : i32
      %sign3A_1134 = arith.extui %sign3A_1133 : i1 to i32
      %sign3A_1135 = arith.constant 0 : i32
      %sign3A_1136 = arith.cmpi slt, %jit3A_1120, %sign3A_1135 : i32
      %sign3A_1137 = arith.extui %sign3A_1136 : i1 to i32
      %sign3A_1138 = arith.subi %sign3A_1134, %sign3A_1137 : i32
      %ne3A_1139 = vector.broadcast %sign3A_1138 : i32 to vector<16xi32>
      %ne3A_1140 = arith.cmpi ne, %sign3A_1131, %ne3A_1139 : vector<16xi32>
      %rem3A_1141 = vector.broadcast %jit3A_1120 : i32 to vector<16xi32>
      %rem3A_1142 = arith.remsi %add3A_1026, %rem3A_1141 : vector<16xi32>
      %ne3A_1143 = arith.constant 0 : i32
      %ne3A_1144 = vector.broadcast %ne3A_1143 : i32 to vector<16xi32>
      %ne3A_1145 = arith.cmpi ne, %rem3A_1142, %ne3A_1144 : vector<16xi32>
      %and3A_1146 = arith.andi %ne3A_1140, %ne3A_1145 : vector<16xi1>
      %sub3A_1147 = arith.constant 1 : i32
      %sub3A_1148 = vector.broadcast %sub3A_1147 : i32 to vector<16xi32>
      %sub3A_1149 = arith.subi %div3A_1122, %sub3A_1148 : vector<16xi32>
      %select_n3A_1150 = arith.select %and3A_1146, %sub3A_1149, %div3A_1122 : vector<16xi1>, vector<16xi32>
      %jit3A_1151 = arith.constant 8 : i32
      %eq3A_1152 = arith.constant 0 : i32
      %eq3A_1153 = arith.cmpi eq, %jit3A_1151, %eq3A_1152 : i32
      %jit3A_1154 = arith.constant 1 : i32
      %select_n3A_1155 = arith.select %eq3A_1153, %jit3A_1154, %jit3A_1151 : i32
      %rem3A_1156 = vector.broadcast %select_n3A_1155 : i32 to vector<16xi32>
      %rem3A_1157 = arith.remsi %add3A_1017, %rem3A_1156 : vector<16xi32>
      %ne3A_1158 = arith.constant 0 : i32
      %ne3A_1159 = vector.broadcast %ne3A_1158 : i32 to vector<16xi32>
      %ne3A_1160 = arith.cmpi ne, %rem3A_1157, %ne3A_1159 : vector<16xi32>
      %lt3A_1161 = arith.constant 0 : i32
      %lt3A_1162 = vector.broadcast %lt3A_1161 : i32 to vector<16xi32>
      %lt3A_1163 = arith.cmpi slt, %rem3A_1157, %lt3A_1162 : vector<16xi32>
      %lt3A_1164 = arith.constant 0 : i32
      %lt3A_1165 = arith.cmpi slt, %select_n3A_1155, %lt3A_1164 : i32
      %ne3A_1166 = vector.broadcast %lt3A_1165 : i1 to vector<16xi1>
      %ne3A_1167 = vector.broadcast %ne3A_1166 : vector<16xi1> to vector<16xi1>
      %ne3A_1168 = arith.xori %lt3A_1163, %ne3A_1167 : vector<16xi1>
      %and3A_1169 = arith.andi %ne3A_1168, %ne3A_1160 : vector<16xi1>
      %add3A_1170 = vector.broadcast %select_n3A_1155 : i32 to vector<16xi32>
      %add3A_1171 = arith.addi %rem3A_1157, %add3A_1170 : vector<16xi32>
      %select_n3A_1172 = arith.select %and3A_1169, %add3A_1171, %rem3A_1157 : vector<16xi1>, vector<16xi32>
      %jit3A_1173 = arith.constant 8 : i32
      %eq3A_1174 = arith.constant 0 : i32
      %eq3A_1175 = arith.cmpi eq, %jit3A_1173, %eq3A_1174 : i32
      %jit3A_1176 = arith.constant 1 : i32
      %select_n3A_1177 = arith.select %eq3A_1175, %jit3A_1176, %jit3A_1173 : i32
      %rem3A_1178 = vector.broadcast %select_n3A_1177 : i32 to vector<16xi32>
      %rem3A_1179 = arith.remsi %add3A_1020, %rem3A_1178 : vector<16xi32>
      %ne3A_1180 = arith.constant 0 : i32
      %ne3A_1181 = vector.broadcast %ne3A_1180 : i32 to vector<16xi32>
      %ne3A_1182 = arith.cmpi ne, %rem3A_1179, %ne3A_1181 : vector<16xi32>
      %lt3A_1183 = arith.constant 0 : i32
      %lt3A_1184 = vector.broadcast %lt3A_1183 : i32 to vector<16xi32>
      %lt3A_1185 = arith.cmpi slt, %rem3A_1179, %lt3A_1184 : vector<16xi32>
      %lt3A_1186 = arith.constant 0 : i32
      %lt3A_1187 = arith.cmpi slt, %select_n3A_1177, %lt3A_1186 : i32
      %ne3A_1188 = vector.broadcast %lt3A_1187 : i1 to vector<16xi1>
      %ne3A_1189 = vector.broadcast %ne3A_1188 : vector<16xi1> to vector<16xi1>
      %ne3A_1190 = arith.xori %lt3A_1185, %ne3A_1189 : vector<16xi1>
      %and3A_1191 = arith.andi %ne3A_1190, %ne3A_1182 : vector<16xi1>
      %add3A_1192 = vector.broadcast %select_n3A_1177 : i32 to vector<16xi32>
      %add3A_1193 = arith.addi %rem3A_1179, %add3A_1192 : vector<16xi32>
      %select_n3A_1194 = arith.select %and3A_1191, %add3A_1193, %rem3A_1179 : vector<16xi1>, vector<16xi32>
      %jit3A_1195 = arith.constant 8 : i32
      %eq3A_1196 = arith.constant 0 : i32
      %eq3A_1197 = arith.cmpi eq, %jit3A_1195, %eq3A_1196 : i32
      %jit3A_1198 = arith.constant 1 : i32
      %select_n3A_1199 = arith.select %eq3A_1197, %jit3A_1198, %jit3A_1195 : i32
      %rem3A_1200 = vector.broadcast %select_n3A_1199 : i32 to vector<16xi32>
      %rem3A_1201 = arith.remsi %add3A_1023, %rem3A_1200 : vector<16xi32>
      %ne3A_1202 = arith.constant 0 : i32
      %ne3A_1203 = vector.broadcast %ne3A_1202 : i32 to vector<16xi32>
      %ne3A_1204 = arith.cmpi ne, %rem3A_1201, %ne3A_1203 : vector<16xi32>
      %lt3A_1205 = arith.constant 0 : i32
      %lt3A_1206 = vector.broadcast %lt3A_1205 : i32 to vector<16xi32>
      %lt3A_1207 = arith.cmpi slt, %rem3A_1201, %lt3A_1206 : vector<16xi32>
      %lt3A_1208 = arith.constant 0 : i32
      %lt3A_1209 = arith.cmpi slt, %select_n3A_1199, %lt3A_1208 : i32
      %ne3A_1210 = vector.broadcast %lt3A_1209 : i1 to vector<16xi1>
      %ne3A_1211 = vector.broadcast %ne3A_1210 : vector<16xi1> to vector<16xi1>
      %ne3A_1212 = arith.xori %lt3A_1207, %ne3A_1211 : vector<16xi1>
      %and3A_1213 = arith.andi %ne3A_1212, %ne3A_1204 : vector<16xi1>
      %add3A_1214 = vector.broadcast %select_n3A_1199 : i32 to vector<16xi32>
      %add3A_1215 = arith.addi %rem3A_1201, %add3A_1214 : vector<16xi32>
      %select_n3A_1216 = arith.select %and3A_1213, %add3A_1215, %rem3A_1201 : vector<16xi1>, vector<16xi32>
      %jit3A_1217 = arith.constant 8 : i32
      %eq3A_1218 = arith.constant 0 : i32
      %eq3A_1219 = arith.cmpi eq, %jit3A_1217, %eq3A_1218 : i32
      %jit3A_1220 = arith.constant 1 : i32
      %select_n3A_1221 = arith.select %eq3A_1219, %jit3A_1220, %jit3A_1217 : i32
      %rem3A_1222 = vector.broadcast %select_n3A_1221 : i32 to vector<16xi32>
      %rem3A_1223 = arith.remsi %add3A_1026, %rem3A_1222 : vector<16xi32>
      %ne3A_1224 = arith.constant 0 : i32
      %ne3A_1225 = vector.broadcast %ne3A_1224 : i32 to vector<16xi32>
      %ne3A_1226 = arith.cmpi ne, %rem3A_1223, %ne3A_1225 : vector<16xi32>
      %lt3A_1227 = arith.constant 0 : i32
      %lt3A_1228 = vector.broadcast %lt3A_1227 : i32 to vector<16xi32>
      %lt3A_1229 = arith.cmpi slt, %rem3A_1223, %lt3A_1228 : vector<16xi32>
      %lt3A_1230 = arith.constant 0 : i32
      %lt3A_1231 = arith.cmpi slt, %select_n3A_1221, %lt3A_1230 : i32
      %ne3A_1232 = vector.broadcast %lt3A_1231 : i1 to vector<16xi1>
      %ne3A_1233 = vector.broadcast %ne3A_1232 : vector<16xi1> to vector<16xi1>
      %ne3A_1234 = arith.xori %lt3A_1229, %ne3A_1233 : vector<16xi1>
      %and3A_1235 = arith.andi %ne3A_1234, %ne3A_1226 : vector<16xi1>
      %add3A_1236 = vector.broadcast %select_n3A_1221 : i32 to vector<16xi32>
      %add3A_1237 = arith.addi %rem3A_1223, %add3A_1236 : vector<16xi32>
      %select_n3A_1238 = arith.select %and3A_1235, %add3A_1237, %rem3A_1223 : vector<16xi1>, vector<16xi32>
      %mul3A_1239 = arith.constant 0 : i32
      %mul3A_1240 = vector.broadcast %mul3A_1239 : i32 to vector<16xi32>
      %mul3A_1241 = arith.muli %iota3A_1014, %mul3A_1240 : vector<16xi32>
      %parallel_loop3A_1242 = arith.constant 0 : i32
      %parallel_loop3A_1243 = arith.constant 128 : i32
      %parallel_loop3A_1244 = arith.constant 1 : i32
      scf.for %parallel_loop3A_1266 = %parallel_loop3A_1242 to %parallel_loop3A_1243 step %parallel_loop3A_1244  : i32 {
        %parallel_loop3A_1267 = vector.broadcast %parallel_loop3A_1266 : i32 to vector<16xi32>
        %parallel_loop3A_1268 = arith.addi %mul3A_1241, %parallel_loop3A_1267 : vector<16xi32>
        %parallel_loop3A_1269 = arith.constant 3 : i32
        %parallel_loop3A_1270 = arith.index_cast %parallel_loop3A_1269 : i32 to index
        %parallel_loop3A_1271 = arith.index_cast %parallel_loop3A_1266 : i32 to index
        %parallel_loop3A_1272 = arith.constant 0 : index
        %parallel_loop3A_1273 = tpu.vector_load %arg7[%parallel_loop3A_1270, %parallel_loop3A_1271, %parallel_loop3A_1272] {strides = array<i32>} : memref<4x128x128xf32, #tpu.memory_space<vmem>>, vector<16xf32>,
        %parallel_loop3A_1274 = arith.constant 8.000000e+00 : f32
        %parallel_loop3A_1275 = vector.broadcast %parallel_loop3A_1274 : f32 to vector<16xf32>
        %parallel_loop3A_1276 = arith.mulf %parallel_loop3A_1273, %parallel_loop3A_1275 : vector<16xf32>
        %parallel_loop3A_1277 = arith.addf %parallel_loop3A_1276, %get3A_1004 : vector<16xf32>
        %parallel_loop3A_1278 = arith.constant 8 : i32
        %parallel_loop3A_1279 = vector.broadcast %parallel_loop3A_1278 : i32 to vector<16xi32>
        %parallel_loop3A_1280 = arith.addi %select_n3A_1057, %parallel_loop3A_1279 : vector<16xi32>
        tpu.vector_store_idx %arg8[%parallel_loop3A_1280, %select_n3A_1172, %parallel_loop3A_1268], %parallel_loop3A_1277 : memref<16x8x129xf32, #tpu.memory_space<vmem>>[vector<16xi32>, vector<16xi32>, vector<16xi32>], vector<16xf32>,
        %parallel_loop3A_1281 = arith.constant 3 : i32
        %parallel_loop3A_1282 = arith.index_cast %parallel_loop3A_1281 : i32 to index
        %parallel_loop3A_1283 = arith.index_cast %parallel_loop3A_1266 : i32 to index
        %parallel_loop3A_1284 = arith.constant 16 : index
        %parallel_loop3A_1285 = tpu.vector_load %arg7[%parallel_loop3A_1282, %parallel_loop3A_1283, %parallel_loop3A_1284] {strides = array<i32>} : memref<4x128x128xf32, #tpu.memory_space<vmem>>, vector<16xf32>,
        %parallel_loop3A_1286 = arith.constant 8.000000e+00 : f32
        %parallel_loop3A_1287 = vector.broadcast %parallel_loop3A_1286 : f32 to vector<16xf32>
        %parallel_loop3A_1288 = arith.mulf %parallel_loop3A_1285, %parallel_loop3A_1287 : vector<16xf32>
        %parallel_loop3A_1289 = arith.addf %parallel_loop3A_1288, %get3A_1007 : vector<16xf32>
        %parallel_loop3A_1290 = arith.constant 8 : i32
        %parallel_loop3A_1291 = vector.broadcast %parallel_loop3A_1290 : i32 to vector<16xi32>
        %parallel_loop3A_1292 = arith.addi %select_n3A_1088, %parallel_loop3A_1291 : vector<16xi32>
        tpu.vector_store_idx %arg8[%parallel_loop3A_1292, %select_n3A_1194, %parallel_loop3A_1268], %parallel_loop3A_1289 : memref<16x8x129xf32, #tpu.memory_space<vmem>>[vector<16xi32>, vector<16xi32>, vector<16xi32>], vector<16xf32>,
        %parallel_loop3A_1293 = arith.constant 3 : i32
        %parallel_loop3A_1294 = arith.index_cast %parallel_loop3A_1293 : i32 to index
        %parallel_loop3A_1295 = arith.index_cast %parallel_loop3A_1266 : i32 to index
        %parallel_loop3A_1296 = arith.constant 32 : index
        %parallel_loop3A_1297 = tpu.vector_load %arg7[%parallel_loop3A_1294, %parallel_loop3A_1295, %parallel_loop3A_1296] {strides = array<i32>} : memref<4x128x128xf32, #tpu.memory_space<vmem>>, vector<16xf32>,
        %parallel_loop3A_1298 = arith.constant 8.000000e+00 : f32
        %parallel_loop3A_1299 = vector.broadcast %parallel_loop3A_1298 : f32 to vector<16xf32>
        %parallel_loop3A_1300 = arith.mulf %parallel_loop3A_1297, %parallel_loop3A_1299 : vector<16xf32>
        %parallel_loop3A_1301 = arith.addf %parallel_loop3A_1300, %get3A_1010 : vector<16xf32>
        %parallel_loop3A_1302 = arith.constant 8 : i32
        %parallel_loop3A_1303 = vector.broadcast %parallel_loop3A_1302 : i32 to vector<16xi32>
        %parallel_loop3A_1304 = arith.addi %select_n3A_1119, %parallel_loop3A_1303 : vector<16xi32>
        tpu.vector_store_idx %arg8[%parallel_loop3A_1304, %select_n3A_1216, %parallel_loop3A_1268], %parallel_loop3A_1301 : memref<16x8x129xf32, #tpu.memory_space<vmem>>[vector<16xi32>, vector<16xi32>, vector<16xi32>], vector<16xf32>,
        %parallel_loop3A_1305 = arith.constant 3 : i32
        %parallel_loop3A_1306 = arith.index_cast %parallel_loop3A_1305 : i32 to index
        %parallel_loop3A_1307 = arith.index_cast %parallel_loop3A_1266 : i32 to index
        %parallel_loop3A_1308 = arith.constant 48 : index
        %parallel_loop3A_1309 = tpu.vector_load %arg7[%parallel_loop3A_1306, %parallel_loop3A_1307, %parallel_loop3A_1308] {strides = array<i32>} : memref<4x128x128xf32, #tpu.memory_space<vmem>>, vector<16xf32>,
        %parallel_loop3A_1310 = arith.constant 8.000000e+00 : f32
        %parallel_loop3A_1311 = vector.broadcast %parallel_loop3A_1310 : f32 to vector<16xf32>
        %parallel_loop3A_1312 = arith.mulf %parallel_loop3A_1309, %parallel_loop3A_1311 : vector<16xf32>
        %parallel_loop3A_1313 = arith.addf %parallel_loop3A_1312, %get3A_1013 : vector<16xf32>
        %parallel_loop3A_1314 = arith.constant 8 : i32
        %parallel_loop3A_1315 = vector.broadcast %parallel_loop3A_1314 : i32 to vector<16xi32>
        %parallel_loop3A_1316 = arith.addi %select_n3A_1150, %parallel_loop3A_1315 : vector<16xi32>
        tpu.vector_store_idx %arg8[%parallel_loop3A_1316, %select_n3A_1238, %parallel_loop3A_1268], %parallel_loop3A_1313 : memref<16x8x129xf32, #tpu.memory_space<vmem>>[vector<16xi32>, vector<16xi32>, vector<16xi32>], vector<16xf32>,
      } {sc.loop_unroll_factor = 4 : i64, sc.parallel_access}
      %dma_start3A_1245 = arith.constant 1 : i32
      %dma_start3A_1246 = arith.constant 8 : i32
      %dma_start3A_1247 = arith.constant 0 : i32
      %dma_start3A_1248 = arith.constant 0 : i32
      %dma_start3A_1249 = tpu.memref_slice %arg8[%dma_start3A_1246, %dma_start3A_1247, %dma_start3A_1248] : memref<16x8x129xf32, #tpu.memory_space<vmem>> -> memref<8x8x128xf32, #tpu.memory_space<vmem>>
      %dma_start3A_1250 = arith.constant 0 : i32
      %dma_start3A_1251 = arith.constant 0 : i32
      %dma_start3A_1252 = arith.constant 0 : i32
      %dma_start3A_1253 = tpu.memref_slice %arg5[%add3A_971, %dma_start3A_1250, %add3A, %dma_start3A_1251, %dma_start3A_1252] : memref<200x8x32x8x128xf32, #tpu.memory_space<hbm>> -> memref<1x8x1x8x128xf32, #tpu.memory_space<hbm>>
      %dma_start3A_1254 = tpu.memref_squeeze %dma_start3A_1253 : memref<1x8x1x8x128xf32, #tpu.memory_space<hbm>> -> memref<8x8x128xf32, #tpu.memory_space<hbm>>
      %dma_start3A_1255 = tpu.memref_slice %arg11[%dma_start3A_1245] : memref<2x!tpu.dma_semaphore, #tpu.memory_space<semaphore_mem>> -> memref<1x!tpu.dma_semaphore, #tpu.memory_space<semaphore_mem>>
      %dma_start3A_1256 = tpu.memref_squeeze %dma_start3A_1255 : memref<1x!tpu.dma_semaphore, #tpu.memory_space<semaphore_mem>> -> memref<!tpu.dma_semaphore, #tpu.memory_space<semaphore_mem>>
      %dma_start3A_1257 = arith.constant 0 : i32
      %dma_start3A_1258 = arith.constant 0 : i32
      %dma_start3A_1259 = arith.constant 0 : i32
      %dma_start3A_1260 = tpu.memref_slice %arg5[%add3A_971, %dma_start3A_1257, %add3A, %dma_start3A_1258, %dma_start3A_1259] : memref<200x8x32x8x128xf32, #tpu.memory_space<hbm>> -> memref<1x8x1x8x128xf32, #tpu.memory_space<hbm>>
      %dma_start3A_1261 = tpu.memref_squeeze %dma_start3A_1260 : memref<1x8x1x8x128xf32, #tpu.memory_space<hbm>> -> memref<8x8x128xf32, #tpu.memory_space<hbm>>
      %dma_start3A_1262 = arith.constant 8 : i32
      %dma_start3A_1263 = arith.constant 0 : i32
      %dma_start3A_1264 = arith.constant 0 : i32
      %dma_start3A_1265 = tpu.memref_slice %arg8[%dma_start3A_1262, %dma_start3A_1263, %dma_start3A_1264] : memref<16x8x129xf32, #tpu.memory_space<vmem>> -> memref<8x8x128xf32, #tpu.memory_space<vmem>>
      tpu.enqueue_dma source(%dma_start3A_1265 : memref<8x8x128xf32, #tpu.memory_space<vmem>>) target(%dma_start3A_1261 : memref<8x8x128xf32, #tpu.memory_space<hbm>>) target_semaphore(%dma_start3A_1256 : memref<!tpu.dma_semaphore, #tpu.memory_space<semaphore_mem>>)
    }
    %scan3A_49 = arith.constant 50 : i32
    %dma_wait3A = arith.constant 0 : i32
    %dma_wait3A_50 = arith.constant 0 : i32
    %dma_wait3A_51 = arith.constant 0 : i32
    %dma_wait3A_52 = arith.constant 0 : i32
    %dma_wait3A_53 = arith.constant 0 : i32
    %dma_wait3A_54 = arith.constant 0 : i32
    %dma_wait3A_55 = tpu.memref_slice %arg8[%dma_wait3A_52, %dma_wait3A_53, %dma_wait3A_54] : memref<16x8x129xf32, #tpu.memory_space<vmem>> -> memref<8x8x128xf32, #tpu.memory_space<vmem>>
    %dma_wait3A_56 = arith.constant 0 : i32
    %dma_wait3A_57 = arith.constant 0 : i32
    %dma_wait3A_58 = arith.constant 0 : i32
    %dma_wait3A_59 = tpu.memref_slice %arg5[%dma_wait3A, %dma_wait3A_56, %dma_wait3A_50, %dma_wait3A_57, %dma_wait3A_58] : memref<200x8x32x8x128xf32, #tpu.memory_space<hbm>> -> memref<1x8x1x8x128xf32, #tpu.memory_space<hbm>>
    %dma_wait3A_60 = tpu.memref_squeeze %dma_wait3A_59 : memref<1x8x1x8x128xf32, #tpu.memory_space<hbm>> -> memref<8x8x128xf32, #tpu.memory_space<hbm>>
    %dma_wait3A_61 = tpu.memref_slice %arg11[%dma_wait3A_51] : memref<2x!tpu.dma_semaphore, #tpu.memory_space<semaphore_mem>> -> memref<1x!tpu.dma_semaphore, #tpu.memory_space<semaphore_mem>>
    %dma_wait3A_62 = tpu.memref_squeeze %dma_wait3A_61 : memref<1x!tpu.dma_semaphore, #tpu.memory_space<semaphore_mem>> -> memref<!tpu.dma_semaphore, #tpu.memory_space<semaphore_mem>>
    %dma_wait3A_63 = arith.constant 0 : i32
    %dma_wait3A_64 = arith.constant 0 : i32
    %dma_wait3A_65 = arith.constant 0 : i32
    %dma_wait3A_66 = tpu.memref_slice %arg5[%dma_wait3A, %dma_wait3A_63, %dma_wait3A_50, %dma_wait3A_64, %dma_wait3A_65] : memref<200x8x32x8x128xf32, #tpu.memory_space<hbm>> -> memref<1x8x1x8x128xf32, #tpu.memory_space<hbm>>
    %dma_wait3A_67 = tpu.memref_squeeze %dma_wait3A_66 : memref<1x8x1x8x128xf32, #tpu.memory_space<hbm>> -> memref<8x8x128xf32, #tpu.memory_space<hbm>>
    %dma_wait3A_68 = arith.constant 0 : i32
    %dma_wait3A_69 = arith.constant 0 : i32
    %dma_wait3A_70 = arith.constant 0 : i32
    %dma_wait3A_71 = tpu.memref_slice %arg8[%dma_wait3A_68, %dma_wait3A_69, %dma_wait3A_70] : memref<16x8x129xf32, #tpu.memory_space<vmem>> -> memref<8x8x128xf32, #tpu.memory_space<vmem>>
    tpu.wait_dma2 semaphore(%dma_wait3A_62 : memref<!tpu.dma_semaphore, #tpu.memory_space<semaphore_mem>>) src(%dma_wait3A_71 : memref<8x8x128xf32, #tpu.memory_space<vmem>>) dst(%dma_wait3A_67 : memref<8x8x128xf32, #tpu.memory_space<hbm>>)
    %dma_wait3A_72 = arith.constant 0 : i32
    %dma_wait3A_73 = arith.constant 0 : i32
    %dma_wait3A_74 = arith.constant 1 : i32
    %dma_wait3A_75 = arith.constant 8 : i32
    %dma_wait3A_76 = arith.constant 0 : i32
    %dma_wait3A_77 = arith.constant 0 : i32
    %dma_wait3A_78 = tpu.memref_slice %arg8[%dma_wait3A_75, %dma_wait3A_76, %dma_wait3A_77] : memref<16x8x129xf32, #tpu.memory_space<vmem>> -> memref<8x8x128xf32, #tpu.memory_space<vmem>>
    %dma_wait3A_79 = arith.constant 0 : i32
    %dma_wait3A_80 = arith.constant 0 : i32
    %dma_wait3A_81 = arith.constant 0 : i32
    %dma_wait3A_82 = tpu.memref_slice %arg5[%dma_wait3A_72, %dma_wait3A_79, %dma_wait3A_73, %dma_wait3A_80, %dma_wait3A_81] : memref<200x8x32x8x128xf32, #tpu.memory_space<hbm>> -> memref<1x8x1x8x128xf32, #tpu.memory_space<hbm>>
    %dma_wait3A_83 = tpu.memref_squeeze %dma_wait3A_82 : memref<1x8x1x8x128xf32, #tpu.memory_space<hbm>> -> memref<8x8x128xf32, #tpu.memory_space<hbm>>
    %dma_wait3A_84 = tpu.memref_slice %arg11[%dma_wait3A_74] : memref<2x!tpu.dma_semaphore, #tpu.memory_space<semaphore_mem>> -> memref<1x!tpu.dma_semaphore, #tpu.memory_space<semaphore_mem>>
    %dma_wait3A_85 = tpu.memref_squeeze %dma_wait3A_84 : memref<1x!tpu.dma_semaphore, #tpu.memory_space<semaphore_mem>> -> memref<!tpu.dma_semaphore, #tpu.memory_space<semaphore_mem>>
    %dma_wait3A_86 = arith.constant 0 : i32
    %dma_wait3A_87 = arith.constant 0 : i32
    %dma_wait3A_88 = arith.constant 0 : i32
    %dma_wait3A_89 = tpu.memref_slice %arg5[%dma_wait3A_72, %dma_wait3A_86, %dma_wait3A_73, %dma_wait3A_87, %dma_wait3A_88] : memref<200x8x32x8x128xf32, #tpu.memory_space<hbm>> -> memref<1x8x1x8x128xf32, #tpu.memory_space<hbm>>
    %dma_wait3A_90 = tpu.memref_squeeze %dma_wait3A_89 : memref<1x8x1x8x128xf32, #tpu.memory_space<hbm>> -> memref<8x8x128xf32, #tpu.memory_space<hbm>>
    %dma_wait3A_91 = arith.constant 8 : i32
    %dma_wait3A_92 = arith.constant 0 : i32
    %dma_wait3A_93 = arith.constant 0 : i32
    %dma_wait3A_94 = tpu.memref_slice %arg8[%dma_wait3A_91, %dma_wait3A_92, %dma_wait3A_93] : memref<16x8x129xf32, #tpu.memory_space<vmem>> -> memref<8x8x128xf32, #tpu.memory_space<vmem>>
    tpu.wait_dma2 semaphore(%dma_wait3A_85 : memref<!tpu.dma_semaphore, #tpu.memory_space<semaphore_mem>>) src(%dma_wait3A_94 : memref<8x8x128xf32, #tpu.memory_space<vmem>>) dst(%dma_wait3A_90 : memref<8x8x128xf32, #tpu.memory_space<hbm>>)
    return
  }
}

</mosaic_0001>

<sc_bundles>
// kernel: kernel.3.cloned.1.call-start
scs
__scs_entry_jumppad:
0x0: {  	(pc) =	sbr.rel $0x88, $3  }
0x1: {  	(tag) =	ssettag $0x0;
	lr =	simm.s32 $0x1  }
0x2: {  	[smem:$0x3F9E] =	sst lr;
	_ =	strace $0xD0000000  }
0x3: {  	_ = 	snop  }
0x4: {  	_ = 	snop  }
0x5: {  	_ = 	snop  }
0x6: {  	_ = 	snop  }
0x7: {  	_ = 	snop  }
__scs_overlays_trampoline_lowered:
0x8: {  	[smem:$0x3FAD] =	sst s0  }
0x9: {  	[smem:$0x3FAE] =	sst s1  }
0xa: {  	[smem:$0x3FAF] =	sst s2  }
0xb: {  	[smem:$0x3FB0] =	sst s3  }
0xc: {  	[smem:$0x3FB1] =	sst s4  }
0xd: {  	[smem:$0x3FB2] =	sst s5  }
0xe: {  	[smem:$0x3FB3] =	sst s6  }
0xf: {  	[smem:$0x3FB4] =	sst s7  }
0x10: {  	[smem:$0x3FB5] =	sst s8  }
0x11: {  	[smem:$0x3FB6] =	sst s9;
	s0 =	simm.s32 @!p0 $0x0  }
0x12: {  	s1 =	sld [smem:$0x3F9C];
	s0 =	simm.s32 @p0 $0x1  }
0x13: {  	[smem:$0x3FB7] =	sst s0;
	s0 =	simm.s32 @!p1 $0x0  }
0x14: {  	s2 =	sld [smem:$0x3F9B];
	s0 =	simm.s32 @p1 $0x1  }
0x15: {  	[smem:$0x3FB8] =	sst s0;
	s0 =	simm.s32 @!p2 $0x0  }
0x16: {  	s3 =	sld [smem:$0x3FDB];
	s0 =	simm.s32 @p2 $0x1  }
0x17: {  	s4 =	simm.s32 $0x1BF5;
	[smem:$0x3FBA] =	sst s0  }
0x18: {  	s0 =	sld [smem:$0x3F9D];
	_ =	swait.ge [sflag:s4], $0x0  }
0x19: {  	s7 =	sld [smem:$0x3F9E]  }
0x1a: {  	s8 =	sadd.s32 $0xFFFFE003, lr  }
0x1b: {  	s9 =	sadd.s32 $0xFFFFFEF7, lr;
	s5 =	simm.s32 $0xFFFFFFFF;
	p2 =	slt.u32 s8, $0xFFFFF086  }
0x1c: {  	p1 =	slt.u32 s9, $0xF7A;
	s5 =	simm.s32 @!p2 $0x0  }
0x1d: {  	s5 =	simm.s32 @p1 $0x1;
	p0 =	seq.s32 s7, s2  }
0x1e: {  	s7 =	smul.u32 @!p0 $0xF7A, s2;
	p2 =	seq.s32 @!p0 s5, $0x0  }
0x1f: {  	s9 =	smul.u32 $0xF7A, s1;
	s8 =	simm.s32 @!p0 $0x1BF5;
	p2 =	por !p2, p0  }
0x20: {  	[sflag:s8] =	ssyncset.s32 @!p0 $0xFFFFF086;
	s6 =	sadd.s32 @!p0 s3, s7;
	s7 =	simm.s32 @!p0 $0x108  }
0x21: {  	s3 =	sadd.s32 s3, s9;
	s6 =	sadd.s32 @!p0 $0x88, s6;
	s7 =	simm.s32 @p2 $0x1082  }
0x22: {  	[simem:s7], [sflag:s8] =	dma.local @!p0 [hbm:s6], $0xF7A  }
0x23: {  	s9 =	sor.u32 $0xD0000000, s2;
	s6 =	simm.s32 $0x108;
	_ =	swait.ge @!p0 [sflag:s8], $0x0  }
0x24: {  	s3 =	sadd.s32 $0x88, s3;
	s6 =	simm.s32 @!p1 $0x1082;
	[sflag:s4] =	ssyncset.s32 $0xFFFFF086  }
0x25: {  	[simem:s6], [sflag:s4] =	dma.local [hbm:s3], $0xF7A  }
0x26: {  	[smem:$0x3F9E] =	sst s1;
	(tag) =	ssettag s2;
	_ =	strace s9  }
0x27: {  	s1 =	sld [smem:$0x3FAE]  }
0x28: {  	s2 =	sld [smem:$0x3FAF]  }
0x29: {  	s4 =	sld [smem:$0x3FB1]  }
0x2a: {  	p0 =	seq.s32 s5, $0x0;
	s5 =	sld [smem:$0x3FB2]  }
0x2b: {  	s6 =	sld [smem:$0x3FB3]  }
0x2c: {  	s7 =	sld [smem:$0x3FB4]  }
0x2d: {  	s3 =	simm.s32 $0x108;
	s8 =	sld [smem:$0x3FB5]  }
0x2e: {  	s3 =	simm.s32 @!p0 $0x1082;
	s9 =	sld [smem:$0x3FB6]  }
0x2f: {  	lr =	sadd.s32 s0, s3;
	s0 =	sld [smem:$0x3FAD]  }
0x30: {  	s3 =	sld [smem:$0x3FB0]  }
0x31: {  	[smem:$0x3FB9] =	sst s10  }
0x32: {  	s10 =	sld [smem:$0x3FB7];
	_ =	sdelay $0x3  }
0x33: {  	p0 =	seq.s32 s10, $0x1;
	s10 =	sld [smem:$0x3FB9];
	_ =	sdelay $0x3  }
0x34: {  	[smem:$0x3FB9] =	sst s10  }
0x35: {  	s10 =	sld [smem:$0x3FB8];
	_ =	sdelay $0x3  }
0x36: {  	p1 =	seq.s32 s10, $0x1;
	s10 =	sld [smem:$0x3FB9];
	_ =	sdelay $0x3  }
0x37: {  	[smem:$0x3FB9] =	sst s10  }
0x38: {  	s10 =	sld [smem:$0x3FBA]  }
0x39: {  	_ = 	snop;
	(pc) =	sbr.ind lr, $3  }
0x3a: {  	_ = 	snop  }
0x3b: {  	_ = 	snop  }
0x3c: {  	p2 =	seq.s32 s10, $0x1;
	s10 =	sld [smem:$0x3FB9]  }
0x3d: {  	_ =	shalt  }
0x3e: {  	_ =	shalt  }
0x3f: {  	_ =	shalt  }
0x40: {  	_ =	shalt  }
0x41: {  	_ =	shalt  }
0x42: {  	_ =	shalt  }
0x43: {  	_ =	shalt  }
0x44: {  	_ =	shalt  }
0x45: {  	_ =	shalt  }
0x46: {  	_ =	shalt  }
0x47: {  	_ =	shalt  }
0x48: {  	_ =	shalt  }
0x49: {  	_ =	shalt  }
0x4a: {  	_ =	shalt  }
0x4b: {  	_ =	shalt  }
0x4c: {  	_ =	shalt  }
0x4d: {  	_ =	shalt  }
0x4e: {  	_ =	shalt  }
0x4f: {  	_ =	shalt  }
0x50: {  	_ =	shalt  }
0x51: {  	_ =	shalt  }
0x52: {  	_ =	shalt  }
0x53: {  	_ =	shalt  }
0x54: {  	_ =	shalt  }
0x55: {  	_ =	shalt  }
0x56: {  	_ =	shalt  }
0x57: {  	_ =	shalt  }
0x58: {  	_ =	shalt  }
0x59: {  	_ =	shalt  }
0x5a: {  	_ =	shalt  }
0x5b: {  	_ =	shalt  }
0x5c: {  	_ =	shalt  }
0x5d: {  	_ =	shalt  }
0x5e: {  	_ =	shalt  }
0x5f: {  	_ =	shalt  }
0x60: {  	_ =	shalt  }
0x61: {  	_ =	shalt  }
0x62: {  	_ =	shalt  }
0x63: {  	_ =	shalt  }
0x64: {  	_ =	shalt  }
0x65: {  	_ =	shalt  }
0x66: {  	_ =	shalt  }
0x67: {  	_ =	shalt  }
0x68: {  	_ =	shalt  }
0x69: {  	_ =	shalt  }
0x6a: {  	_ =	shalt  }
0x6b: {  	_ =	shalt  }
0x6c: {  	_ =	shalt  }
0x6d: {  	_ =	shalt  }
0x6e: {  	_ =	shalt  }
0x6f: {  	_ =	shalt  }
0x70: {  	_ =	shalt  }
0x71: {  	_ =	shalt  }
0x72: {  	_ =	shalt  }
0x73: {  	_ =	shalt  }
0x74: {  	_ =	shalt  }
0x75: {  	_ =	shalt  }
0x76: {  	_ =	shalt  }
0x77: {  	_ =	shalt  }
0x78: {  	_ =	shalt  }
0x79: {  	_ =	shalt  }
0x7a: {  	_ =	shalt  }
0x7b: {  	_ =	shalt  }
0x7c: {  	_ =	shalt  }
0x7d: {  	_ =	shalt  }
0x7e: {  	_ =	shalt  }
0x7f: {  	_ =	shalt  }
0x80: {  	_ =	shalt  }
0x81: {  	_ =	shalt  }
0x82: {  	_ =	shalt  }
0x83: {  	_ =	shalt  }
0x84: {  	_ =	shalt  }
0x85: {  	_ =	shalt  }
0x86: {  	_ =	shalt  }
0x87: {  	_ =	shalt  }
.Lfunc_end0:
.L_simem_size_0:
called_computation_lowered:
.L_overlay_start_0:
0x88: {  	s2 =	sld [smem:$0x3FD9]  }
0x89: {  	s3 =	sld [smem:$0x3FFE];
	_ =	sdelay $0x1  }
0x8a: {  	s1 =	srdreg.scid  }
0x8b: {  	s0 =	sand.u32 $0x1, s1  }
0x8c: {  	s17 =	sshll.u32 s0, $0xA;
	s2 =	sadd.s32 s3, s2  }
0x8d: {  	s2 =	sadd.s32 s2, s17  }
0x8e: {  	[smem:$0x3FC5] =	sst s2  }
0x8f: {  	_ = 	snop  }
0x90: {  	s2 =	sld [smem:$0x3FD0];
	(tm) =	ssettm $0x1  }
0x91: {  	s18 =	sld [smem:$0x3FFB];
	_ =	sdelay $0x3  }
0x92: {  	_ =	strace s18  }
0x93: {  	s3 =	sld [smem:$0x3FFC];
	_ =	sdelay $0x3  }
0x94: {  	_ =	strace s3  }
0x95: {  	s3 =	sld [smem:$0x3FFD];
	_ =	sdelay $0x3  }
0x96: {  	_ =	strace s3  }
0x97: {  	_ =	strace $0x8FFFFFFF  }
0x98: {  	s19 =	sld [smem:$0x3FDB];
	_ =	sdelay $0x1  }
0x99: {  	s4 =	simm.s32 $_scs_section_size  }
0x9a: {  	s5 =	simm.s32 $_size__tile_overlayer_lowered;
	s6 =	simm.s32 $_tile_overlayer_lowered  }
0x9b: {  	s22 =	simm.s32 $0x1BFF;
	s21 =	sshll.u32 s6, $0x1;
	s3 =	sadd.s32 s4, s19  }
0x9c: {  	s7 =	simm.s32 $0x0;
	s20 =	sshll.u32 s5, $0x1;
	s5 =	sadd.s32 s21, s3  }
0x9d: {  	[timem:s7], [sflag:s22] =	dma.local [hbm:s5], s20  }
0x9e: {  	_ =	swait.ge [sflag:s22], s20  }
0x9f: {  	s4 =	ssub.s32 $0x0, s20;
	[sflag:s22] =	ssyncset.done $0x0  }
0xa0: {  	[sflag:s22] =	ssyncadd.s32 s4;
	_ =	sdelay $0x1  }
0xa1: {  	s23 =	simm.s32 $0x1B8B  }
0xa2: {  	_ =	swait.ge [sflag:s23], $0x1  }
0xa3: {  	[sflag:s23] =	ssyncset.done $0x0  }
0xa4: {  	s25 =	simm.s32 $0x1B8E;
	s24 =	sld [smem:$0x3FFE];
	[sflag:s23] =	ssyncadd.s32 $0xFFFFFFFF  }
0xa5: {  	s26 =	simm.s32 $execute0_lowered;
	[smem:$0x3FD2] =	sst s25  }
0xa6: {  	s5 =	sshll.u32 s26, $0x1;
	_ =	strace $0x80000046;
	[dreg:$0x1] =	wrdreg $0xFFFFFFFF  }
0xa7: {  	s28 =	simm.s32 $_size_execute0_lowered;
	s3 =	sadd.s32 s3, s5;
	[dreg:$0x0] =	wrdreg $0x0  }
0xa8: {  	s5 =	sshll.u32 s28, $0x1;
	[dreg:$0x2] =	wrdreg s3  }
0xa9: {  	[dreg:$0x3] =	wrdreg s5  }
0xaa: {  	[dreg:$0x4] =	wrdreg $0xC0  }
0xab: {  	_ =	task [dreg:s7], $0x5FFFF  }
0xac: {  	[dreg:$0x1] =	wrdreg $0xFFFFFFFF  }
0xad: {  	[dreg:$0x0] =	wrdreg $0x60  }
0xae: {  	[dreg:$0x2] =	wrdreg s24  }
0xaf: {  	[dreg:$0x3] =	wrdreg s2  }
0xb0: {  	[dreg:$0x4] =	wrdreg $0x9  }
0xb1: {  	_ =	task.clear_ibuf [dreg:s7], $0x5FFFF;
	_ =	strace $0x90000046  }
0xb2: {  	s29 =	simm.s32 $0x9;
	_ =	strace $0x80000048  }
0xb3: {  	_ =	swait.ge [sflag:s29], $0x1  }
0xb4: {  	[sflag:s29] =	ssyncadd.s32 $0xFFFFFFFF  }
0xb5: {  	_ =	strace $0x90000048  }
0xb6: {  	_ =	sfence  }
0xb7: {  	s30 =	sld [smem:$0x0];
	_ =	sdelay $0x2  }
0xb8: {  	s31 =	sshll.u32 s1, $0xD;
	s1 =	sshrl.u32 s1, $0x2  }
0xb9: {  	s3 =	sand.u32 $0x4000, s31;
	s1 =	sadd.s32 s1, s30  }
0xba: {  	s0 =	sor.u32 s3, s0;
	s1 =	sshll.u32 s1, $0x11  }
0xbb: {  	s0 =	sor.u32 s1, s0  }
0xbc: {  	s0 =	sadd.s32 $0x8F2B, s0  }
0xbd: {  	[sflag:s0] =	ssyncadd.remote.s32 $0x1  }
0xbe: {  	_ =	sfence.sel $0xFFFF  }
0xbf: {  	[dreg:$0x0] =	wrdreg $0xFFFFFFFF;
	(pc) =	sbr.abs _section_cstart, $3  }
0xc0: {  	[dreg:$0x1] =	wrdreg $0xFFFFFFFF  }
0xc1: {  	_ =	task.clear_ibuf [dreg:s7], $0x2FFFF;
	_ =	strace $0x9FFFFFFF  }
0xc2: {  	(tm) =	ssettm $0x7FFFFFFF  }
0xc3: {  	_ =	shalt  }
tec
execute0_lowered:
.L_overlay_start_1:
0x0: {  	(tag) =	ssettag $0x1  }
0x1: {  	s0 =	rddreg [dreg:$0x0];
	s1 =	srdreg.scid  }
0x2: {  	s3 =	stileid.u32;
	s2 =	rddreg [dreg:$0x1]  }
0x3: {  	s9 =	simm.s32 $0x7;
	s11 =	simm.s32 $0x80;
	s12 =	simm.s32 $0x6400  }
0x4: {  	s14 =	simm.s32 $0x100;
	s15 =	simm.s32 $0xE400;
	s16 =	simm.s32 $0x12400  }
0x5: {  	s17 =	simm.s32 $0x1;
	s18 =	simm.s32 $0x16400;
	s19 =	simm.s32 $0x2  }
0x6: {  	s20 =	simm.s32 $0x5;
	s21 =	simm.s32 $0x3;
	s22 =	simm.s32 $0x6  }
0x7: {  	v0 =	vlaneseq.u32;
	s23 =	simm.s32 $0x4;
	s1 =	sand.u32 $0x1, s1;
	s4 =	sshll.u32 s3, $0x1  }
0x8: {  	s24 =	simm.s32 $0x0;
	s3 =	simm.s32 $0x0;
	v0 =	vmul.u32 $0x88, v0;
	s7 =	sor.u32 s1, s4  }
0x9: {  	[smem:$0x7FF] =	sst s3;
	s1 =	ssub.s32 $0x2, s1;
	s4 =	smul.u32 $0xC80, s7  }
0xa: {  	s5 =	sadd.s32 $0xF5BC00, s0;
	_ =	strace $0x80000047;
	s8 =	sshrl.u32 s1, $0x1;
	v1 =	vadd.s32 $0x880, v0;
	v2 =	vadd.s32 $0x1100, v0  }
0xb: {  	s7 =	sshll.u32 s7, $0xA;
	v3 =	vadd.s32 $0x1980, v0;
	v4 =	vadd.s32 $0x2200, v0;
	v5 =	vadd.s32 $0x2A80, v0;
	s31 =	ssub.s32 s1, s8;
	s6 =	sadd.s32 s4, s0  }
0xc: {  	v6 =	vadd.s32 $0x3300, v0;
	v7 =	vadd.s32 $0x3B80, v0;
	s4 =	sadd.s32 $0xF5CC00, s0;
	s8 =	smax.u32 s31, $0x1;
	s6 =	sadd.s32 $0xF42C00, s6  }
.LBB2_1:
0xd: {  	[tilespmem:s3], [sflag:$0x7] =	stream.linear.gather [hbm4b:s6+s3], $0x6400, $0x38;
	[tilespmem:$0x1DA00] =	vst v63  }
0xe: {  	_ =	swait.ge [sflag:s9], $0x6400  }
0xf: {  	[sflag:s9] =	ssyncset.done $0x0  }
0x10: {  	s0 =	simm.s32 $0x1A800;
	[sflag:s9] =	ssyncadd.s32 $0xFFFF9C00  }
0x11: {  	[tilespmem:s0], [sflag:$0x7] =	stream.linear.gather [hbm4b:s5+s3], $0x3200, $0x38;
	[tilespmem:$0x1DA00] =	vst v63  }
0x12: {  	_ =	swait.ge [sflag:s9], $0x3200  }
0x13: {  	[sflag:s9] =	ssyncset.done $0x0  }
0x14: {  	[sflag:s9] =	ssyncadd.s32 $0xFFFFCE00  }
0x15: {  	[tilespmem:s12], [sflag:$0x1] =	stream.indirect.gather [hbm4b:s4+s11], $0x80, s3, s11, $0xb8;
	[tilespmem:$0x1DA00] =	vst v63  }
0x16: {  	s31 =	simm.s32 $0xA400  }
0x17: {  	[tilespmem:s31], [sflag:$0x2] =	stream.indirect.gather [hbm4b:s4+s11], $0x80, s11, s11, $0xb8;
	[tilespmem:$0x1DA00] =	vst v63  }
0x18: {  	s25 =	simm.s32 $0x0  }
0x19: {  	[tilespmem:s15], [sflag:$0x3] =	stream.indirect.gather [hbm4b:s4+s11], $0x80, s14, s11, $0xb8;
	[tilespmem:$0x1DA00] =	vst v63  }
.LBB2_2:
0x1a: {  	p0 =	seq.s32 s25, $0x0  }
0x1b: {  	s28 =	sshll.u32 s25, $0x2;
	s0 =	simm.s32 @!p0 $0x5  }
0x1c: {  	s26 =	sor.u32 $0x3, s28;
	_ =	swait.ge @!p0 [sflag:s0], $0x2000  }
0x1d: {  	s1 =	sshll.u32 s26, $0x7;
	[sflag:s0] =	ssyncset.done @!p0 $0x0  }
0x1e: {  	s1 =	sand.u32 $0x3FFFFF80, s1;
	[sflag:s0] =	ssyncadd.s32 @!p0 $0xFFFFE000  }
0x1f: {  	[tilespmem:s16], [sflag:$0x4] =	stream.indirect.gather [hbm4b:s4+s11], $0x80, s1, s11, $0xb8;
	[tilespmem:$0x1DA00] =	vst v63  }
0x20: {  	_ =	swait.ge [sflag:s17], $0x4000  }
0x21: {  	[sflag:s17] =	ssyncset.done $0x0  }
0x22: {  	s1 =	simm.s32 $0x6500;
	[sflag:s17] =	ssyncadd.s32 $0xFFFFC000  }
0x23: {  	s10 =	sshll.u32 s25, $0x8;
	v8 =	vld [tilespmem:s1+$0x80]  }
0x24: {  	s29 =	simm.s32 $0x3;
	s0 =	sand.u32 $0x3FFFFF00, s10  }
0x25: {  	v9 =	vmov s29;
	v14 =	vld [tilespmem:s0+$0x1A800]  }
0x26: {  	v19 =	vand.u32 $0x7F, v9  }
0x27: {  	v13 =	vadd.s32 v0, v19;
	v12 =	vld [tilespmem:s1+$0xFFFFFF00]  }
0x28: {  	s29 =	simm.s32 $0x0;
	v15 =	vld [tilespmem:s1+$0xFFFFFF80];
	v8 =	vmul.f32 $8.000000000e+00, v8  }
0x29: {  	v10 =	vmov s29;
	s29 =	simm.s32 $0x1;
	v16 =	vld [tilespmem:s1+$0x0]  }
0x2a: {  	v18 =	vand.u32 $0x7C, v10;
	v10 =	vmov s29;
	s29 =	simm.s32 $0x2;
	v11 =	vld [tilespmem:s0+$0x1A810];
	v17 =	vadd.f32 v8, v14  }
0x2b: {  	v20 =	vadd.s32 v0, v18;
	v21 =	vmov s29;
	v34 =	vand.u32 $0x7D, v10;
	v9 =	vld [tilespmem:s0+$0x1A820]  }
0x2c: {  	v10 =	vand.u32 $0x7E, v21;
	v21 =	vadd.s32 v0, v34;
	v12 =	vmul.f32 $8.000000000e+00, v12;
	v8 =	vld [tilespmem:s0+$0x1A830];
	[tilespmem:v13+s18+$0x0] =	vst.idx.msk $0xffff, v17  }
0x2d: {  	v13 =	vmul.f32 $8.000000000e+00, v15;
	v15 =	vadd.s32 v0, v10;
	v17 =	vld [tilespmem:s1+$0x90]  }
0x2e: {  	v16 =	vmul.f32 $8.000000000e+00, v16;
	v12 =	vadd.f32 v12, v14  }
0x2f: {  	v13 =	vadd.f32 v13, v14  }
0x30: {  	[tilespmem:v20+s18+$0x0] =	vst.idx.msk $0xffff, v12;
	v12 =	vadd.f32 v16, v14  }
0x31: {  	v16 =	vld [tilespmem:s1+$0xFFFFFF10];
	[tilespmem:v21+s18+$0x0] =	vst.idx.msk $0xffff, v13;
	v13 =	vadd.s32 v1, v19  }
0x32: {  	v20 =	vld [tilespmem:s1+$0xFFFFFF90];
	[tilespmem:v15+s18+$0x0] =	vst.idx.msk $0xffff, v12;
	v12 =	vmul.f32 $8.000000000e+00, v17  }
0x33: {  	s29 =	simm.s32 $0x6700;
	v15 =	vld [tilespmem:s1+$0x10]  }
0x34: {  	v23 =	vld [tilespmem:s29+$0x80];
	v12 =	vadd.f32 v12, v11  }
0x35: {  	s13 =	simm.s32 $0x4;
	v30 =	vadd.s32 v2, v19;
	v17 =	vadd.s32 v1, v18  }
0x36: {  	v22 =	vadd.s32 v1, v34;
	v21 =	vmov s13;
	v16 =	vmul.f32 $8.000000000e+00, v16;
	[tilespmem:v13+s18+$0x0] =	vst.idx.msk $0xffff, v12  }
0x37: {  	s10 =	simm.s32 $0x7;
	v12 =	vand.u32 $0x7C, v21;
	v13 =	vmul.f32 $8.000000000e+00, v20;
	v20 =	vadd.s32 v1, v10;
	v21 =	vld [tilespmem:s1+$0xA0]  }
0x38: {  	v25 =	vmov s10;
	v24 =	vld [tilespmem:s29+$0xFFFFFF00];
	v16 =	vadd.f32 v16, v11;
	v15 =	vmul.f32 $8.000000000e+00, v15  }
0x39: {  	v28 =	vld [tilespmem:s29+$0xFFFFFF80];
	v23 =	vmul.f32 $8.000000000e+00, v23;
	v27 =	vadd.f32 v13, v11;
	v13 =	vand.u32 $0x7F, v25  }
0x3a: {  	s13 =	simm.s32 $0x5;
	[tilespmem:v17+s18+$0x0] =	vst.idx.msk $0xffff, v16;
	v16 =	vld [tilespmem:s29+$0x0];
	v15 =	vadd.f32 v15, v11;
	v29 =	vadd.s32 v0, v13  }
0x3b: {  	s10 =	simm.s32 $0x6;
	v23 =	vadd.f32 v23, v14;
	v26 =	vadd.s32 v0, v12;
	v25 =	vmov s13;
	[tilespmem:v22+s18+$0x0] =	vst.idx.msk $0xffff, v27;
	v27 =	vld [tilespmem:s1+$0xFFFFFF20]  }
0x3c: {  	v17 =	vand.u32 $0x7D, v25;
	v22 =	vmov s10;
	[tilespmem:v20+s18+$0x0] =	vst.idx.msk $0xffff, v15;
	v20 =	vld [tilespmem:s1+$0xFFFFFFA0];
	v21 =	vmul.f32 $8.000000000e+00, v21  }
0x3d: {  	v15 =	vand.u32 $0x7E, v22;
	v22 =	vmul.f32 $8.000000000e+00, v24;
	v24 =	vadd.s32 v0, v17;
	v25 =	vld [tilespmem:s1+$0x20]  }
0x3e: {  	v28 =	vmul.f32 $8.000000000e+00, v28;
	v31 =	vadd.s32 v0, v15;
	v21 =	vadd.f32 v21, v9  }
0x3f: {  	v16 =	vmul.f32 $8.000000000e+00, v16;
	v22 =	vadd.f32 v22, v14;
	[tilespmem:v29+s18+$0x0] =	vst.idx.msk $0xffff, v23;
	v23 =	vadd.s32 v2, v18  }
0x40: {  	v28 =	vadd.f32 v28, v14;
	v29 =	vld [tilespmem:s29+$0x90];
	v27 =	vmul.f32 $8.000000000e+00, v27;
	[tilespmem:v30+s18+$0x0] =	vst.idx.msk $0xffff, v21;
	v21 =	vadd.s32 v2, v34  }
0x41: {  	[tilespmem:v26+s18+$0x0] =	vst.idx.msk $0xffff, v22;
	v22 =	vadd.f32 v16, v14;
	v20 =	vmul.f32 $8.000000000e+00, v20;
	v30 =	vadd.s32 v2, v10;
	v26 =	vld [tilespmem:s1+$0xB0]  }
0x42: {  	s31 =	simm.s32 $0x8;
	v32 =	vld [tilespmem:s29+$0xFFFFFF10];
	[tilespmem:v24+s18+$0x0] =	vst.idx.msk $0xffff, v28;
	v25 =	vmul.f32 $8.000000000e+00, v25;
	v27 =	vadd.f32 v27, v9  }
0x43: {  	v35 =	vadd.s32 v1, v13;
	v16 =	vmov s31;
	v28 =	vld [tilespmem:s29+$0xFFFFFF90];
	[tilespmem:v31+s18+$0x0] =	vst.idx.msk $0xffff, v22;
	v20 =	vadd.f32 v20, v9  }
0x44: {  	s13 =	simm.s32 $0x9;
	v18 =	vadd.s32 v3, v18;
	v16 =	vand.u32 $0x7C, v16;
	v31 =	vld [tilespmem:s29+$0x10];
	v33 =	vadd.f32 v25, v9;
	[tilespmem:v23+s18+$0x0] =	vst.idx.msk $0xffff, v27  }
0x45: {  	v24 =	vmov s13;
	v23 =	vadd.s32 v3, v19;
	v36 =	vmul.f32 $8.000000000e+00, v29;
	v25 =	vld [tilespmem:s1+$0xFFFFFF30];
	[tilespmem:v21+s18+$0x0] =	vst.idx.msk $0xffff, v20  }
0x46: {  	v22 =	vadd.s32 v0, v16;
	v29 =	vadd.s32 v1, v12;
	[tilespmem:v30+s18+$0x0] =	vst.idx.msk $0xffff, v33;
	v19 =	vmul.f32 $8.000000000e+00, v26;
	v21 =	vld [tilespmem:s1+$0xFFFFFFB0]  }
0x47: {  	v27 =	vadd.s32 v1, v17;
	v32 =	vmul.f32 $8.000000000e+00, v32;
	v36 =	vadd.f32 v36, v11;
	v20 =	vld [tilespmem:s1+$0x30]  }
0x48: {  	s30 =	simm.s32 $0x6900;
	v30 =	vmul.f32 $8.000000000e+00, v28;
	v26 =	vadd.s32 v1, v15;
	v28 =	vadd.f32 v19, v8  }
0x49: {  	v33 =	vld [tilespmem:s30+$0x80];
	s1 =	simm.s32 $0xC;
	v32 =	vadd.f32 v32, v11;
	v31 =	vmul.f32 $8.000000000e+00, v31;
	[tilespmem:v35+s18+$0x0] =	vst.idx.msk $0xffff, v36;
	v19 =	vadd.s32 v3, v34  }
.LBB2_3:
0x4a: {  	p1 =	slt.u32 s1, $0x7C;
	s0 =	sadd.s32 $0x3, s31;
	v30 =	vadd.f32 v30, v11;
	v34 =	vld [tilespmem:s29+$0xA0];
	v25 =	vmul.f32 $8.000000000e+00, v25;
	v35 =	vadd.s32 v3, v10;
	[tilespmem:v23+s18+$0x0] =	vst.idx.msk $0xffff, v28  }
0x4b: {  	v36 =	vmovc v17;
	v10 =	vmovc v15;
	v23 =	vld [tilespmem:s30+$0xFFFFFF00];
	v28 =	vmov s0;
	[tilespmem:v29+s18+$0x0] =	vst.idx.msk $0xffff, v32;
	v29 =	vadd.f32 v31, v11;
	v21 =	vmul.f32 $8.000000000e+00, v21  }
0x4c: {  	s0 =	sadd.s32 $0x2, s31;
	s31 =	smov.u32 s1;
	v31 =	vld [tilespmem:s30+$0xFFFFFF80];
	v28 =	vand.u32 $0x7F, v28;
	[tilespmem:v27+s18+$0x0] =	vst.idx.msk $0xffff, v30;
	v15 =	vadd.f32 v25, v8;
	v17 =	vmul.f32 $8.000000000e+00, v20  }
0x4d: {  	v20 =	vmov s0;
	v25 =	vld [tilespmem:s30+$0x0];
	v27 =	vadd.s32 v0, v28;
	[tilespmem:v26+s18+$0x0] =	vst.idx.msk $0xffff, v29;
	v21 =	vadd.f32 v21, v8  }
0x4e: {  	v30 =	vadd.s32 v2, v13;
	v26 =	vmul.f32 $8.000000000e+00, v33;
	v29 =	vld [tilespmem:s29+$0xFFFFFF20];
	[tilespmem:v18+s18+$0x0] =	vst.idx.msk $0xffff, v15;
	v18 =	vadd.f32 v17, v8  }
0x4f: {  	v17 =	vand.u32 $0x7D, v24;
	v15 =	vand.u32 $0x7E, v20;
	v20 =	vld [tilespmem:s29+$0xFFFFFFA0];
	v24 =	vmul.f32 $8.000000000e+00, v34;
	[tilespmem:v19+s18+$0x0] =	vst.idx.msk $0xffff, v21  }
0x50: {  	v21 =	vadd.s32 v0, v17;
	v19 =	vmul.f32 $8.000000000e+00, v23;
	v23 =	vadd.f32 v26, v14;
	v26 =	vld [tilespmem:s29+$0x20];
	[tilespmem:v35+s18+$0x0] =	vst.idx.msk $0xffff, v18  }
0x51: {  	v18 =	vmul.f32 $8.000000000e+00, v31;
	v31 =	vadd.s32 v0, v15;
	v24 =	vadd.f32 v24, v9  }
0x52: {  	v19 =	vadd.f32 v19, v14;
	v25 =	vmul.f32 $8.000000000e+00, v25;
	[tilespmem:v27+s18+$0x0] =	vst.idx.msk $0xffff, v23;
	v23 =	vadd.s32 v2, v12  }
0x53: {  	v32 =	vadd.s32 v2, v36;
	v18 =	vadd.f32 v18, v14;
	v27 =	vld [tilespmem:s30+$0x90];
	v29 =	vmul.f32 $8.000000000e+00, v29;
	[tilespmem:v30+s18+$0x0] =	vst.idx.msk $0xffff, v24  }
0x54: {  	v30 =	vadd.s32 v2, v10;
	[tilespmem:v22+s18+$0x0] =	vst.idx.msk $0xffff, v19;
	v19 =	vadd.f32 v25, v14;
	v20 =	vmul.f32 $8.000000000e+00, v20;
	v33 =	vld [tilespmem:s29+$0xB0]  }
0x55: {  	v22 =	vmov s1;
	v34 =	vld [tilespmem:s30+$0xFFFFFF10];
	[tilespmem:v21+s18+$0x0] =	vst.idx.msk $0xffff, v18;
	v18 =	vadd.f32 v29, v9;
	v21 =	vmul.f32 $8.000000000e+00, v26  }
0x56: {  	s0 =	sadd.s32 $0x1, s1;
	v35 =	vand.u32 $0x7C, v22;
	v26 =	vld [tilespmem:s30+$0xFFFFFF90];
	[tilespmem:v31+s18+$0x0] =	vst.idx.msk $0xffff, v19;
	v19 =	vadd.f32 v20, v9  }
0x57: {  	v37 =	vadd.s32 v1, v28;
	v24 =	vmov s0;
	v31 =	vld [tilespmem:s30+$0x10];
	[tilespmem:v23+s18+$0x0] =	vst.idx.msk $0xffff, v18;
	v20 =	vadd.f32 v21, v9  }
.Ltmp0:
0x58: {  	v18 =	vadd.s32 v3, v12;
	v23 =	vadd.s32 v3, v13;
	v38 =	vmul.f32 $8.000000000e+00, v27;
	v25 =	vld [tilespmem:s29+$0xFFFFFF30];
	[tilespmem:v32+s18+$0x0] =	vst.idx.msk $0xffff, v19;
	(pc) =	sbr.rel @p1 .LBB2_3-.Ltmp0, $4  }
0x59: {  	v29 =	vadd.s32 v1, v16;
	v22 =	vadd.s32 v0, v35;
	v21 =	vld [tilespmem:s29+$0xFFFFFFB0];
	[tilespmem:v30+s18+$0x0] =	vst.idx.msk $0xffff, v20;
	v19 =	vmul.f32 $8.000000000e+00, v33  }
0x5a: {  	v13 =	vmovc v28;
	v12 =	vmovc v16;
	v27 =	vadd.s32 v1, v17;
	v32 =	vmul.f32 $8.000000000e+00, v34;
	v34 =	vadd.f32 v38, v11;
	v20 =	vld [tilespmem:s29+$0x30];
	s29 =	smov.u32 s30  }
0x5b: {  	v16 =	vmovc v35;
	s30 =	sadd.s32 $0x200, s30;
	v30 =	vmul.f32 $8.000000000e+00, v26;
	v26 =	vadd.s32 v1, v15;
	v28 =	vadd.f32 v19, v8  }
0x5c: {  	s1 =	sadd.s32 $0x4, s1;
	v19 =	vadd.s32 v3, v36;
	v33 =	vld [tilespmem:s30+$0x80];
	v32 =	vadd.f32 v32, v11;
	v31 =	vmul.f32 $8.000000000e+00, v31;
	[tilespmem:v37+s18+$0x0] =	vst.idx.msk $0xffff, v34  }
0x5d: {  	s0 =	sadd.s32 $0x3, s31;
	v34 =	vld [tilespmem:s30+$0xFFFFFF00]  }
0x5e: {  	v36 =	vld [tilespmem:s30+$0xFFFFFF80];
	v35 =	vmov s0  }
0x5f: {  	v37 =	vld [tilespmem:s30+$0x0];
	v35 =	vand.u32 $0x7F, v35  }
0x60: {  	s1 =	sadd.s32 $0x2, s31;
	v38 =	vadd.s32 v0, v35  }
0x61: {  	v24 =	vand.u32 $0x7D, v24;
	v39 =	vmov s1;
	v33 =	vmul.f32 $8.000000000e+00, v33  }
0x62: {  	v40 =	vadd.s32 v0, v24;
	v39 =	vand.u32 $0x7E, v39;
	v34 =	vmul.f32 $8.000000000e+00, v34  }
0x63: {  	v41 =	vadd.s32 v0, v39;
	v36 =	vmul.f32 $8.000000000e+00, v36;
	v33 =	vadd.f32 v33, v14  }
0x64: {  	v37 =	vmul.f32 $8.000000000e+00, v37;
	v34 =	vadd.f32 v34, v14  }
0x65: {  	v51 =	vadd.f32 v36, v14;
	[tilespmem:v38+s18+$0x0] =	vst.idx.msk $0xffff, v33  }
0x66: {  	v53 =	vadd.f32 v37, v14;
	[tilespmem:v22+s18+$0x0] =	vst.idx.msk $0xffff, v34;
	v52 =	vld [tilespmem:s30+$0x90]  }
0x67: {  	[tilespmem:v40+s18+$0x0] =	vst.idx.msk $0xffff, v51;
	v34 =	vld [tilespmem:s30+$0xFFFFFF10]  }
0x68: {  	[tilespmem:v41+s18+$0x0] =	vst.idx.msk $0xffff, v53;
	v33 =	vld [tilespmem:s30+$0xFFFFFF90]  }
0x69: {  	v14 =	vld [tilespmem:s30+$0x10]  }
0x6a: {  	v54 =	vadd.s32 v1, v35  }
0x6b: {  	v30 =	vadd.f32 v30, v11;
	v55 =	vadd.s32 v1, v16;
	v22 =	vmul.f32 $8.000000000e+00, v52  }
0x6c: {  	v56 =	vld [tilespmem:s29+$0xA0];
	[tilespmem:v29+s18+$0x0] =	vst.idx.msk $0xffff, v32;
	v31 =	vadd.f32 v31, v11;
	v58 =	vadd.s32 v1, v24;
	v57 =	vmul.f32 $8.000000000e+00, v34  }
0x6d: {  	[tilespmem:v27+s18+$0x0] =	vst.idx.msk $0xffff, v30;
	v59 =	vld [tilespmem:s29+$0xFFFFFF20];
	v61 =	vadd.s32 v1, v39;
	v60 =	vmul.f32 $8.000000000e+00, v33;
	v22 =	vadd.f32 v22, v11  }
0x6e: {  	[tilespmem:v26+s18+$0x0] =	vst.idx.msk $0xffff, v31;
	v62 =	vld [tilespmem:s29+$0xFFFFFFA0];
	v14 =	vmul.f32 $8.000000000e+00, v14;
	v63 =	vadd.f32 v57, v11  }
0x6f: {  	v36 =	vld [tilespmem:s29+$0x20];
	v30 =	vadd.f32 v60, v11;
	[tilespmem:v54+s18+$0x0] =	vst.idx.msk $0xffff, v22  }
0x70: {  	v25 =	vmul.f32 $8.000000000e+00, v25;
	v37 =	vadd.s32 v2, v13;
	v38 =	vadd.f32 v14, v11;
	[tilespmem:v55+s18+$0x0] =	vst.idx.msk $0xffff, v63;
	v40 =	vld [tilespmem:s30+$0xA0]  }
0x71: {  	v29 =	vmul.f32 $8.000000000e+00, v56;
	v41 =	vadd.s32 v2, v12;
	[tilespmem:v58+s18+$0x0] =	vst.idx.msk $0xffff, v30;
	v42 =	vld [tilespmem:s30+$0xFFFFFF20]  }
0x72: {  	v43 =	vadd.s32 v2, v17;
	v25 =	vadd.f32 v25, v8;
	v27 =	vmul.f32 $8.000000000e+00, v59;
	[tilespmem:v61+s18+$0x0] =	vst.idx.msk $0xffff, v38;
	v44 =	vld [tilespmem:s30+$0xFFFFFFA0]  }
0x73: {  	[tilespmem:v23+s18+$0x0] =	vst.idx.msk $0xffff, v28;
	v46 =	vadd.s32 v2, v15;
	v45 =	vadd.f32 v29, v9;
	v26 =	vmul.f32 $8.000000000e+00, v62;
	v47 =	vld [tilespmem:s30+$0x20]  }
0x74: {  	v49 =	vadd.s32 v2, v35;
	[tilespmem:v18+s18+$0x0] =	vst.idx.msk $0xffff, v25;
	v48 =	vadd.f32 v27, v9;
	v22 =	vmul.f32 $8.000000000e+00, v36  }
0x75: {  	v51 =	vadd.s32 v2, v16;
	v50 =	vadd.f32 v26, v9;
	[tilespmem:v37+s18+$0x0] =	vst.idx.msk $0xffff, v45;
	v14 =	vmul.f32 $8.000000000e+00, v40  }
0x76: {  	v52 =	vld [tilespmem:s29+$0xB0];
	[tilespmem:v41+s18+$0x0] =	vst.idx.msk $0xffff, v48;
	v55 =	vadd.s32 v2, v24;
	v53 =	vadd.f32 v22, v9;
	v54 =	vmul.f32 $8.000000000e+00, v42  }
0x77: {  	v59 =	vadd.s32 v2, v39;
	[tilespmem:v43+s18+$0x0] =	vst.idx.msk $0xffff, v50;
	v56 =	vld [tilespmem:s29+$0xFFFFFF30];
	v58 =	vmul.f32 $8.000000000e+00, v44;
	v57 =	vadd.f32 v14, v9  }
0x78: {  	v10 =	vadd.s32 v3, v10;
	v60 =	vld [tilespmem:s29+$0xFFFFFFB0];
	[tilespmem:v46+s18+$0x0] =	vst.idx.msk $0xffff, v53;
	v62 =	vmul.f32 $8.000000000e+00, v47;
	v61 =	vadd.f32 v54, v9  }
0x79: {  	v25 =	vmul.f32 $8.000000000e+00, v20;
	v28 =	vld [tilespmem:s29+$0x30];
	v63 =	vadd.f32 v58, v9;
	[tilespmem:v49+s18+$0x0] =	vst.idx.msk $0xffff, v57  }
0x7a: {  	v21 =	vmul.f32 $8.000000000e+00, v21;
	v29 =	vadd.s32 v3, v13;
	v34 =	vadd.f32 v62, v9;
	v33 =	vld [tilespmem:s30+$0xB0];
	[tilespmem:v51+s18+$0x0] =	vst.idx.msk $0xffff, v61  }
0x7b: {  	v37 =	vadd.s32 v3, v12;
	v41 =	vadd.f32 v25, v8;
	v38 =	vmul.f32 $8.000000000e+00, v52;
	[tilespmem:v55+s18+$0x0] =	vst.idx.msk $0xffff, v63;
	v40 =	vld [tilespmem:s30+$0xFFFFFF30]  }
0x7c: {  	v36 =	vadd.f32 v21, v8;
	v43 =	vmul.f32 $8.000000000e+00, v56;
	v42 =	vadd.s32 v3, v17;
	[tilespmem:v59+s18+$0x0] =	vst.idx.msk $0xffff, v34;
	v44 =	vld [tilespmem:s30+$0xFFFFFFB0]  }
0x7d: {  	[tilespmem:v10+s18+$0x0] =	vst.idx.msk $0xffff, v41;
	v45 =	vadd.f32 v38, v8;
	v46 =	vadd.s32 v3, v15;
	v47 =	vmul.f32 $8.000000000e+00, v60;
	v48 =	vld [tilespmem:s30+$0x30]  }
0x7e: {  	[tilespmem:v19+s18+$0x0] =	vst.idx.msk $0xffff, v36;
	v49 =	vadd.f32 v43, v8;
	v50 =	vmul.f32 $8.000000000e+00, v28;
	v51 =	vadd.s32 v3, v35  }
0x7f: {  	v53 =	vadd.s32 v3, v16;
	[tilespmem:v29+s18+$0x0] =	vst.idx.msk $0xffff, v45;
	v52 =	vadd.f32 v47, v8;
	v54 =	vmul.f32 $8.000000000e+00, v33  }
0x80: {  	v56 =	vadd.s32 v3, v24;
	[tilespmem:v37+s18+$0x0] =	vst.idx.msk $0xffff, v49;
	v55 =	vadd.f32 v50, v8;
	v57 =	vmul.f32 $8.000000000e+00, v40  }
0x81: {  	v59 =	vadd.s32 v3, v39;
	[tilespmem:v42+s18+$0x0] =	vst.idx.msk $0xffff, v52;
	v60 =	vmul.f32 $8.000000000e+00, v44;
	v58 =	vadd.f32 v54, v8  }
0x82: {  	[tilespmem:v46+s18+$0x0] =	vst.idx.msk $0xffff, v55;
	v62 =	vmul.f32 $8.000000000e+00, v48;
	v61 =	vadd.f32 v57, v8  }
0x83: {  	s10 =	sshll.u32 s25, $0x14;
	v63 =	vadd.f32 v60, v8;
	[tilespmem:v51+s18+$0x0] =	vst.idx.msk $0xffff, v58  }
0x84: {  	s0 =	sor.u32 s7, s10;
	v8 =	vadd.f32 v62, v8;
	[tilespmem:v53+s18+$0x0] =	vst.idx.msk $0xffff, v61  }
0x85: {  	s0 =	sshrl.u32 s0, $0x3;
	[tilespmem:v56+s18+$0x0] =	vst.idx.msk $0xffff, v63  }
0x86: {  	s13 =	simm.s32 $0x16400;
	s1 =	sadd.s32 s2, s0;
	[tilespmem:v59+s18+$0x0] =	vst.idx.msk $0xffff, v8  }
0x87: {  	[hbm4b:s1+s3] =	stream.linear.scatter [tilespmem:s13], [sflag:$0x5], $0x80, $0x38;
	[tilespmem:$0x1DA00] =	vst v63  }
0x88: {  	s10 =	simm.s32 $0x16488;
	s29 =	sadd.s32 $0x10, s1  }
0x89: {  	[hbm4b:s29+s3] =	stream.linear.scatter [tilespmem:s10], [sflag:$0x5], $0x80, $0x38;
	[tilespmem:$0x1DA00] =	vst v63  }
0x8a: {  	s13 =	simm.s32 $0x16510;
	s29 =	sadd.s32 $0x20, s1  }
0x8b: {  	[hbm4b:s29+s3] =	stream.linear.scatter [tilespmem:s13], [sflag:$0x5], $0x80, $0x38;
	[tilespmem:$0x1DA00] =	vst v63  }
0x8c: {  	s10 =	simm.s32 $0x16598;
	s29 =	sadd.s32 $0x30, s1  }
0x8d: {  	[hbm4b:s29+s3] =	stream.linear.scatter [tilespmem:s10], [sflag:$0x5], $0x80, $0x38;
	[tilespmem:$0x1DA00] =	vst v63  }
0x8e: {  	s13 =	simm.s32 $0x16620;
	s29 =	sadd.s32 $0x40, s1  }
0x8f: {  	[hbm4b:s29+s3] =	stream.linear.scatter [tilespmem:s13], [sflag:$0x5], $0x80, $0x38;
	[tilespmem:$0x1DA00] =	vst v63  }
0x90: {  	s0 =	simm.s32 $0x440;
	s10 =	simm.s32 $0x166A8;
	s29 =	sadd.s32 $0x50, s1  }
0x91: {  	[hbm4b:s29+s3] =	stream.linear.scatter [tilespmem:s10], [sflag:$0x5], $0x80, $0x38;
	[tilespmem:$0x1DA00] =	vst v63  }
0x92: {  	s31 =	sadd.s32 $0x70, s1;
	s13 =	simm.s32 $0x16730;
	s29 =	sadd.s32 $0x60, s1  }
0x93: {  	[hbm4b:s29+s3] =	stream.linear.scatter [tilespmem:s13], [sflag:$0x5], $0x80, $0x38;
	[tilespmem:$0x1DA00] =	vst v63  }
0x94: {  	s30 =	simm.s32 $0x167B8;
	s1 =	sadd.s32 $0x1000, s1;
	s29 =	simm.s32 $0x2200  }
.LBB2_5:
0x95: {  	[hbm4b:s31+s3] =	stream.linear.scatter [tilespmem:s30], [sflag:$0x5], $0x80, $0x38;
	[tilespmem:$0x1DA00] =	vst v63  }
0x96: {  	s30 =	smov.u32 s0;
	s0 =	smov.u32 s29  }
0x97: {  	s10 =	sadd.s32 $0x1100, s29;
	s0 =	sshra.s32 s0, $0x2;
	s31 =	sadd.s32 $0x16400, s30  }
0x98: {  	[hbm4b:s1+s3] =	stream.linear.scatter [tilespmem:s31], [sflag:$0x5], $0x80, $0x38;
	[tilespmem:$0x1DA00] =	vst v63  }
0x99: {  	p1 =	sne.s32 s29, $0x7700;
	s29 =	sadd.s32 $0x16488, s30;
	s31 =	sadd.s32 $0x10, s1  }
0x9a: {  	[hbm4b:s31+s3] =	stream.linear.scatter [tilespmem:s29], [sflag:$0x5], $0x80, $0x38;
	[tilespmem:$0x1DA00] =	vst v63  }
0x9b: {  	s29 =	sadd.s32 $0x16510, s30;
	s31 =	sadd.s32 $0x20, s1  }
0x9c: {  	[hbm4b:s31+s3] =	stream.linear.scatter [tilespmem:s29], [sflag:$0x5], $0x80, $0x38;
	[tilespmem:$0x1DA00] =	vst v63  }
0x9d: {  	s29 =	sadd.s32 $0x16598, s30;
	s31 =	sadd.s32 $0x30, s1  }
0x9e: {  	[hbm4b:s31+s3] =	stream.linear.scatter [tilespmem:s29], [sflag:$0x5], $0x80, $0x38;
	[tilespmem:$0x1DA00] =	vst v63  }
0x9f: {  	s29 =	sadd.s32 $0x16620, s30;
	s31 =	sadd.s32 $0x40, s1  }
0xa0: {  	[hbm4b:s31+s3] =	stream.linear.scatter [tilespmem:s29], [sflag:$0x5], $0x80, $0x38;
	[tilespmem:$0x1DA00] =	vst v63  }
.Ltmp1:
0xa1: {  	s29 =	sadd.s32 $0x166A8, s30;
	s31 =	sadd.s32 $0x50, s1;
	(pc) =	sbr.rel @p1 .LBB2_5-.Ltmp1, $4  }
0xa2: {  	[hbm4b:s31+s3] =	stream.linear.scatter [tilespmem:s29], [sflag:$0x5], $0x80, $0x38;
	[tilespmem:$0x1DA00] =	vst v63  }
0xa3: {  	s29 =	sadd.s32 $0x16730, s30;
	s31 =	sadd.s32 $0x60, s1;
	s30 =	sadd.s32 $0x167B8, s30  }
0xa4: {  	[hbm4b:s31+s3] =	stream.linear.scatter [tilespmem:s29], [sflag:$0x5], $0x80, $0x38;
	[tilespmem:$0x1DA00] =	vst v63  }
0xa5: {  	s31 =	sadd.s32 $0x70, s1;
	s1 =	sadd.s32 $0x1000, s1;
	s29 =	smov.u32 s10  }
0xa6: {  	[hbm4b:s31+s3] =	stream.linear.scatter [tilespmem:s30], [sflag:$0x5], $0x80, $0x38;
	[tilespmem:$0x1DA00] =	vst v63  }
0xa7: {  	s10 =	sadd.s32 $0x16400, s0  }
0xa8: {  	[hbm4b:s1+s3] =	stream.linear.scatter [tilespmem:s10], [sflag:$0x5], $0x80, $0x38;
	[tilespmem:$0x1DA00] =	vst v63  }
0xa9: {  	s13 =	sadd.s32 $0x16488, s0;
	s29 =	sadd.s32 $0x10, s1  }
0xaa: {  	[hbm4b:s29+s3] =	stream.linear.scatter [tilespmem:s13], [sflag:$0x5], $0x80, $0x38;
	[tilespmem:$0x1DA00] =	vst v63  }
0xab: {  	s13 =	sadd.s32 $0x16510, s0;
	s29 =	sadd.s32 $0x20, s1  }
0xac: {  	[hbm4b:s29+s3] =	stream.linear.scatter [tilespmem:s13], [sflag:$0x5], $0x80, $0x38;
	[tilespmem:$0x1DA00] =	vst v63  }
0xad: {  	s13 =	sadd.s32 $0x16598, s0;
	s29 =	sadd.s32 $0x30, s1  }
0xae: {  	[hbm4b:s29+s3] =	stream.linear.scatter [tilespmem:s13], [sflag:$0x5], $0x80, $0x38;
	[tilespmem:$0x1DA00] =	vst v63  }
0xaf: {  	s13 =	sadd.s32 $0x16620, s0;
	s29 =	sadd.s32 $0x40, s1  }
0xb0: {  	[hbm4b:s29+s3] =	stream.linear.scatter [tilespmem:s13], [sflag:$0x5], $0x80, $0x38;
	[tilespmem:$0x1DA00] =	vst v63  }
0xb1: {  	s13 =	sadd.s32 $0x166A8, s0;
	s29 =	sadd.s32 $0x50, s1  }
0xb2: {  	[hbm4b:s29+s3] =	stream.linear.scatter [tilespmem:s13], [sflag:$0x5], $0x80, $0x38;
	[tilespmem:$0x1DA00] =	vst v63  }
0xb3: {  	s13 =	sadd.s32 $0x16730, s0;
	s29 =	sadd.s32 $0x60, s1  }
0xb4: {  	[hbm4b:s29+s3] =	stream.linear.scatter [tilespmem:s13], [sflag:$0x5], $0x80, $0x38;
	[tilespmem:$0x1DA00] =	vst v63  }
0xb5: {  	s10 =	sadd.s32 $0x167B8, s0;
	s0 =	simm.s32 @!p0 $0x6;
	s13 =	sadd.s32 $0x70, s1  }
0xb6: {  	[hbm4b:s13+s3] =	stream.linear.scatter [tilespmem:s10], [sflag:$0x5], $0x80, $0x38;
	[tilespmem:$0x1DA00] =	vst v63  }
0xb7: {  	p1 =	seq.s32 @!p0 s25, $0x31;
	_ =	swait.ge @!p0 [sflag:s0], $0x2000  }
0xb8: {  	p1 =	por p0, !p1;
	[sflag:s0] =	ssyncset.done @!p0 $0x0  }
0xb9: {  	[sflag:s0] =	ssyncadd.s32 @!p0 $0xFFFFE000;
	s0 =	sshll.u32 @p1 s25, $0x9  }
0xba: {  	s0 =	sand.u32 @p1 $0x3FFFFE00, s0  }
0xbb: {  	s0 =	sadd.s32 @p1 $0x200, s0  }
0xbc: {  	[tilespmem:s12], [sflag:$0x1] =	stream.indirect.gather @p1 [hbm4b:s4+s11], $0x80, s0, s11, $0xb8;
	[tilespmem:$0x1DA00] =	vst v63  }
0xbd: {  	_ =	swait.ge [sflag:s19], $0x4000  }
0xbe: {  	[sflag:s19] =	ssyncset.done $0x0  }
0xbf: {  	s31 =	simm.s32 $0xA5B0;
	s29 =	sor.u32 $0x1, s28;
	[sflag:s19] =	ssyncadd.s32 $0xFFFFC000  }
0xc0: {  	s1 =	sshll.u32 s29, $0x6;
	v8 =	vld [tilespmem:s31+$0xFFFFFFD0]  }
0xc1: {  	s10 =	simm.s32 $0x3;
	s0 =	sand.u32 $0x3FFFFFC0, s1  }
0xc2: {  	v9 =	vmov s10;
	v14 =	vld [tilespmem:s0+$0x1A800]  }
0xc3: {  	v19 =	vand.u32 $0x7F, v9  }
0xc4: {  	v13 =	vadd.s32 v4, v19;
	v12 =	vld [tilespmem:s31+$0xFFFFFE50]  }
0xc5: {  	s13 =	simm.s32 $0x0;
	v15 =	vld [tilespmem:s31+$0xFFFFFED0];
	v8 =	vmul.f32 $8.000000000e+00, v8  }
0xc6: {  	v10 =	vmov s13;
	s10 =	simm.s32 $0x1;
	v16 =	vld [tilespmem:s31+$0xFFFFFF50]  }
0xc7: {  	s13 =	simm.s32 $0x2;
	v18 =	vand.u32 $0x7C, v10;
	v10 =	vmov s10;
	v11 =	vld [tilespmem:s0+$0x1A810];
	v17 =	vadd.f32 v8, v14  }
0xc8: {  	v21 =	vmov s13;
	v20 =	vadd.s32 v4, v18;
	v34 =	vand.u32 $0x7D, v10;
	v9 =	vld [tilespmem:s0+$0x1A820]  }
0xc9: {  	v10 =	vand.u32 $0x7E, v21;
	v21 =	vadd.s32 v4, v34;
	v12 =	vmul.f32 $8.000000000e+00, v12;
	v8 =	vld [tilespmem:s0+$0x1A830];
	[tilespmem:v13+s18+$0x0] =	vst.idx.msk $0xffff, v17  }
0xca: {  	v13 =	vmul.f32 $8.000000000e+00, v15;
	v15 =	vadd.s32 v4, v10;
	v17 =	vld [tilespmem:s31+$0xFFFFFFE0]  }
0xcb: {  	v16 =	vmul.f32 $8.000000000e+00, v16;
	v12 =	vadd.f32 v12, v14  }
0xcc: {  	v13 =	vadd.f32 v13, v14  }
0xcd: {  	[tilespmem:v20+s18+$0x0] =	vst.idx.msk $0xffff, v12;
	v12 =	vadd.f32 v16, v14  }
0xce: {  	v16 =	vld [tilespmem:s31+$0xFFFFFE60];
	[tilespmem:v21+s18+$0x0] =	vst.idx.msk $0xffff, v13;
	v13 =	vadd.s32 v5, v19  }
0xcf: {  	v20 =	vld [tilespmem:s31+$0xFFFFFEE0];
	[tilespmem:v15+s18+$0x0] =	vst.idx.msk $0xffff, v12;
	v12 =	vmul.f32 $8.000000000e+00, v17  }
0xd0: {  	s30 =	simm.s32 $0xA7B0;
	v15 =	vld [tilespmem:s31+$0xFFFFFF60]  }
0xd1: {  	s13 =	simm.s32 $0x7;
	v23 =	vld [tilespmem:s30+$0xFFFFFFD0];
	v12 =	vadd.f32 v12, v11  }
0xd2: {  	s10 =	simm.s32 $0x4;
	v25 =	vmov s13;
	v17 =	vadd.s32 v5, v18  }
0xd3: {  	v22 =	vadd.s32 v5, v34;
	v21 =	vmov s10;
	v16 =	vmul.f32 $8.000000000e+00, v16;
	[tilespmem:v13+s18+$0x0] =	vst.idx.msk $0xffff, v12  }
0xd4: {  	v12 =	vand.u32 $0x7C, v21;
	v13 =	vmul.f32 $8.000000000e+00, v20;
	v20 =	vadd.s32 v5, v10;
	v21 =	vld [tilespmem:s31+$0xFFFFFFF0]  }
0xd5: {  	v30 =	vadd.s32 v6, v19;
	v24 =	vld [tilespmem:s30+$0xFFFFFE50];
	v16 =	vadd.f32 v16, v11;
	v15 =	vmul.f32 $8.000000000e+00, v15  }
0xd6: {  	v28 =	vld [tilespmem:s30+$0xFFFFFED0];
	v23 =	vmul.f32 $8.000000000e+00, v23;
	v27 =	vadd.f32 v13, v11;
	v13 =	vand.u32 $0x7F, v25  }
0xd7: {  	s1 =	simm.s32 $0x5;
	[tilespmem:v17+s18+$0x0] =	vst.idx.msk $0xffff, v16;
	v16 =	vld [tilespmem:s30+$0xFFFFFF50];
	v15 =	vadd.f32 v15, v11;
	v29 =	vadd.s32 v4, v13  }
0xd8: {  	v23 =	vadd.f32 v23, v14;
	s10 =	simm.s32 $0x6;
	v26 =	vadd.s32 v4, v12;
	v25 =	vmov s1;
	[tilespmem:v22+s18+$0x0] =	vst.idx.msk $0xffff, v27;
	v27 =	vld [tilespmem:s31+$0xFFFFFE70]  }
0xd9: {  	v17 =	vand.u32 $0x7D, v25;
	v22 =	vmov s10;
	[tilespmem:v20+s18+$0x0] =	vst.idx.msk $0xffff, v15;
	v20 =	vld [tilespmem:s31+$0xFFFFFEF0];
	v21 =	vmul.f32 $8.000000000e+00, v21  }
0xda: {  	v15 =	vand.u32 $0x7E, v22;
	v22 =	vmul.f32 $8.000000000e+00, v24;
	v24 =	vadd.s32 v4, v17;
	v25 =	vld [tilespmem:s31+$0xFFFFFF70]  }
0xdb: {  	v28 =	vmul.f32 $8.000000000e+00, v28;
	v31 =	vadd.s32 v4, v15;
	v21 =	vadd.f32 v21, v9  }
0xdc: {  	v16 =	vmul.f32 $8.000000000e+00, v16;
	v22 =	vadd.f32 v22, v14;
	[tilespmem:v29+s18+$0x0] =	vst.idx.msk $0xffff, v23;
	v23 =	vadd.s32 v6, v18  }
0xdd: {  	v28 =	vadd.f32 v28, v14;
	v29 =	vld [tilespmem:s30+$0xFFFFFFE0];
	v27 =	vmul.f32 $8.000000000e+00, v27;
	[tilespmem:v30+s18+$0x0] =	vst.idx.msk $0xffff, v21;
	v21 =	vadd.s32 v6, v34  }
0xde: {  	[tilespmem:v26+s18+$0x0] =	vst.idx.msk $0xffff, v22;
	v22 =	vadd.f32 v16, v14;
	v20 =	vmul.f32 $8.000000000e+00, v20;
	v30 =	vadd.s32 v6, v10;
	v26 =	vld [tilespmem:s31+$0x0]  }
0xdf: {  	s1 =	simm.s32 $0x8;
	v32 =	vld [tilespmem:s30+$0xFFFFFE60];
	[tilespmem:v24+s18+$0x0] =	vst.idx.msk $0xffff, v28;
	v25 =	vmul.f32 $8.000000000e+00, v25;
	v27 =	vadd.f32 v27, v9  }
0xe0: {  	v35 =	vadd.s32 v5, v13;
	v16 =	vmov s1;
	v28 =	vld [tilespmem:s30+$0xFFFFFEE0];
	[tilespmem:v31+s18+$0x0] =	vst.idx.msk $0xffff, v22;
	v20 =	vadd.f32 v20, v9  }
0xe1: {  	s13 =	simm.s32 $0x9;
	v18 =	vadd.s32 v7, v18;
	v16 =	vand.u32 $0x7C, v16;
	v31 =	vld [tilespmem:s30+$0xFFFFFF60];
	v33 =	vadd.f32 v25, v9;
	[tilespmem:v23+s18+$0x0] =	vst.idx.msk $0xffff, v27  }
0xe2: {  	v24 =	vmov s13;
	v23 =	vadd.s32 v7, v19;
	v36 =	vmul.f32 $8.000000000e+00, v29;
	v25 =	vld [tilespmem:s31+$0xFFFFFE80];
	[tilespmem:v21+s18+$0x0] =	vst.idx.msk $0xffff, v20  }
0xe3: {  	v22 =	vadd.s32 v4, v16;
	v29 =	vadd.s32 v5, v12;
	[tilespmem:v30+s18+$0x0] =	vst.idx.msk $0xffff, v33;
	v19 =	vmul.f32 $8.000000000e+00, v26;
	v21 =	vld [tilespmem:s31+$0xFFFFFF00]  }
0xe4: {  	v27 =	vadd.s32 v5, v17;
	v32 =	vmul.f32 $8.000000000e+00, v32;
	v36 =	vadd.f32 v36, v11;
	v20 =	vld [tilespmem:s31+$0xFFFFFF80]  }
0xe5: {  	v30 =	vmul.f32 $8.000000000e+00, v28;
	v26 =	vadd.s32 v5, v15;
	s31 =	simm.s32 $0xA9B0;
	v28 =	vadd.f32 v19, v8  }
0xe6: {  	s0 =	simm.s32 $0xC;
	v33 =	vld [tilespmem:s31+$0xFFFFFFD0];
	v32 =	vadd.f32 v32, v11;
	v31 =	vmul.f32 $8.000000000e+00, v31;
	[tilespmem:v35+s18+$0x0] =	vst.idx.msk $0xffff, v36;
	v19 =	vadd.s32 v7, v34  }
.LBB2_7:
0xe7: {  	p0 =	slt.u32 s0, $0x7C;
	s10 =	sadd.s32 $0x3, s1;
	v30 =	vadd.f32 v30, v11;
	v34 =	vld [tilespmem:s30+$0xFFFFFFF0];
	v25 =	vmul.f32 $8.000000000e+00, v25;
	v35 =	vadd.s32 v7, v10;
	[tilespmem:v23+s18+$0x0] =	vst.idx.msk $0xffff, v28  }
0xe8: {  	v36 =	vmovc v17;
	v10 =	vmovc v15;
	v23 =	vld [tilespmem:s31+$0xFFFFFE50];
	v28 =	vmov s10;
	[tilespmem:v29+s18+$0x0] =	vst.idx.msk $0xffff, v32;
	v29 =	vadd.f32 v31, v11;
	v21 =	vmul.f32 $8.000000000e+00, v21  }
0xe9: {  	s10 =	sadd.s32 $0x2, s1;
	s1 =	smov.u32 s0;
	v31 =	vld [tilespmem:s31+$0xFFFFFED0];
	v28 =	vand.u32 $0x7F, v28;
	[tilespmem:v27+s18+$0x0] =	vst.idx.msk $0xffff, v30;
	v15 =	vadd.f32 v25, v8;
	v17 =	vmul.f32 $8.000000000e+00, v20  }
0xea: {  	v20 =	vmov s10;
	v25 =	vld [tilespmem:s31+$0xFFFFFF50];
	v27 =	vadd.s32 v4, v28;
	[tilespmem:v26+s18+$0x0] =	vst.idx.msk $0xffff, v29;
	v21 =	vadd.f32 v21, v8  }
0xeb: {  	v30 =	vadd.s32 v6, v13;
	v26 =	vmul.f32 $8.000000000e+00, v33;
	v29 =	vld [tilespmem:s30+$0xFFFFFE70];
	[tilespmem:v18+s18+$0x0] =	vst.idx.msk $0xffff, v15;
	v18 =	vadd.f32 v17, v8  }
0xec: {  	v17 =	vand.u32 $0x7D, v24;
	v15 =	vand.u32 $0x7E, v20;
	v20 =	vld [tilespmem:s30+$0xFFFFFEF0];
	v24 =	vmul.f32 $8.000000000e+00, v34;
	[tilespmem:v19+s18+$0x0] =	vst.idx.msk $0xffff, v21  }
0xed: {  	v21 =	vadd.s32 v4, v17;
	v19 =	vmul.f32 $8.000000000e+00, v23;
	v23 =	vadd.f32 v26, v14;
	v26 =	vld [tilespmem:s30+$0xFFFFFF70];
	[tilespmem:v35+s18+$0x0] =	vst.idx.msk $0xffff, v18  }
0xee: {  	v18 =	vmul.f32 $8.000000000e+00, v31;
	v31 =	vadd.s32 v4, v15;
	v24 =	vadd.f32 v24, v9  }
0xef: {  	v19 =	vadd.f32 v19, v14;
	v25 =	vmul.f32 $8.000000000e+00, v25;
	[tilespmem:v27+s18+$0x0] =	vst.idx.msk $0xffff, v23;
	v23 =	vadd.s32 v6, v12  }
0xf0: {  	v32 =	vadd.s32 v6, v36;
	v18 =	vadd.f32 v18, v14;
	v27 =	vld [tilespmem:s31+$0xFFFFFFE0];
	v29 =	vmul.f32 $8.000000000e+00, v29;
	[tilespmem:v30+s18+$0x0] =	vst.idx.msk $0xffff, v24  }
0xf1: {  	v30 =	vadd.s32 v6, v10;
	[tilespmem:v22+s18+$0x0] =	vst.idx.msk $0xffff, v19;
	v19 =	vadd.f32 v25, v14;
	v20 =	vmul.f32 $8.000000000e+00, v20;
	v33 =	vld [tilespmem:s30+$0x0]  }
0xf2: {  	v22 =	vmov s0;
	v34 =	vld [tilespmem:s31+$0xFFFFFE60];
	[tilespmem:v21+s18+$0x0] =	vst.idx.msk $0xffff, v18;
	v18 =	vadd.f32 v29, v9;
	v21 =	vmul.f32 $8.000000000e+00, v26  }
0xf3: {  	s10 =	sadd.s32 $0x1, s0;
	v35 =	vand.u32 $0x7C, v22;
	v26 =	vld [tilespmem:s31+$0xFFFFFEE0];
	[tilespmem:v31+s18+$0x0] =	vst.idx.msk $0xffff, v19;
	v19 =	vadd.f32 v20, v9  }
0xf4: {  	v37 =	vadd.s32 v5, v28;
	v24 =	vmov s10;
	v31 =	vld [tilespmem:s31+$0xFFFFFF60];
	[tilespmem:v23+s18+$0x0] =	vst.idx.msk $0xffff, v18;
	v20 =	vadd.f32 v21, v9  }
.Ltmp2:
0xf5: {  	v18 =	vadd.s32 v7, v12;
	v23 =	vadd.s32 v7, v13;
	v38 =	vmul.f32 $8.000000000e+00, v27;
	v25 =	vld [tilespmem:s30+$0xFFFFFE80];
	[tilespmem:v32+s18+$0x0] =	vst.idx.msk $0xffff, v19;
	(pc) =	sbr.rel @p0 .LBB2_7-.Ltmp2, $4  }
0xf6: {  	v29 =	vadd.s32 v5, v16;
	v22 =	vadd.s32 v4, v35;
	v21 =	vld [tilespmem:s30+$0xFFFFFF00];
	[tilespmem:v30+s18+$0x0] =	vst.idx.msk $0xffff, v20;
	v19 =	vmul.f32 $8.000000000e+00, v33  }
0xf7: {  	v13 =	vmovc v28;
	v12 =	vmovc v16;
	v27 =	vadd.s32 v5, v17;
	v32 =	vmul.f32 $8.000000000e+00, v34;
	v34 =	vadd.f32 v38, v11;
	v20 =	vld [tilespmem:s30+$0xFFFFFF80];
	s30 =	smov.u32 s31  }
0xf8: {  	v16 =	vmovc v35;
	s31 =	sadd.s32 $0x200, s31;
	v30 =	vmul.f32 $8.000000000e+00, v26;
	v26 =	vadd.s32 v5, v15;
	v28 =	vadd.f32 v19, v8  }
0xf9: {  	s0 =	sadd.s32 $0x4, s0;
	v19 =	vadd.s32 v7, v36;
	v33 =	vld [tilespmem:s31+$0xFFFFFFD0];
	v32 =	vadd.f32 v32, v11;
	v31 =	vmul.f32 $8.000000000e+00, v31;
	[tilespmem:v37+s18+$0x0] =	vst.idx.msk $0xffff, v34  }
0xfa: {  	s0 =	sadd.s32 $0x3, s1;
	v34 =	vld [tilespmem:s31+$0xFFFFFE50]  }
0xfb: {  	v36 =	vld [tilespmem:s31+$0xFFFFFED0];
	v35 =	vmov s0  }
0xfc: {  	v37 =	vld [tilespmem:s31+$0xFFFFFF50];
	v35 =	vand.u32 $0x7F, v35  }
0xfd: {  	s13 =	sadd.s32 $0x2, s1;
	v38 =	vadd.s32 v4, v35  }
0xfe: {  	v24 =	vand.u32 $0x7D, v24;
	v39 =	vmov s13;
	v33 =	vmul.f32 $8.000000000e+00, v33  }
0xff: {  	v40 =	vadd.s32 v4, v24;
	v39 =	vand.u32 $0x7E, v39;
	v34 =	vmul.f32 $8.000000000e+00, v34  }
0x100: {  	v41 =	vadd.s32 v4, v39;
	v36 =	vmul.f32 $8.000000000e+00, v36;
	v33 =	vadd.f32 v33, v14  }
0x101: {  	v37 =	vmul.f32 $8.000000000e+00, v37;
	v34 =	vadd.f32 v34, v14  }
0x102: {  	v51 =	vadd.f32 v36, v14;
	[tilespmem:v38+s18+$0x0] =	vst.idx.msk $0xffff, v33  }
0x103: {  	v53 =	vadd.f32 v37, v14;
	[tilespmem:v22+s18+$0x0] =	vst.idx.msk $0xffff, v34;
	v52 =	vld [tilespmem:s31+$0xFFFFFFE0]  }
0x104: {  	[tilespmem:v40+s18+$0x0] =	vst.idx.msk $0xffff, v51;
	v34 =	vld [tilespmem:s31+$0xFFFFFE60]  }
0x105: {  	[tilespmem:v41+s18+$0x0] =	vst.idx.msk $0xffff, v53;
	v33 =	vld [tilespmem:s31+$0xFFFFFEE0]  }
0x106: {  	v14 =	vld [tilespmem:s31+$0xFFFFFF60]  }
0x107: {  	v54 =	vadd.s32 v5, v35  }
0x108: {  	v30 =	vadd.f32 v30, v11;
	v55 =	vadd.s32 v5, v16;
	v22 =	vmul.f32 $8.000000000e+00, v52  }
0x109: {  	v56 =	vld [tilespmem:s30+$0xFFFFFFF0];
	[tilespmem:v29+s18+$0x0] =	vst.idx.msk $0xffff, v32;
	v31 =	vadd.f32 v31, v11;
	v58 =	vadd.s32 v5, v24;
	v57 =	vmul.f32 $8.000000000e+00, v34  }
0x10a: {  	[tilespmem:v27+s18+$0x0] =	vst.idx.msk $0xffff, v30;
	v59 =	vld [tilespmem:s30+$0xFFFFFE70];
	v61 =	vadd.s32 v5, v39;
	v60 =	vmul.f32 $8.000000000e+00, v33;
	v22 =	vadd.f32 v22, v11  }
0x10b: {  	[tilespmem:v26+s18+$0x0] =	vst.idx.msk $0xffff, v31;
	v62 =	vld [tilespmem:s30+$0xFFFFFEF0];
	v14 =	vmul.f32 $8.000000000e+00, v14;
	v63 =	vadd.f32 v57, v11  }
0x10c: {  	v36 =	vld [tilespmem:s30+$0xFFFFFF70];
	v30 =	vadd.f32 v60, v11;
	[tilespmem:v54+s18+$0x0] =	vst.idx.msk $0xffff, v22  }
0x10d: {  	v25 =	vmul.f32 $8.000000000e+00, v25;
	v37 =	vadd.s32 v6, v13;
	v38 =	vadd.f32 v14, v11;
	[tilespmem:v55+s18+$0x0] =	vst.idx.msk $0xffff, v63;
	v40 =	vld [tilespmem:s31+$0xFFFFFFF0]  }
0x10e: {  	v29 =	vmul.f32 $8.000000000e+00, v56;
	v41 =	vadd.s32 v6, v12;
	[tilespmem:v58+s18+$0x0] =	vst.idx.msk $0xffff, v30;
	v42 =	vld [tilespmem:s31+$0xFFFFFE70]  }
0x10f: {  	v43 =	vadd.s32 v6, v17;
	v25 =	vadd.f32 v25, v8;
	v27 =	vmul.f32 $8.000000000e+00, v59;
	[tilespmem:v61+s18+$0x0] =	vst.idx.msk $0xffff, v38;
	v44 =	vld [tilespmem:s31+$0xFFFFFEF0]  }
0x110: {  	[tilespmem:v23+s18+$0x0] =	vst.idx.msk $0xffff, v28;
	v46 =	vadd.s32 v6, v15;
	v45 =	vadd.f32 v29, v9;
	v26 =	vmul.f32 $8.000000000e+00, v62;
	v47 =	vld [tilespmem:s31+$0xFFFFFF70]  }
0x111: {  	v49 =	vadd.s32 v6, v35;
	[tilespmem:v18+s18+$0x0] =	vst.idx.msk $0xffff, v25;
	v48 =	vadd.f32 v27, v9;
	v22 =	vmul.f32 $8.000000000e+00, v36  }
0x112: {  	v51 =	vadd.s32 v6, v16;
	v50 =	vadd.f32 v26, v9;
	[tilespmem:v37+s18+$0x0] =	vst.idx.msk $0xffff, v45;
	v14 =	vmul.f32 $8.000000000e+00, v40  }
0x113: {  	v52 =	vld [tilespmem:s30+$0x0];
	[tilespmem:v41+s18+$0x0] =	vst.idx.msk $0xffff, v48;
	v55 =	vadd.s32 v6, v24;
	v53 =	vadd.f32 v22, v9;
	v54 =	vmul.f32 $8.000000000e+00, v42  }
0x114: {  	v59 =	vadd.s32 v6, v39;
	[tilespmem:v43+s18+$0x0] =	vst.idx.msk $0xffff, v50;
	v56 =	vld [tilespmem:s30+$0xFFFFFE80];
	v58 =	vmul.f32 $8.000000000e+00, v44;
	v57 =	vadd.f32 v14, v9  }
0x115: {  	v10 =	vadd.s32 v7, v10;
	v60 =	vld [tilespmem:s30+$0xFFFFFF00];
	[tilespmem:v46+s18+$0x0] =	vst.idx.msk $0xffff, v53;
	v62 =	vmul.f32 $8.000000000e+00, v47;
	v61 =	vadd.f32 v54, v9  }
0x116: {  	v25 =	vmul.f32 $8.000000000e+00, v20;
	v28 =	vld [tilespmem:s30+$0xFFFFFF80];
	v63 =	vadd.f32 v58, v9;
	[tilespmem:v49+s18+$0x0] =	vst.idx.msk $0xffff, v57  }
0x117: {  	v21 =	vmul.f32 $8.000000000e+00, v21;
	v29 =	vadd.s32 v7, v13;
	v34 =	vadd.f32 v62, v9;
	v33 =	vld [tilespmem:s31+$0x0];
	[tilespmem:v51+s18+$0x0] =	vst.idx.msk $0xffff, v61  }
0x118: {  	v37 =	vadd.s32 v7, v12;
	v41 =	vadd.f32 v25, v8;
	v38 =	vmul.f32 $8.000000000e+00, v52;
	[tilespmem:v55+s18+$0x0] =	vst.idx.msk $0xffff, v63;
	v40 =	vld [tilespmem:s31+$0xFFFFFE80]  }
0x119: {  	v36 =	vadd.f32 v21, v8;
	v43 =	vmul.f32 $8.000000000e+00, v56;
	v42 =	vadd.s32 v7, v17;
	[tilespmem:v59+s18+$0x0] =	vst.idx.msk $0xffff, v34;
	v44 =	vld [tilespmem:s31+$0xFFFFFF00]  }
0x11a: {  	[tilespmem:v10+s18+$0x0] =	vst.idx.msk $0xffff, v41;
	v45 =	vadd.f32 v38, v8;
	v46 =	vadd.s32 v7, v15;
	v47 =	vmul.f32 $8.000000000e+00, v60;
	v48 =	vld [tilespmem:s31+$0xFFFFFF80]  }
0x11b: {  	[tilespmem:v19+s18+$0x0] =	vst.idx.msk $0xffff, v36;
	v49 =	vadd.f32 v43, v8;
	v50 =	vmul.f32 $8.000000000e+00, v28;
	v51 =	vadd.s32 v7, v35  }
0x11c: {  	v53 =	vadd.s32 v7, v16;
	[tilespmem:v29+s18+$0x0] =	vst.idx.msk $0xffff, v45;
	v52 =	vadd.f32 v47, v8;
	v54 =	vmul.f32 $8.000000000e+00, v33  }
0x11d: {  	v56 =	vadd.s32 v7, v24;
	[tilespmem:v37+s18+$0x0] =	vst.idx.msk $0xffff, v49;
	v55 =	vadd.f32 v50, v8;
	v57 =	vmul.f32 $8.000000000e+00, v40  }
0x11e: {  	v59 =	vadd.s32 v7, v39;
	[tilespmem:v42+s18+$0x0] =	vst.idx.msk $0xffff, v52;
	v60 =	vmul.f32 $8.000000000e+00, v44;
	v58 =	vadd.f32 v54, v8  }
0x11f: {  	[tilespmem:v46+s18+$0x0] =	vst.idx.msk $0xffff, v55;
	v62 =	vmul.f32 $8.000000000e+00, v48;
	v61 =	vadd.f32 v57, v8  }
0x120: {  	s1 =	sshll.u32 s29, $0x12;
	v63 =	vadd.f32 v60, v8;
	[tilespmem:v51+s18+$0x0] =	vst.idx.msk $0xffff, v58  }
0x121: {  	s0 =	sor.u32 s7, s1;
	v8 =	vadd.f32 v62, v8;
	[tilespmem:v53+s18+$0x0] =	vst.idx.msk $0xffff, v61  }
0x122: {  	s0 =	sshrl.u32 s0, $0x3;
	[tilespmem:v56+s18+$0x0] =	vst.idx.msk $0xffff, v63  }
0x123: {  	s10 =	simm.s32 $0x18600;
	s1 =	sadd.s32 s2, s0;
	[tilespmem:v59+s18+$0x0] =	vst.idx.msk $0xffff, v8  }
0x124: {  	[hbm4b:s1+s3] =	stream.linear.scatter [tilespmem:s10], [sflag:$0x6], $0x80, $0x38;
	[tilespmem:$0x1DA00] =	vst v63  }
0x125: {  	s13 =	simm.s32 $0x18688;
	s10 =	sadd.s32 $0x10, s1  }
0x126: {  	[hbm4b:s10+s3] =	stream.linear.scatter [tilespmem:s13], [sflag:$0x6], $0x80, $0x38;
	[tilespmem:$0x1DA00] =	vst v63  }
0x127: {  	s29 =	simm.s32 $0x2200;
	s10 =	simm.s32 $0x18710;
	s13 =	sadd.s32 $0x20, s1  }
0x128: {  	[hbm4b:s13+s3] =	stream.linear.scatter [tilespmem:s10], [sflag:$0x6], $0x80, $0x38;
	[tilespmem:$0x1DA00] =	vst v63  }
0x129: {  	s0 =	simm.s32 $0x440;
	s10 =	simm.s32 $0x18798;
	s13 =	sadd.s32 $0x30, s1  }
0x12a: {  	[hbm4b:s13+s3] =	stream.linear.scatter [tilespmem:s10], [sflag:$0x6], $0x80, $0x38;
	[tilespmem:$0x1DA00] =	vst v63  }
0x12b: {  	s30 =	simm.s32 $0x189B8;
	s10 =	simm.s32 $0x18820;
	s13 =	sadd.s32 $0x40, s1  }
0x12c: {  	[hbm4b:s13+s3] =	stream.linear.scatter [tilespmem:s10], [sflag:$0x6], $0x80, $0x38;
	[tilespmem:$0x1DA00] =	vst v63  }
0x12d: {  	s31 =	sadd.s32 $0x70, s1;
	s10 =	simm.s32 $0x188A8;
	s13 =	sadd.s32 $0x50, s1  }
0x12e: {  	[hbm4b:s13+s3] =	stream.linear.scatter [tilespmem:s10], [sflag:$0x6], $0x80, $0x38;
	[tilespmem:$0x1DA00] =	vst v63  }
0x12f: {  	s10 =	simm.s32 $0x18930;
	s13 =	sadd.s32 $0x60, s1;
	s1 =	sadd.s32 $0x1000, s1  }
0x130: {  	[hbm4b:s13+s3] =	stream.linear.scatter [tilespmem:s10], [sflag:$0x6], $0x80, $0x38;
	[tilespmem:$0x1DA00] =	vst v63  }
.LBB2_9:
0x131: {  	[hbm4b:s31+s3] =	stream.linear.scatter [tilespmem:s30], [sflag:$0x6], $0x80, $0x38;
	[tilespmem:$0x1DA00] =	vst v63  }
0x132: {  	s10 =	smov.u32 s0;
	s0 =	smov.u32 s29  }
0x133: {  	s13 =	sadd.s32 $0x1100, s29;
	s0 =	sshra.s32 s0, $0x2;
	s30 =	sadd.s32 $0x18600, s10  }
0x134: {  	[hbm4b:s1+s3] =	stream.linear.scatter [tilespmem:s30], [sflag:$0x6], $0x80, $0x38;
	[tilespmem:$0x1DA00] =	vst v63  }
0x135: {  	p0 =	sne.s32 s29, $0x7700;
	s29 =	sadd.s32 $0x18688, s10;
	s30 =	sadd.s32 $0x10, s1  }
0x136: {  	[hbm4b:s30+s3] =	stream.linear.scatter [tilespmem:s29], [sflag:$0x6], $0x80, $0x38;
	[tilespmem:$0x1DA00] =	vst v63  }
0x137: {  	s29 =	sadd.s32 $0x18710, s10;
	s30 =	sadd.s32 $0x20, s1  }
0x138: {  	[hbm4b:s30+s3] =	stream.linear.scatter [tilespmem:s29], [sflag:$0x6], $0x80, $0x38;
	[tilespmem:$0x1DA00] =	vst v63  }
0x139: {  	s29 =	sadd.s32 $0x18798, s10;
	s30 =	sadd.s32 $0x30, s1  }
0x13a: {  	[hbm4b:s30+s3] =	stream.linear.scatter [tilespmem:s29], [sflag:$0x6], $0x80, $0x38;
	[tilespmem:$0x1DA00] =	vst v63  }
0x13b: {  	s29 =	sadd.s32 $0x18820, s10;
	s30 =	sadd.s32 $0x40, s1  }
0x13c: {  	[hbm4b:s30+s3] =	stream.linear.scatter [tilespmem:s29], [sflag:$0x6], $0x80, $0x38;
	[tilespmem:$0x1DA00] =	vst v63  }
.Ltmp3:
0x13d: {  	s29 =	sadd.s32 $0x188A8, s10;
	s30 =	sadd.s32 $0x50, s1;
	(pc) =	sbr.rel @p0 .LBB2_9-.Ltmp3, $4  }
0x13e: {  	[hbm4b:s30+s3] =	stream.linear.scatter [tilespmem:s29], [sflag:$0x6], $0x80, $0x38;
	[tilespmem:$0x1DA00] =	vst v63  }
0x13f: {  	s31 =	sadd.s32 $0x70, s1;
	s29 =	sadd.s32 $0x18930, s10;
	s30 =	sadd.s32 $0x60, s1  }
0x140: {  	[hbm4b:s30+s3] =	stream.linear.scatter [tilespmem:s29], [sflag:$0x6], $0x80, $0x38;
	[tilespmem:$0x1DA00] =	vst v63  }
0x141: {  	s1 =	sadd.s32 $0x1000, s1;
	s30 =	sadd.s32 $0x189B8, s10;
	s29 =	smov.u32 s13  }
0x142: {  	[hbm4b:s31+s3] =	stream.linear.scatter [tilespmem:s30], [sflag:$0x6], $0x80, $0x38;
	[tilespmem:$0x1DA00] =	vst v63  }
0x143: {  	s10 =	sadd.s32 $0x18600, s0  }
0x144: {  	[hbm4b:s1+s3] =	stream.linear.scatter [tilespmem:s10], [sflag:$0x6], $0x80, $0x38;
	[tilespmem:$0x1DA00] =	vst v63  }
0x145: {  	s13 =	sadd.s32 $0x10, s1;
	s10 =	sadd.s32 $0x18688, s0  }
0x146: {  	[hbm4b:s13+s3] =	stream.linear.scatter [tilespmem:s10], [sflag:$0x6], $0x80, $0x38;
	[tilespmem:$0x1DA00] =	vst v63  }
0x147: {  	s10 =	sadd.s32 $0x18710, s0;
	s13 =	sadd.s32 $0x20, s1  }
0x148: {  	[hbm4b:s13+s3] =	stream.linear.scatter [tilespmem:s10], [sflag:$0x6], $0x80, $0x38;
	[tilespmem:$0x1DA00] =	vst v63  }
0x149: {  	s10 =	sadd.s32 $0x18798, s0;
	s13 =	sadd.s32 $0x30, s1  }
0x14a: {  	[hbm4b:s13+s3] =	stream.linear.scatter [tilespmem:s10], [sflag:$0x6], $0x80, $0x38;
	[tilespmem:$0x1DA00] =	vst v63  }
0x14b: {  	s10 =	sadd.s32 $0x18820, s0;
	s13 =	sadd.s32 $0x40, s1  }
0x14c: {  	[hbm4b:s13+s3] =	stream.linear.scatter [tilespmem:s10], [sflag:$0x6], $0x80, $0x38;
	[tilespmem:$0x1DA00] =	vst v63  }
0x14d: {  	s10 =	sadd.s32 $0x188A8, s0;
	s13 =	sadd.s32 $0x50, s1  }
0x14e: {  	[hbm4b:s13+s3] =	stream.linear.scatter [tilespmem:s10], [sflag:$0x6], $0x80, $0x38;
	[tilespmem:$0x1DA00] =	vst v63  }
0x14f: {  	s10 =	sadd.s32 $0x18930, s0;
	s13 =	sadd.s32 $0x60, s1  }
0x150: {  	[hbm4b:s13+s3] =	stream.linear.scatter [tilespmem:s10], [sflag:$0x6], $0x80, $0x38;
	[tilespmem:$0x1DA00] =	vst v63  }
0x151: {  	p0 =	seq.s32 s25, $0x31;
	s10 =	sadd.s32 $0x189B8, s0;
	s13 =	sadd.s32 $0x70, s1  }
0x152: {  	[hbm4b:s13+s3] =	stream.linear.scatter [tilespmem:s10], [sflag:$0x6], $0x80, $0x38;
	[tilespmem:$0x1DA00] =	vst v63  }
0x153: {  	s0 =	sshll.u32 @!p0 s25, $0x9;
	_ =	swait.ge [sflag:s20], $0x2000  }
0x154: {  	s1 =	simm.s32 @!p0 $0x80;
	s29 =	sand.u32 @!p0 $0x3FFFFE00, s0;
	[sflag:s20] =	ssyncset.done $0x0  }
0x155: {  	s0 =	sadd.s32 @!p0 $0x280, s29;
	s10 =	simm.s32 @!p0 $0xA400;
	[sflag:s20] =	ssyncadd.s32 $0xFFFFE000  }
0x156: {  	[tilespmem:s10], [sflag:$0x2] =	stream.indirect.gather @!p0 [hbm4b:s4+s1], $0x80, s0, s1, $0xb8;
	[tilespmem:$0x1DA00] =	vst v63  }
0x157: {  	_ =	swait.ge [sflag:s21], $0x4000  }
0x158: {  	[sflag:s21] =	ssyncset.done $0x0  }
0x159: {  	s28 =	sor.u32 $0x2, s28;
	s31 =	simm.s32 $0xE5B0;
	[sflag:s21] =	ssyncadd.s32 $0xFFFFC000  }
0x15a: {  	s1 =	sshll.u32 s28, $0x6;
	v8 =	vld [tilespmem:s31+$0xFFFFFFD0]  }
0x15b: {  	s10 =	simm.s32 $0x3;
	s0 =	sand.u32 $0x3FFFFFC0, s1  }
0x15c: {  	v9 =	vmov s10;
	v14 =	vld [tilespmem:s0+$0x1A800]  }
0x15d: {  	v19 =	vand.u32 $0x7F, v9  }
0x15e: {  	v13 =	vadd.s32 v0, v19;
	v12 =	vld [tilespmem:s31+$0xFFFFFE50]  }
0x15f: {  	s13 =	simm.s32 $0x0;
	v15 =	vld [tilespmem:s31+$0xFFFFFED0];
	v8 =	vmul.f32 $8.000000000e+00, v8  }
0x160: {  	v10 =	vmov s13;
	s10 =	simm.s32 $0x1;
	v16 =	vld [tilespmem:s31+$0xFFFFFF50]  }
0x161: {  	s13 =	simm.s32 $0x2;
	v18 =	vand.u32 $0x7C, v10;
	v10 =	vmov s10;
	v11 =	vld [tilespmem:s0+$0x1A810];
	v17 =	vadd.f32 v8, v14  }
0x162: {  	v21 =	vmov s13;
	v20 =	vadd.s32 v0, v18;
	v34 =	vand.u32 $0x7D, v10;
	v9 =	vld [tilespmem:s0+$0x1A820]  }
0x163: {  	v10 =	vand.u32 $0x7E, v21;
	v21 =	vadd.s32 v0, v34;
	v12 =	vmul.f32 $8.000000000e+00, v12;
	v8 =	vld [tilespmem:s0+$0x1A830];
	[tilespmem:v13+s18+$0x0] =	vst.idx.msk $0xffff, v17  }
0x164: {  	v13 =	vmul.f32 $8.000000000e+00, v15;
	v15 =	vadd.s32 v0, v10;
	v17 =	vld [tilespmem:s31+$0xFFFFFFE0]  }
0x165: {  	v16 =	vmul.f32 $8.000000000e+00, v16;
	v12 =	vadd.f32 v12, v14  }
0x166: {  	v13 =	vadd.f32 v13, v14  }
0x167: {  	[tilespmem:v20+s18+$0x0] =	vst.idx.msk $0xffff, v12;
	v12 =	vadd.f32 v16, v14  }
0x168: {  	v16 =	vld [tilespmem:s31+$0xFFFFFE60];
	[tilespmem:v21+s18+$0x0] =	vst.idx.msk $0xffff, v13;
	v13 =	vadd.s32 v1, v19  }
0x169: {  	v20 =	vld [tilespmem:s31+$0xFFFFFEE0];
	[tilespmem:v15+s18+$0x0] =	vst.idx.msk $0xffff, v12;
	v12 =	vmul.f32 $8.000000000e+00, v17  }
0x16a: {  	s30 =	simm.s32 $0xE7B0;
	v15 =	vld [tilespmem:s31+$0xFFFFFF60]  }
0x16b: {  	s13 =	simm.s32 $0x7;
	v23 =	vld [tilespmem:s30+$0xFFFFFFD0];
	v12 =	vadd.f32 v12, v11  }
0x16c: {  	v25 =	vmov s13;
	s10 =	simm.s32 $0x4;
	v17 =	vadd.s32 v1, v18  }
0x16d: {  	v22 =	vadd.s32 v1, v34;
	v21 =	vmov s10;
	v16 =	vmul.f32 $8.000000000e+00, v16;
	[tilespmem:v13+s18+$0x0] =	vst.idx.msk $0xffff, v12  }
0x16e: {  	v12 =	vand.u32 $0x7C, v21;
	v13 =	vmul.f32 $8.000000000e+00, v20;
	v20 =	vadd.s32 v1, v10;
	v21 =	vld [tilespmem:s31+$0xFFFFFFF0]  }
0x16f: {  	v30 =	vadd.s32 v2, v19;
	v24 =	vld [tilespmem:s30+$0xFFFFFE50];
	v16 =	vadd.f32 v16, v11;
	v15 =	vmul.f32 $8.000000000e+00, v15  }
0x170: {  	v28 =	vld [tilespmem:s30+$0xFFFFFED0];
	v23 =	vmul.f32 $8.000000000e+00, v23;
	v27 =	vadd.f32 v13, v11;
	v13 =	vand.u32 $0x7F, v25  }
0x171: {  	s1 =	simm.s32 $0x5;
	[tilespmem:v17+s18+$0x0] =	vst.idx.msk $0xffff, v16;
	v16 =	vld [tilespmem:s30+$0xFFFFFF50];
	v15 =	vadd.f32 v15, v11;
	v29 =	vadd.s32 v0, v13  }
0x172: {  	v23 =	vadd.f32 v23, v14;
	s10 =	simm.s32 $0x6;
	v26 =	vadd.s32 v0, v12;
	v25 =	vmov s1;
	[tilespmem:v22+s18+$0x0] =	vst.idx.msk $0xffff, v27;
	v27 =	vld [tilespmem:s31+$0xFFFFFE70]  }
0x173: {  	v17 =	vand.u32 $0x7D, v25;
	v22 =	vmov s10;
	[tilespmem:v20+s18+$0x0] =	vst.idx.msk $0xffff, v15;
	v20 =	vld [tilespmem:s31+$0xFFFFFEF0];
	v21 =	vmul.f32 $8.000000000e+00, v21  }
0x174: {  	v15 =	vand.u32 $0x7E, v22;
	v22 =	vmul.f32 $8.000000000e+00, v24;
	v24 =	vadd.s32 v0, v17;
	v25 =	vld [tilespmem:s31+$0xFFFFFF70]  }
0x175: {  	v28 =	vmul.f32 $8.000000000e+00, v28;
	v31 =	vadd.s32 v0, v15;
	v21 =	vadd.f32 v21, v9  }
0x176: {  	v16 =	vmul.f32 $8.000000000e+00, v16;
	v22 =	vadd.f32 v22, v14;
	[tilespmem:v29+s18+$0x0] =	vst.idx.msk $0xffff, v23;
	v23 =	vadd.s32 v2, v18  }
0x177: {  	v28 =	vadd.f32 v28, v14;
	v29 =	vld [tilespmem:s30+$0xFFFFFFE0];
	v27 =	vmul.f32 $8.000000000e+00, v27;
	[tilespmem:v30+s18+$0x0] =	vst.idx.msk $0xffff, v21;
	v21 =	vadd.s32 v2, v34  }
0x178: {  	[tilespmem:v26+s18+$0x0] =	vst.idx.msk $0xffff, v22;
	v22 =	vadd.f32 v16, v14;
	v20 =	vmul.f32 $8.000000000e+00, v20;
	v30 =	vadd.s32 v2, v10;
	v26 =	vld [tilespmem:s31+$0x0]  }
0x179: {  	s1 =	simm.s32 $0x8;
	v32 =	vld [tilespmem:s30+$0xFFFFFE60];
	[tilespmem:v24+s18+$0x0] =	vst.idx.msk $0xffff, v28;
	v25 =	vmul.f32 $8.000000000e+00, v25;
	v27 =	vadd.f32 v27, v9  }
0x17a: {  	v35 =	vadd.s32 v1, v13;
	v16 =	vmov s1;
	v28 =	vld [tilespmem:s30+$0xFFFFFEE0];
	[tilespmem:v31+s18+$0x0] =	vst.idx.msk $0xffff, v22;
	v20 =	vadd.f32 v20, v9  }
0x17b: {  	s13 =	simm.s32 $0x9;
	v18 =	vadd.s32 v3, v18;
	v16 =	vand.u32 $0x7C, v16;
	v31 =	vld [tilespmem:s30+$0xFFFFFF60];
	v33 =	vadd.f32 v25, v9;
	[tilespmem:v23+s18+$0x0] =	vst.idx.msk $0xffff, v27  }
0x17c: {  	v24 =	vmov s13;
	v23 =	vadd.s32 v3, v19;
	v36 =	vmul.f32 $8.000000000e+00, v29;
	v25 =	vld [tilespmem:s31+$0xFFFFFE80];
	[tilespmem:v21+s18+$0x0] =	vst.idx.msk $0xffff, v20  }
0x17d: {  	v22 =	vadd.s32 v0, v16;
	v29 =	vadd.s32 v1, v12;
	[tilespmem:v30+s18+$0x0] =	vst.idx.msk $0xffff, v33;
	v19 =	vmul.f32 $8.000000000e+00, v26;
	v21 =	vld [tilespmem:s31+$0xFFFFFF00]  }
0x17e: {  	v27 =	vadd.s32 v1, v17;
	v32 =	vmul.f32 $8.000000000e+00, v32;
	v36 =	vadd.f32 v36, v11;
	v20 =	vld [tilespmem:s31+$0xFFFFFF80]  }
0x17f: {  	v30 =	vmul.f32 $8.000000000e+00, v28;
	v26 =	vadd.s32 v1, v15;
	s31 =	simm.s32 $0xE9B0;
	v28 =	vadd.f32 v19, v8  }
0x180: {  	s0 =	simm.s32 $0xC;
	v33 =	vld [tilespmem:s31+$0xFFFFFFD0];
	v32 =	vadd.f32 v32, v11;
	v31 =	vmul.f32 $8.000000000e+00, v31;
	[tilespmem:v35+s18+$0x0] =	vst.idx.msk $0xffff, v36;
	v19 =	vadd.s32 v3, v34  }
.LBB2_11:
0x181: {  	p1 =	slt.u32 s0, $0x7C;
	s10 =	sadd.s32 $0x3, s1;
	v30 =	vadd.f32 v30, v11;
	v34 =	vld [tilespmem:s30+$0xFFFFFFF0];
	v25 =	vmul.f32 $8.000000000e+00, v25;
	v35 =	vadd.s32 v3, v10;
	[tilespmem:v23+s18+$0x0] =	vst.idx.msk $0xffff, v28  }
0x182: {  	v36 =	vmovc v17;
	v10 =	vmovc v15;
	v23 =	vld [tilespmem:s31+$0xFFFFFE50];
	v28 =	vmov s10;
	[tilespmem:v29+s18+$0x0] =	vst.idx.msk $0xffff, v32;
	v29 =	vadd.f32 v31, v11;
	v21 =	vmul.f32 $8.000000000e+00, v21  }
0x183: {  	s10 =	sadd.s32 $0x2, s1;
	s1 =	smov.u32 s0;
	v31 =	vld [tilespmem:s31+$0xFFFFFED0];
	v28 =	vand.u32 $0x7F, v28;
	[tilespmem:v27+s18+$0x0] =	vst.idx.msk $0xffff, v30;
	v15 =	vadd.f32 v25, v8;
	v17 =	vmul.f32 $8.000000000e+00, v20  }
0x184: {  	v20 =	vmov s10;
	v25 =	vld [tilespmem:s31+$0xFFFFFF50];
	v27 =	vadd.s32 v0, v28;
	[tilespmem:v26+s18+$0x0] =	vst.idx.msk $0xffff, v29;
	v21 =	vadd.f32 v21, v8  }
0x185: {  	v30 =	vadd.s32 v2, v13;
	v26 =	vmul.f32 $8.000000000e+00, v33;
	v29 =	vld [tilespmem:s30+$0xFFFFFE70];
	[tilespmem:v18+s18+$0x0] =	vst.idx.msk $0xffff, v15;
	v18 =	vadd.f32 v17, v8  }
0x186: {  	v17 =	vand.u32 $0x7D, v24;
	v15 =	vand.u32 $0x7E, v20;
	v20 =	vld [tilespmem:s30+$0xFFFFFEF0];
	v24 =	vmul.f32 $8.000000000e+00, v34;
	[tilespmem:v19+s18+$0x0] =	vst.idx.msk $0xffff, v21  }
0x187: {  	v21 =	vadd.s32 v0, v17;
	v19 =	vmul.f32 $8.000000000e+00, v23;
	v23 =	vadd.f32 v26, v14;
	v26 =	vld [tilespmem:s30+$0xFFFFFF70];
	[tilespmem:v35+s18+$0x0] =	vst.idx.msk $0xffff, v18  }
0x188: {  	v18 =	vmul.f32 $8.000000000e+00, v31;
	v31 =	vadd.s32 v0, v15;
	v24 =	vadd.f32 v24, v9  }
0x189: {  	v19 =	vadd.f32 v19, v14;
	v25 =	vmul.f32 $8.000000000e+00, v25;
	[tilespmem:v27+s18+$0x0] =	vst.idx.msk $0xffff, v23;
	v23 =	vadd.s32 v2, v12  }
0x18a: {  	v32 =	vadd.s32 v2, v36;
	v18 =	vadd.f32 v18, v14;
	v27 =	vld [tilespmem:s31+$0xFFFFFFE0];
	v29 =	vmul.f32 $8.000000000e+00, v29;
	[tilespmem:v30+s18+$0x0] =	vst.idx.msk $0xffff, v24  }
0x18b: {  	v30 =	vadd.s32 v2, v10;
	[tilespmem:v22+s18+$0x0] =	vst.idx.msk $0xffff, v19;
	v19 =	vadd.f32 v25, v14;
	v20 =	vmul.f32 $8.000000000e+00, v20;
	v33 =	vld [tilespmem:s30+$0x0]  }
0x18c: {  	v22 =	vmov s0;
	v34 =	vld [tilespmem:s31+$0xFFFFFE60];
	[tilespmem:v21+s18+$0x0] =	vst.idx.msk $0xffff, v18;
	v18 =	vadd.f32 v29, v9;
	v21 =	vmul.f32 $8.000000000e+00, v26  }
0x18d: {  	s10 =	sadd.s32 $0x1, s0;
	v35 =	vand.u32 $0x7C, v22;
	v26 =	vld [tilespmem:s31+$0xFFFFFEE0];
	[tilespmem:v31+s18+$0x0] =	vst.idx.msk $0xffff, v19;
	v19 =	vadd.f32 v20, v9  }
0x18e: {  	v37 =	vadd.s32 v1, v28;
	v24 =	vmov s10;
	v31 =	vld [tilespmem:s31+$0xFFFFFF60];
	[tilespmem:v23+s18+$0x0] =	vst.idx.msk $0xffff, v18;
	v20 =	vadd.f32 v21, v9  }
.Ltmp4:
0x18f: {  	v18 =	vadd.s32 v3, v12;
	v23 =	vadd.s32 v3, v13;
	v38 =	vmul.f32 $8.000000000e+00, v27;
	v25 =	vld [tilespmem:s30+$0xFFFFFE80];
	[tilespmem:v32+s18+$0x0] =	vst.idx.msk $0xffff, v19;
	(pc) =	sbr.rel @p1 .LBB2_11-.Ltmp4, $4  }
0x190: {  	v29 =	vadd.s32 v1, v16;
	v22 =	vadd.s32 v0, v35;
	v21 =	vld [tilespmem:s30+$0xFFFFFF00];
	[tilespmem:v30+s18+$0x0] =	vst.idx.msk $0xffff, v20;
	v19 =	vmul.f32 $8.000000000e+00, v33  }
0x191: {  	v13 =	vmovc v28;
	v12 =	vmovc v16;
	v27 =	vadd.s32 v1, v17;
	v32 =	vmul.f32 $8.000000000e+00, v34;
	v34 =	vadd.f32 v38, v11;
	v20 =	vld [tilespmem:s30+$0xFFFFFF80];
	s30 =	smov.u32 s31  }
0x192: {  	v16 =	vmovc v35;
	s31 =	sadd.s32 $0x200, s31;
	v30 =	vmul.f32 $8.000000000e+00, v26;
	v26 =	vadd.s32 v1, v15;
	v28 =	vadd.f32 v19, v8  }
0x193: {  	s0 =	sadd.s32 $0x4, s0;
	v19 =	vadd.s32 v3, v36;
	v33 =	vld [tilespmem:s31+$0xFFFFFFD0];
	v32 =	vadd.f32 v32, v11;
	v31 =	vmul.f32 $8.000000000e+00, v31;
	[tilespmem:v37+s18+$0x0] =	vst.idx.msk $0xffff, v34  }
0x194: {  	s0 =	sadd.s32 $0x3, s1;
	v34 =	vld [tilespmem:s31+$0xFFFFFE50]  }
0x195: {  	v36 =	vld [tilespmem:s31+$0xFFFFFED0];
	v35 =	vmov s0  }
0x196: {  	v37 =	vld [tilespmem:s31+$0xFFFFFF50];
	v35 =	vand.u32 $0x7F, v35  }
0x197: {  	s13 =	sadd.s32 $0x2, s1;
	v38 =	vadd.s32 v0, v35  }
0x198: {  	v24 =	vand.u32 $0x7D, v24;
	v39 =	vmov s13;
	v33 =	vmul.f32 $8.000000000e+00, v33  }
0x199: {  	v40 =	vadd.s32 v0, v24;
	v39 =	vand.u32 $0x7E, v39;
	v34 =	vmul.f32 $8.000000000e+00, v34  }
0x19a: {  	v41 =	vadd.s32 v0, v39;
	v36 =	vmul.f32 $8.000000000e+00, v36;
	v33 =	vadd.f32 v33, v14  }
0x19b: {  	v37 =	vmul.f32 $8.000000000e+00, v37;
	v34 =	vadd.f32 v34, v14  }
0x19c: {  	v51 =	vadd.f32 v36, v14;
	[tilespmem:v38+s18+$0x0] =	vst.idx.msk $0xffff, v33  }
0x19d: {  	v53 =	vadd.f32 v37, v14;
	[tilespmem:v22+s18+$0x0] =	vst.idx.msk $0xffff, v34;
	v52 =	vld [tilespmem:s31+$0xFFFFFFE0]  }
0x19e: {  	[tilespmem:v40+s18+$0x0] =	vst.idx.msk $0xffff, v51;
	v34 =	vld [tilespmem:s31+$0xFFFFFE60]  }
0x19f: {  	[tilespmem:v41+s18+$0x0] =	vst.idx.msk $0xffff, v53;
	v33 =	vld [tilespmem:s31+$0xFFFFFEE0]  }
0x1a0: {  	v14 =	vld [tilespmem:s31+$0xFFFFFF60]  }
0x1a1: {  	v54 =	vadd.s32 v1, v35  }
0x1a2: {  	v30 =	vadd.f32 v30, v11;
	v55 =	vadd.s32 v1, v16;
	v22 =	vmul.f32 $8.000000000e+00, v52  }
0x1a3: {  	v56 =	vld [tilespmem:s30+$0xFFFFFFF0];
	[tilespmem:v29+s18+$0x0] =	vst.idx.msk $0xffff, v32;
	v31 =	vadd.f32 v31, v11;
	v58 =	vadd.s32 v1, v24;
	v57 =	vmul.f32 $8.000000000e+00, v34  }
0x1a4: {  	[tilespmem:v27+s18+$0x0] =	vst.idx.msk $0xffff, v30;
	v59 =	vld [tilespmem:s30+$0xFFFFFE70];
	v61 =	vadd.s32 v1, v39;
	v60 =	vmul.f32 $8.000000000e+00, v33;
	v22 =	vadd.f32 v22, v11  }
0x1a5: {  	[tilespmem:v26+s18+$0x0] =	vst.idx.msk $0xffff, v31;
	v62 =	vld [tilespmem:s30+$0xFFFFFEF0];
	v14 =	vmul.f32 $8.000000000e+00, v14;
	v63 =	vadd.f32 v57, v11  }
0x1a6: {  	v36 =	vld [tilespmem:s30+$0xFFFFFF70];
	v30 =	vadd.f32 v60, v11;
	[tilespmem:v54+s18+$0x0] =	vst.idx.msk $0xffff, v22  }
0x1a7: {  	v25 =	vmul.f32 $8.000000000e+00, v25;
	v37 =	vadd.s32 v2, v13;
	v38 =	vadd.f32 v14, v11;
	[tilespmem:v55+s18+$0x0] =	vst.idx.msk $0xffff, v63;
	v40 =	vld [tilespmem:s31+$0xFFFFFFF0]  }
0x1a8: {  	v29 =	vmul.f32 $8.000000000e+00, v56;
	v41 =	vadd.s32 v2, v12;
	[tilespmem:v58+s18+$0x0] =	vst.idx.msk $0xffff, v30;
	v42 =	vld [tilespmem:s31+$0xFFFFFE70]  }
0x1a9: {  	v43 =	vadd.s32 v2, v17;
	v25 =	vadd.f32 v25, v8;
	v27 =	vmul.f32 $8.000000000e+00, v59;
	[tilespmem:v61+s18+$0x0] =	vst.idx.msk $0xffff, v38;
	v44 =	vld [tilespmem:s31+$0xFFFFFEF0]  }
0x1aa: {  	[tilespmem:v23+s18+$0x0] =	vst.idx.msk $0xffff, v28;
	v46 =	vadd.s32 v2, v15;
	v45 =	vadd.f32 v29, v9;
	v26 =	vmul.f32 $8.000000000e+00, v62;
	v47 =	vld [tilespmem:s31+$0xFFFFFF70]  }
0x1ab: {  	v49 =	vadd.s32 v2, v35;
	[tilespmem:v18+s18+$0x0] =	vst.idx.msk $0xffff, v25;
	v48 =	vadd.f32 v27, v9;
	v22 =	vmul.f32 $8.000000000e+00, v36  }
0x1ac: {  	v51 =	vadd.s32 v2, v16;
	v50 =	vadd.f32 v26, v9;
	[tilespmem:v37+s18+$0x0] =	vst.idx.msk $0xffff, v45;
	v14 =	vmul.f32 $8.000000000e+00, v40  }
0x1ad: {  	v52 =	vld [tilespmem:s30+$0x0];
	[tilespmem:v41+s18+$0x0] =	vst.idx.msk $0xffff, v48;
	v55 =	vadd.s32 v2, v24;
	v53 =	vadd.f32 v22, v9;
	v54 =	vmul.f32 $8.000000000e+00, v42  }
0x1ae: {  	v59 =	vadd.s32 v2, v39;
	[tilespmem:v43+s18+$0x0] =	vst.idx.msk $0xffff, v50;
	v56 =	vld [tilespmem:s30+$0xFFFFFE80];
	v58 =	vmul.f32 $8.000000000e+00, v44;
	v57 =	vadd.f32 v14, v9  }
0x1af: {  	v10 =	vadd.s32 v3, v10;
	v60 =	vld [tilespmem:s30+$0xFFFFFF00];
	[tilespmem:v46+s18+$0x0] =	vst.idx.msk $0xffff, v53;
	v62 =	vmul.f32 $8.000000000e+00, v47;
	v61 =	vadd.f32 v54, v9  }
0x1b0: {  	v25 =	vmul.f32 $8.000000000e+00, v20;
	v28 =	vld [tilespmem:s30+$0xFFFFFF80];
	v63 =	vadd.f32 v58, v9;
	[tilespmem:v49+s18+$0x0] =	vst.idx.msk $0xffff, v57  }
0x1b1: {  	v21 =	vmul.f32 $8.000000000e+00, v21;
	v29 =	vadd.s32 v3, v13;
	v34 =	vadd.f32 v62, v9;
	v33 =	vld [tilespmem:s31+$0x0];
	[tilespmem:v51+s18+$0x0] =	vst.idx.msk $0xffff, v61  }
0x1b2: {  	v37 =	vadd.s32 v3, v12;
	v41 =	vadd.f32 v25, v8;
	v38 =	vmul.f32 $8.000000000e+00, v52;
	[tilespmem:v55+s18+$0x0] =	vst.idx.msk $0xffff, v63;
	v40 =	vld [tilespmem:s31+$0xFFFFFE80]  }
0x1b3: {  	v36 =	vadd.f32 v21, v8;
	v43 =	vmul.f32 $8.000000000e+00, v56;
	v42 =	vadd.s32 v3, v17;
	[tilespmem:v59+s18+$0x0] =	vst.idx.msk $0xffff, v34;
	v44 =	vld [tilespmem:s31+$0xFFFFFF00]  }
0x1b4: {  	[tilespmem:v10+s18+$0x0] =	vst.idx.msk $0xffff, v41;
	v45 =	vadd.f32 v38, v8;
	v46 =	vadd.s32 v3, v15;
	v47 =	vmul.f32 $8.000000000e+00, v60;
	v48 =	vld [tilespmem:s31+$0xFFFFFF80]  }
0x1b5: {  	[tilespmem:v19+s18+$0x0] =	vst.idx.msk $0xffff, v36;
	v49 =	vadd.f32 v43, v8;
	v50 =	vmul.f32 $8.000000000e+00, v28;
	v51 =	vadd.s32 v3, v35  }
0x1b6: {  	v53 =	vadd.s32 v3, v16;
	[tilespmem:v29+s18+$0x0] =	vst.idx.msk $0xffff, v45;
	v52 =	vadd.f32 v47, v8;
	v54 =	vmul.f32 $8.000000000e+00, v33  }
0x1b7: {  	v56 =	vadd.s32 v3, v24;
	[tilespmem:v37+s18+$0x0] =	vst.idx.msk $0xffff, v49;
	v55 =	vadd.f32 v50, v8;
	v57 =	vmul.f32 $8.000000000e+00, v40  }
0x1b8: {  	v59 =	vadd.s32 v3, v39;
	[tilespmem:v42+s18+$0x0] =	vst.idx.msk $0xffff, v52;
	v60 =	vmul.f32 $8.000000000e+00, v44;
	v58 =	vadd.f32 v54, v8  }
0x1b9: {  	[tilespmem:v46+s18+$0x0] =	vst.idx.msk $0xffff, v55;
	v62 =	vmul.f32 $8.000000000e+00, v48;
	v61 =	vadd.f32 v57, v8  }
0x1ba: {  	s1 =	sshll.u32 s28, $0x12;
	v63 =	vadd.f32 v60, v8;
	[tilespmem:v51+s18+$0x0] =	vst.idx.msk $0xffff, v58  }
0x1bb: {  	s0 =	sor.u32 s7, s1;
	v8 =	vadd.f32 v62, v8;
	[tilespmem:v53+s18+$0x0] =	vst.idx.msk $0xffff, v61  }
0x1bc: {  	s0 =	sshrl.u32 s0, $0x3;
	[tilespmem:v56+s18+$0x0] =	vst.idx.msk $0xffff, v63  }
0x1bd: {  	s10 =	simm.s32 $0x16400;
	s1 =	sadd.s32 s2, s0;
	[tilespmem:v59+s18+$0x0] =	vst.idx.msk $0xffff, v8  }
0x1be: {  	[hbm4b:s1+s3] =	stream.linear.scatter [tilespmem:s10], [sflag:$0x5], $0x80, $0x38;
	[tilespmem:$0x1DA00] =	vst v63  }
0x1bf: {  	s13 =	simm.s32 $0x16488;
	s10 =	sadd.s32 $0x10, s1  }
0x1c0: {  	[hbm4b:s10+s3] =	stream.linear.scatter [tilespmem:s13], [sflag:$0x5], $0x80, $0x38;
	[tilespmem:$0x1DA00] =	vst v63  }
0x1c1: {  	s28 =	simm.s32 $0x2200;
	s10 =	simm.s32 $0x16510;
	s13 =	sadd.s32 $0x20, s1  }
0x1c2: {  	[hbm4b:s13+s3] =	stream.linear.scatter [tilespmem:s10], [sflag:$0x5], $0x80, $0x38;
	[tilespmem:$0x1DA00] =	vst v63  }
0x1c3: {  	s0 =	simm.s32 $0x440;
	s10 =	simm.s32 $0x16598;
	s13 =	sadd.s32 $0x30, s1  }
0x1c4: {  	[hbm4b:s13+s3] =	stream.linear.scatter [tilespmem:s10], [sflag:$0x5], $0x80, $0x38;
	[tilespmem:$0x1DA00] =	vst v63  }
0x1c5: {  	s30 =	simm.s32 $0x167B8;
	s10 =	simm.s32 $0x16620;
	s13 =	sadd.s32 $0x40, s1  }
0x1c6: {  	[hbm4b:s13+s3] =	stream.linear.scatter [tilespmem:s10], [sflag:$0x5], $0x80, $0x38;
	[tilespmem:$0x1DA00] =	vst v63  }
0x1c7: {  	s31 =	sadd.s32 $0x70, s1;
	s10 =	simm.s32 $0x166A8;
	s13 =	sadd.s32 $0x50, s1  }
0x1c8: {  	[hbm4b:s13+s3] =	stream.linear.scatter [tilespmem:s10], [sflag:$0x5], $0x80, $0x38;
	[tilespmem:$0x1DA00] =	vst v63  }
0x1c9: {  	s10 =	simm.s32 $0x16730;
	s13 =	sadd.s32 $0x60, s1;
	s1 =	sadd.s32 $0x1000, s1  }
0x1ca: {  	[hbm4b:s13+s3] =	stream.linear.scatter [tilespmem:s10], [sflag:$0x5], $0x80, $0x38;
	[tilespmem:$0x1DA00] =	vst v63  }
.LBB2_13:
0x1cb: {  	[hbm4b:s31+s3] =	stream.linear.scatter [tilespmem:s30], [sflag:$0x5], $0x80, $0x38;
	[tilespmem:$0x1DA00] =	vst v63  }
0x1cc: {  	s10 =	smov.u32 s0;
	s0 =	smov.u32 s28  }
0x1cd: {  	s13 =	sadd.s32 $0x1100, s28;
	s0 =	sshra.s32 s0, $0x2;
	s30 =	sadd.s32 $0x16400, s10  }
0x1ce: {  	[hbm4b:s1+s3] =	stream.linear.scatter [tilespmem:s30], [sflag:$0x5], $0x80, $0x38;
	[tilespmem:$0x1DA00] =	vst v63  }
0x1cf: {  	p1 =	sne.s32 s28, $0x7700;
	s28 =	sadd.s32 $0x16488, s10;
	s30 =	sadd.s32 $0x10, s1  }
0x1d0: {  	[hbm4b:s30+s3] =	stream.linear.scatter [tilespmem:s28], [sflag:$0x5], $0x80, $0x38;
	[tilespmem:$0x1DA00] =	vst v63  }
0x1d1: {  	s28 =	sadd.s32 $0x16510, s10;
	s30 =	sadd.s32 $0x20, s1  }
0x1d2: {  	[hbm4b:s30+s3] =	stream.linear.scatter [tilespmem:s28], [sflag:$0x5], $0x80, $0x38;
	[tilespmem:$0x1DA00] =	vst v63  }
0x1d3: {  	s28 =	sadd.s32 $0x16598, s10;
	s30 =	sadd.s32 $0x30, s1  }
0x1d4: {  	[hbm4b:s30+s3] =	stream.linear.scatter [tilespmem:s28], [sflag:$0x5], $0x80, $0x38;
	[tilespmem:$0x1DA00] =	vst v63  }
0x1d5: {  	s28 =	sadd.s32 $0x16620, s10;
	s30 =	sadd.s32 $0x40, s1  }
0x1d6: {  	[hbm4b:s30+s3] =	stream.linear.scatter [tilespmem:s28], [sflag:$0x5], $0x80, $0x38;
	[tilespmem:$0x1DA00] =	vst v63  }
.Ltmp5:
0x1d7: {  	s28 =	sadd.s32 $0x166A8, s10;
	s30 =	sadd.s32 $0x50, s1;
	(pc) =	sbr.rel @p1 .LBB2_13-.Ltmp5, $4  }
0x1d8: {  	[hbm4b:s30+s3] =	stream.linear.scatter [tilespmem:s28], [sflag:$0x5], $0x80, $0x38;
	[tilespmem:$0x1DA00] =	vst v63  }
0x1d9: {  	s31 =	sadd.s32 $0x70, s1;
	s28 =	sadd.s32 $0x16730, s10;
	s30 =	sadd.s32 $0x60, s1  }
0x1da: {  	[hbm4b:s30+s3] =	stream.linear.scatter [tilespmem:s28], [sflag:$0x5], $0x80, $0x38;
	[tilespmem:$0x1DA00] =	vst v63  }
0x1db: {  	s1 =	sadd.s32 $0x1000, s1;
	s30 =	sadd.s32 $0x167B8, s10;
	s28 =	smov.u32 s13  }
0x1dc: {  	[hbm4b:s31+s3] =	stream.linear.scatter [tilespmem:s30], [sflag:$0x5], $0x80, $0x38;
	[tilespmem:$0x1DA00] =	vst v63  }
0x1dd: {  	s10 =	sadd.s32 $0x16400, s0  }
0x1de: {  	[hbm4b:s1+s3] =	stream.linear.scatter [tilespmem:s10], [sflag:$0x5], $0x80, $0x38;
	[tilespmem:$0x1DA00] =	vst v63  }
0x1df: {  	s31 =	sadd.s32 $0x16488, s0;
	s13 =	sadd.s32 $0x10, s1  }
0x1e0: {  	[hbm4b:s13+s3] =	stream.linear.scatter [tilespmem:s31], [sflag:$0x5], $0x80, $0x38;
	[tilespmem:$0x1DA00] =	vst v63  }
0x1e1: {  	s30 =	sadd.s32 $0x16510, s0;
	s31 =	sadd.s32 $0x20, s1  }
0x1e2: {  	[hbm4b:s31+s3] =	stream.linear.scatter [tilespmem:s30], [sflag:$0x5], $0x80, $0x38;
	[tilespmem:$0x1DA00] =	vst v63  }
0x1e3: {  	s30 =	sadd.s32 $0x16598, s0;
	s31 =	sadd.s32 $0x30, s1  }
0x1e4: {  	[hbm4b:s31+s3] =	stream.linear.scatter [tilespmem:s30], [sflag:$0x5], $0x80, $0x38;
	[tilespmem:$0x1DA00] =	vst v63  }
0x1e5: {  	s30 =	sadd.s32 $0x16620, s0;
	s31 =	sadd.s32 $0x40, s1  }
0x1e6: {  	[hbm4b:s31+s3] =	stream.linear.scatter [tilespmem:s30], [sflag:$0x5], $0x80, $0x38;
	[tilespmem:$0x1DA00] =	vst v63  }
0x1e7: {  	s30 =	sadd.s32 $0x166A8, s0;
	s31 =	sadd.s32 $0x50, s1  }
0x1e8: {  	[hbm4b:s31+s3] =	stream.linear.scatter [tilespmem:s30], [sflag:$0x5], $0x80, $0x38;
	[tilespmem:$0x1DA00] =	vst v63  }
0x1e9: {  	s30 =	sadd.s32 $0x16730, s0;
	s31 =	sadd.s32 $0x60, s1  }
0x1ea: {  	[hbm4b:s31+s3] =	stream.linear.scatter [tilespmem:s30], [sflag:$0x5], $0x80, $0x38;
	[tilespmem:$0x1DA00] =	vst v63  }
0x1eb: {  	s30 =	sadd.s32 $0x167B8, s0;
	s31 =	sadd.s32 $0x70, s1  }
0x1ec: {  	[hbm4b:s31+s3] =	stream.linear.scatter [tilespmem:s30], [sflag:$0x5], $0x80, $0x38;
	[tilespmem:$0x1DA00] =	vst v63  }
0x1ed: {  	_ =	swait.ge [sflag:s22], $0x2000  }
0x1ee: {  	s10 =	simm.s32 @!p0 $0xE400;
	[sflag:s22] =	ssyncset.done $0x0  }
0x1ef: {  	s0 =	sadd.s32 @!p0 $0x300, s29;
	s1 =	simm.s32 @!p0 $0x80;
	[sflag:s22] =	ssyncadd.s32 $0xFFFFE000  }
0x1f0: {  	[tilespmem:s10], [sflag:$0x3] =	stream.indirect.gather @!p0 [hbm4b:s4+s1], $0x80, s0, s1, $0xb8;
	[tilespmem:$0x1DA00] =	vst v63  }
0x1f1: {  	_ =	swait.ge [sflag:s23], $0x4000  }
0x1f2: {  	[sflag:s23] =	ssyncset.done $0x0  }
0x1f3: {  	s29 =	simm.s32 $0x125B0;
	[sflag:s23] =	ssyncadd.s32 $0xFFFFC000  }
0x1f4: {  	s1 =	sshll.u32 s26, $0x6;
	v8 =	vld [tilespmem:s29+$0xFFFFFFD0]  }
0x1f5: {  	s10 =	simm.s32 $0x3;
	s0 =	sand.u32 $0x3FFFFFC0, s1  }
0x1f6: {  	v9 =	vmov s10;
	v14 =	vld [tilespmem:s0+$0x1A800]  }
0x1f7: {  	v19 =	vand.u32 $0x7F, v9  }
0x1f8: {  	v13 =	vadd.s32 v4, v19;
	v12 =	vld [tilespmem:s29+$0xFFFFFE50]  }
0x1f9: {  	s13 =	simm.s32 $0x0;
	v15 =	vld [tilespmem:s29+$0xFFFFFED0];
	v8 =	vmul.f32 $8.000000000e+00, v8  }
0x1fa: {  	v10 =	vmov s13;
	s30 =	simm.s32 $0x1;
	v16 =	vld [tilespmem:s29+$0xFFFFFF50]  }
0x1fb: {  	v18 =	vand.u32 $0x7C, v10;
	s31 =	simm.s32 $0x2;
	v10 =	vmov s30;
	v11 =	vld [tilespmem:s0+$0x1A810];
	v17 =	vadd.f32 v8, v14  }
0x1fc: {  	v20 =	vadd.s32 v4, v18;
	v21 =	vmov s31;
	v34 =	vand.u32 $0x7D, v10;
	v9 =	vld [tilespmem:s0+$0x1A820]  }
0x1fd: {  	v10 =	vand.u32 $0x7E, v21;
	v21 =	vadd.s32 v4, v34;
	v12 =	vmul.f32 $8.000000000e+00, v12;
	v8 =	vld [tilespmem:s0+$0x1A830];
	[tilespmem:v13+s18+$0x0] =	vst.idx.msk $0xffff, v17  }
0x1fe: {  	v13 =	vmul.f32 $8.000000000e+00, v15;
	v15 =	vadd.s32 v4, v10;
	v17 =	vld [tilespmem:s29+$0xFFFFFFE0]  }
0x1ff: {  	v16 =	vmul.f32 $8.000000000e+00, v16;
	v12 =	vadd.f32 v12, v14  }
0x200: {  	v13 =	vadd.f32 v13, v14  }
0x201: {  	[tilespmem:v20+s18+$0x0] =	vst.idx.msk $0xffff, v12;
	v12 =	vadd.f32 v16, v14  }
0x202: {  	v16 =	vld [tilespmem:s29+$0xFFFFFE60];
	[tilespmem:v21+s18+$0x0] =	vst.idx.msk $0xffff, v13;
	v13 =	vadd.s32 v5, v19  }
0x203: {  	v20 =	vld [tilespmem:s29+$0xFFFFFEE0];
	[tilespmem:v15+s18+$0x0] =	vst.idx.msk $0xffff, v12;
	v12 =	vmul.f32 $8.000000000e+00, v17  }
0x204: {  	s28 =	simm.s32 $0x127B0;
	v15 =	vld [tilespmem:s29+$0xFFFFFF60]  }
0x205: {  	v23 =	vld [tilespmem:s28+$0xFFFFFFD0];
	v12 =	vadd.f32 v12, v11  }
0x206: {  	v22 =	vadd.s32 v5, v34;
	s1 =	simm.s32 $0x4;
	s10 =	simm.s32 $0x7;
	v17 =	vadd.s32 v5, v18  }
0x207: {  	v25 =	vmov s10;
	v21 =	vmov s1;
	v16 =	vmul.f32 $8.000000000e+00, v16;
	[tilespmem:v13+s18+$0x0] =	vst.idx.msk $0xffff, v12  }
0x208: {  	v12 =	vand.u32 $0x7C, v21;
	v13 =	vmul.f32 $8.000000000e+00, v20;
	v20 =	vadd.s32 v5, v10;
	v21 =	vld [tilespmem:s29+$0xFFFFFFF0]  }
0x209: {  	v30 =	vadd.s32 v6, v19;
	v24 =	vld [tilespmem:s28+$0xFFFFFE50];
	v16 =	vadd.f32 v16, v11;
	v15 =	vmul.f32 $8.000000000e+00, v15  }
0x20a: {  	v28 =	vld [tilespmem:s28+$0xFFFFFED0];
	v23 =	vmul.f32 $8.000000000e+00, v23;
	v27 =	vadd.f32 v13, v11;
	v13 =	vand.u32 $0x7F, v25  }
0x20b: {  	s13 =	simm.s32 $0x5;
	[tilespmem:v17+s18+$0x0] =	vst.idx.msk $0xffff, v16;
	v16 =	vld [tilespmem:s28+$0xFFFFFF50];
	v15 =	vadd.f32 v15, v11;
	v29 =	vadd.s32 v4, v13  }
0x20c: {  	s30 =	simm.s32 $0x6;
	v23 =	vadd.f32 v23, v14;
	v26 =	vadd.s32 v4, v12;
	v25 =	vmov s13;
	[tilespmem:v22+s18+$0x0] =	vst.idx.msk $0xffff, v27;
	v27 =	vld [tilespmem:s29+$0xFFFFFE70]  }
0x20d: {  	v17 =	vand.u32 $0x7D, v25;
	v22 =	vmov s30;
	[tilespmem:v20+s18+$0x0] =	vst.idx.msk $0xffff, v15;
	v20 =	vld [tilespmem:s29+$0xFFFFFEF0];
	v21 =	vmul.f32 $8.000000000e+00, v21  }
0x20e: {  	v15 =	vand.u32 $0x7E, v22;
	v22 =	vmul.f32 $8.000000000e+00, v24;
	v24 =	vadd.s32 v4, v17;
	v25 =	vld [tilespmem:s29+$0xFFFFFF70]  }
0x20f: {  	v28 =	vmul.f32 $8.000000000e+00, v28;
	v31 =	vadd.s32 v4, v15;
	v21 =	vadd.f32 v21, v9  }
0x210: {  	v16 =	vmul.f32 $8.000000000e+00, v16;
	v22 =	vadd.f32 v22, v14;
	[tilespmem:v29+s18+$0x0] =	vst.idx.msk $0xffff, v23;
	v23 =	vadd.s32 v6, v18  }
0x211: {  	v28 =	vadd.f32 v28, v14;
	v29 =	vld [tilespmem:s28+$0xFFFFFFE0];
	v27 =	vmul.f32 $8.000000000e+00, v27;
	[tilespmem:v30+s18+$0x0] =	vst.idx.msk $0xffff, v21;
	v21 =	vadd.s32 v6, v34  }
0x212: {  	[tilespmem:v26+s18+$0x0] =	vst.idx.msk $0xffff, v22;
	v22 =	vadd.f32 v16, v14;
	v20 =	vmul.f32 $8.000000000e+00, v20;
	v30 =	vadd.s32 v6, v10;
	v26 =	vld [tilespmem:s29+$0x0]  }
0x213: {  	s1 =	simm.s32 $0x8;
	v32 =	vld [tilespmem:s28+$0xFFFFFE60];
	[tilespmem:v24+s18+$0x0] =	vst.idx.msk $0xffff, v28;
	v25 =	vmul.f32 $8.000000000e+00, v25;
	v27 =	vadd.f32 v27, v9  }
0x214: {  	v35 =	vadd.s32 v5, v13;
	v16 =	vmov s1;
	v28 =	vld [tilespmem:s28+$0xFFFFFEE0];
	[tilespmem:v31+s18+$0x0] =	vst.idx.msk $0xffff, v22;
	v20 =	vadd.f32 v20, v9  }
0x215: {  	s31 =	simm.s32 $0x9;
	v18 =	vadd.s32 v7, v18;
	v16 =	vand.u32 $0x7C, v16;
	v31 =	vld [tilespmem:s28+$0xFFFFFF60];
	v33 =	vadd.f32 v25, v9;
	[tilespmem:v23+s18+$0x0] =	vst.idx.msk $0xffff, v27  }
0x216: {  	v24 =	vmov s31;
	v23 =	vadd.s32 v7, v19;
	v36 =	vmul.f32 $8.000000000e+00, v29;
	v25 =	vld [tilespmem:s29+$0xFFFFFE80];
	[tilespmem:v21+s18+$0x0] =	vst.idx.msk $0xffff, v20  }
0x217: {  	v22 =	vadd.s32 v4, v16;
	v29 =	vadd.s32 v5, v12;
	[tilespmem:v30+s18+$0x0] =	vst.idx.msk $0xffff, v33;
	v19 =	vmul.f32 $8.000000000e+00, v26;
	v21 =	vld [tilespmem:s29+$0xFFFFFF00]  }
0x218: {  	v27 =	vadd.s32 v5, v17;
	v32 =	vmul.f32 $8.000000000e+00, v32;
	v36 =	vadd.f32 v36, v11;
	v20 =	vld [tilespmem:s29+$0xFFFFFF80]  }
0x219: {  	v30 =	vmul.f32 $8.000000000e+00, v28;
	v26 =	vadd.s32 v5, v15;
	s29 =	simm.s32 $0x129B0;
	v28 =	vadd.f32 v19, v8  }
0x21a: {  	s0 =	simm.s32 $0xC;
	v33 =	vld [tilespmem:s29+$0xFFFFFFD0];
	v32 =	vadd.f32 v32, v11;
	v31 =	vmul.f32 $8.000000000e+00, v31;
	[tilespmem:v35+s18+$0x0] =	vst.idx.msk $0xffff, v36;
	v19 =	vadd.s32 v7, v34  }
.LBB2_15:
0x21b: {  	p0 =	slt.u32 s0, $0x7C;
	s10 =	sadd.s32 $0x3, s1;
	v30 =	vadd.f32 v30, v11;
	v34 =	vld [tilespmem:s28+$0xFFFFFFF0];
	v25 =	vmul.f32 $8.000000000e+00, v25;
	v35 =	vadd.s32 v7, v10;
	[tilespmem:v23+s18+$0x0] =	vst.idx.msk $0xffff, v28  }
0x21c: {  	v36 =	vmovc v17;
	v10 =	vmovc v15;
	v23 =	vld [tilespmem:s29+$0xFFFFFE50];
	v28 =	vmov s10;
	[tilespmem:v29+s18+$0x0] =	vst.idx.msk $0xffff, v32;
	v29 =	vadd.f32 v31, v11;
	v21 =	vmul.f32 $8.000000000e+00, v21  }
0x21d: {  	s10 =	sadd.s32 $0x2, s1;
	s1 =	smov.u32 s0;
	v31 =	vld [tilespmem:s29+$0xFFFFFED0];
	v28 =	vand.u32 $0x7F, v28;
	[tilespmem:v27+s18+$0x0] =	vst.idx.msk $0xffff, v30;
	v15 =	vadd.f32 v25, v8;
	v17 =	vmul.f32 $8.000000000e+00, v20  }
0x21e: {  	v20 =	vmov s10;
	v25 =	vld [tilespmem:s29+$0xFFFFFF50];
	v27 =	vadd.s32 v4, v28;
	[tilespmem:v26+s18+$0x0] =	vst.idx.msk $0xffff, v29;
	v21 =	vadd.f32 v21, v8  }
0x21f: {  	v30 =	vadd.s32 v6, v13;
	v26 =	vmul.f32 $8.000000000e+00, v33;
	v29 =	vld [tilespmem:s28+$0xFFFFFE70];
	[tilespmem:v18+s18+$0x0] =	vst.idx.msk $0xffff, v15;
	v18 =	vadd.f32 v17, v8  }
0x220: {  	v17 =	vand.u32 $0x7D, v24;
	v15 =	vand.u32 $0x7E, v20;
	v20 =	vld [tilespmem:s28+$0xFFFFFEF0];
	v24 =	vmul.f32 $8.000000000e+00, v34;
	[tilespmem:v19+s18+$0x0] =	vst.idx.msk $0xffff, v21  }
0x221: {  	v21 =	vadd.s32 v4, v17;
	v19 =	vmul.f32 $8.000000000e+00, v23;
	v23 =	vadd.f32 v26, v14;
	v26 =	vld [tilespmem:s28+$0xFFFFFF70];
	[tilespmem:v35+s18+$0x0] =	vst.idx.msk $0xffff, v18  }
0x222: {  	v18 =	vmul.f32 $8.000000000e+00, v31;
	v31 =	vadd.s32 v4, v15;
	v24 =	vadd.f32 v24, v9  }
0x223: {  	v19 =	vadd.f32 v19, v14;
	v25 =	vmul.f32 $8.000000000e+00, v25;
	[tilespmem:v27+s18+$0x0] =	vst.idx.msk $0xffff, v23;
	v23 =	vadd.s32 v6, v12  }
0x224: {  	v32 =	vadd.s32 v6, v36;
	v18 =	vadd.f32 v18, v14;
	v27 =	vld [tilespmem:s29+$0xFFFFFFE0];
	v29 =	vmul.f32 $8.000000000e+00, v29;
	[tilespmem:v30+s18+$0x0] =	vst.idx.msk $0xffff, v24  }
0x225: {  	v30 =	vadd.s32 v6, v10;
	[tilespmem:v22+s18+$0x0] =	vst.idx.msk $0xffff, v19;
	v19 =	vadd.f32 v25, v14;
	v20 =	vmul.f32 $8.000000000e+00, v20;
	v33 =	vld [tilespmem:s28+$0x0]  }
0x226: {  	v22 =	vmov s0;
	v34 =	vld [tilespmem:s29+$0xFFFFFE60];
	[tilespmem:v21+s18+$0x0] =	vst.idx.msk $0xffff, v18;
	v18 =	vadd.f32 v29, v9;
	v21 =	vmul.f32 $8.000000000e+00, v26  }
0x227: {  	s10 =	sadd.s32 $0x1, s0;
	v35 =	vand.u32 $0x7C, v22;
	v26 =	vld [tilespmem:s29+$0xFFFFFEE0];
	[tilespmem:v31+s18+$0x0] =	vst.idx.msk $0xffff, v19;
	v19 =	vadd.f32 v20, v9  }
0x228: {  	v37 =	vadd.s32 v5, v28;
	v24 =	vmov s10;
	v31 =	vld [tilespmem:s29+$0xFFFFFF60];
	[tilespmem:v23+s18+$0x0] =	vst.idx.msk $0xffff, v18;
	v20 =	vadd.f32 v21, v9  }
.Ltmp6:
0x229: {  	v18 =	vadd.s32 v7, v12;
	v23 =	vadd.s32 v7, v13;
	v38 =	vmul.f32 $8.000000000e+00, v27;
	v25 =	vld [tilespmem:s28+$0xFFFFFE80];
	[tilespmem:v32+s18+$0x0] =	vst.idx.msk $0xffff, v19;
	(pc) =	sbr.rel @p0 .LBB2_15-.Ltmp6, $4  }
0x22a: {  	v29 =	vadd.s32 v5, v16;
	v22 =	vadd.s32 v4, v35;
	v21 =	vld [tilespmem:s28+$0xFFFFFF00];
	[tilespmem:v30+s18+$0x0] =	vst.idx.msk $0xffff, v20;
	v19 =	vmul.f32 $8.000000000e+00, v33  }
0x22b: {  	v13 =	vmovc v28;
	v12 =	vmovc v16;
	v27 =	vadd.s32 v5, v17;
	v32 =	vmul.f32 $8.000000000e+00, v34;
	v34 =	vadd.f32 v38, v11;
	v20 =	vld [tilespmem:s28+$0xFFFFFF80];
	s28 =	smov.u32 s29  }
0x22c: {  	v16 =	vmovc v35;
	s29 =	sadd.s32 $0x200, s29;
	v30 =	vmul.f32 $8.000000000e+00, v26;
	v26 =	vadd.s32 v5, v15;
	v28 =	vadd.f32 v19, v8  }
0x22d: {  	s0 =	sadd.s32 $0x4, s0;
	v19 =	vadd.s32 v7, v36;
	v33 =	vld [tilespmem:s29+$0xFFFFFFD0];
	v32 =	vadd.f32 v32, v11;
	v31 =	vmul.f32 $8.000000000e+00, v31;
	[tilespmem:v37+s18+$0x0] =	vst.idx.msk $0xffff, v34  }
0x22e: {  	s0 =	sadd.s32 $0x3, s1;
	v34 =	vld [tilespmem:s29+$0xFFFFFE50]  }
0x22f: {  	v36 =	vld [tilespmem:s29+$0xFFFFFED0];
	v35 =	vmov s0  }
0x230: {  	v37 =	vld [tilespmem:s29+$0xFFFFFF50];
	v35 =	vand.u32 $0x7F, v35  }
0x231: {  	s1 =	sadd.s32 $0x2, s1;
	v38 =	vadd.s32 v4, v35  }
0x232: {  	v24 =	vand.u32 $0x7D, v24;
	v39 =	vmov s1;
	v33 =	vmul.f32 $8.000000000e+00, v33  }
0x233: {  	v40 =	vadd.s32 v4, v24;
	v39 =	vand.u32 $0x7E, v39;
	v34 =	vmul.f32 $8.000000000e+00, v34  }
0x234: {  	v41 =	vadd.s32 v4, v39;
	v36 =	vmul.f32 $8.000000000e+00, v36;
	v33 =	vadd.f32 v33, v14  }
0x235: {  	v37 =	vmul.f32 $8.000000000e+00, v37;
	v34 =	vadd.f32 v34, v14  }
0x236: {  	v51 =	vadd.f32 v36, v14;
	[tilespmem:v38+s18+$0x0] =	vst.idx.msk $0xffff, v33  }
0x237: {  	v53 =	vadd.f32 v37, v14;
	[tilespmem:v22+s18+$0x0] =	vst.idx.msk $0xffff, v34;
	v52 =	vld [tilespmem:s29+$0xFFFFFFE0]  }
0x238: {  	[tilespmem:v40+s18+$0x0] =	vst.idx.msk $0xffff, v51;
	v34 =	vld [tilespmem:s29+$0xFFFFFE60]  }
0x239: {  	[tilespmem:v41+s18+$0x0] =	vst.idx.msk $0xffff, v53;
	v33 =	vld [tilespmem:s29+$0xFFFFFEE0]  }
0x23a: {  	v14 =	vld [tilespmem:s29+$0xFFFFFF60]  }
0x23b: {  	v54 =	vadd.s32 v5, v35  }
0x23c: {  	v30 =	vadd.f32 v30, v11;
	v55 =	vadd.s32 v5, v16;
	v22 =	vmul.f32 $8.000000000e+00, v52  }
0x23d: {  	v56 =	vld [tilespmem:s28+$0xFFFFFFF0];
	[tilespmem:v29+s18+$0x0] =	vst.idx.msk $0xffff, v32;
	v31 =	vadd.f32 v31, v11;
	v58 =	vadd.s32 v5, v24;
	v57 =	vmul.f32 $8.000000000e+00, v34  }
0x23e: {  	[tilespmem:v27+s18+$0x0] =	vst.idx.msk $0xffff, v30;
	v59 =	vld [tilespmem:s28+$0xFFFFFE70];
	v61 =	vadd.s32 v5, v39;
	v60 =	vmul.f32 $8.000000000e+00, v33;
	v22 =	vadd.f32 v22, v11  }
0x23f: {  	[tilespmem:v26+s18+$0x0] =	vst.idx.msk $0xffff, v31;
	v62 =	vld [tilespmem:s28+$0xFFFFFEF0];
	v14 =	vmul.f32 $8.000000000e+00, v14;
	v63 =	vadd.f32 v57, v11  }
0x240: {  	v36 =	vld [tilespmem:s28+$0xFFFFFF70];
	v30 =	vadd.f32 v60, v11;
	[tilespmem:v54+s18+$0x0] =	vst.idx.msk $0xffff, v22  }
0x241: {  	v25 =	vmul.f32 $8.000000000e+00, v25;
	v37 =	vadd.s32 v6, v13;
	v38 =	vadd.f32 v14, v11;
	[tilespmem:v55+s18+$0x0] =	vst.idx.msk $0xffff, v63;
	v40 =	vld [tilespmem:s29+$0xFFFFFFF0]  }
0x242: {  	v29 =	vmul.f32 $8.000000000e+00, v56;
	v41 =	vadd.s32 v6, v12;
	[tilespmem:v58+s18+$0x0] =	vst.idx.msk $0xffff, v30;
	v42 =	vld [tilespmem:s29+$0xFFFFFE70]  }
0x243: {  	v43 =	vadd.s32 v6, v17;
	v25 =	vadd.f32 v25, v8;
	v27 =	vmul.f32 $8.000000000e+00, v59;
	[tilespmem:v61+s18+$0x0] =	vst.idx.msk $0xffff, v38;
	v44 =	vld [tilespmem:s29+$0xFFFFFEF0]  }
0x244: {  	[tilespmem:v23+s18+$0x0] =	vst.idx.msk $0xffff, v28;
	v46 =	vadd.s32 v6, v15;
	v45 =	vadd.f32 v29, v9;
	v26 =	vmul.f32 $8.000000000e+00, v62;
	v47 =	vld [tilespmem:s29+$0xFFFFFF70]  }
0x245: {  	v49 =	vadd.s32 v6, v35;
	[tilespmem:v18+s18+$0x0] =	vst.idx.msk $0xffff, v25;
	v48 =	vadd.f32 v27, v9;
	v22 =	vmul.f32 $8.000000000e+00, v36  }
0x246: {  	v51 =	vadd.s32 v6, v16;
	v50 =	vadd.f32 v26, v9;
	[tilespmem:v37+s18+$0x0] =	vst.idx.msk $0xffff, v45;
	v14 =	vmul.f32 $8.000000000e+00, v40  }
0x247: {  	v52 =	vld [tilespmem:s28+$0x0];
	[tilespmem:v41+s18+$0x0] =	vst.idx.msk $0xffff, v48;
	v55 =	vadd.s32 v6, v24;
	v53 =	vadd.f32 v22, v9;
	v54 =	vmul.f32 $8.000000000e+00, v42  }
0x248: {  	v59 =	vadd.s32 v6, v39;
	[tilespmem:v43+s18+$0x0] =	vst.idx.msk $0xffff, v50;
	v56 =	vld [tilespmem:s28+$0xFFFFFE80];
	v58 =	vmul.f32 $8.000000000e+00, v44;
	v57 =	vadd.f32 v14, v9  }
0x249: {  	v10 =	vadd.s32 v7, v10;
	v60 =	vld [tilespmem:s28+$0xFFFFFF00];
	[tilespmem:v46+s18+$0x0] =	vst.idx.msk $0xffff, v53;
	v62 =	vmul.f32 $8.000000000e+00, v47;
	v61 =	vadd.f32 v54, v9  }
0x24a: {  	v25 =	vmul.f32 $8.000000000e+00, v20;
	v28 =	vld [tilespmem:s28+$0xFFFFFF80];
	v63 =	vadd.f32 v58, v9;
	[tilespmem:v49+s18+$0x0] =	vst.idx.msk $0xffff, v57  }
0x24b: {  	v21 =	vmul.f32 $8.000000000e+00, v21;
	v29 =	vadd.s32 v7, v13;
	v34 =	vadd.f32 v62, v9;
	v33 =	vld [tilespmem:s29+$0x0];
	[tilespmem:v51+s18+$0x0] =	vst.idx.msk $0xffff, v61  }
0x24c: {  	v37 =	vadd.s32 v7, v12;
	v41 =	vadd.f32 v25, v8;
	v38 =	vmul.f32 $8.000000000e+00, v52;
	[tilespmem:v55+s18+$0x0] =	vst.idx.msk $0xffff, v63;
	v40 =	vld [tilespmem:s29+$0xFFFFFE80]  }
0x24d: {  	v36 =	vadd.f32 v21, v8;
	v43 =	vmul.f32 $8.000000000e+00, v56;
	v42 =	vadd.s32 v7, v17;
	[tilespmem:v59+s18+$0x0] =	vst.idx.msk $0xffff, v34;
	v44 =	vld [tilespmem:s29+$0xFFFFFF00]  }
0x24e: {  	[tilespmem:v10+s18+$0x0] =	vst.idx.msk $0xffff, v41;
	v45 =	vadd.f32 v38, v8;
	v46 =	vadd.s32 v7, v15;
	v47 =	vmul.f32 $8.000000000e+00, v60;
	v48 =	vld [tilespmem:s29+$0xFFFFFF80]  }
0x24f: {  	[tilespmem:v19+s18+$0x0] =	vst.idx.msk $0xffff, v36;
	v49 =	vadd.f32 v43, v8;
	v50 =	vmul.f32 $8.000000000e+00, v28;
	v51 =	vadd.s32 v7, v35  }
0x250: {  	v53 =	vadd.s32 v7, v16;
	[tilespmem:v29+s18+$0x0] =	vst.idx.msk $0xffff, v45;
	v52 =	vadd.f32 v47, v8;
	v54 =	vmul.f32 $8.000000000e+00, v33  }
0x251: {  	v56 =	vadd.s32 v7, v24;
	[tilespmem:v37+s18+$0x0] =	vst.idx.msk $0xffff, v49;
	v55 =	vadd.f32 v50, v8;
	v57 =	vmul.f32 $8.000000000e+00, v40  }
0x252: {  	v59 =	vadd.s32 v7, v39;
	[tilespmem:v42+s18+$0x0] =	vst.idx.msk $0xffff, v52;
	v60 =	vmul.f32 $8.000000000e+00, v44;
	v58 =	vadd.f32 v54, v8  }
0x253: {  	[tilespmem:v46+s18+$0x0] =	vst.idx.msk $0xffff, v55;
	v62 =	vmul.f32 $8.000000000e+00, v48;
	v61 =	vadd.f32 v57, v8  }
0x254: {  	s10 =	sshll.u32 s26, $0x12;
	v63 =	vadd.f32 v60, v8;
	[tilespmem:v51+s18+$0x0] =	vst.idx.msk $0xffff, v58  }
0x255: {  	s0 =	sor.u32 s7, s10;
	v8 =	vadd.f32 v62, v8;
	[tilespmem:v53+s18+$0x0] =	vst.idx.msk $0xffff, v61  }
0x256: {  	s0 =	sshrl.u32 s0, $0x3;
	[tilespmem:v56+s18+$0x0] =	vst.idx.msk $0xffff, v63  }
0x257: {  	s13 =	simm.s32 $0x18600;
	s1 =	sadd.s32 s2, s0;
	[tilespmem:v59+s18+$0x0] =	vst.idx.msk $0xffff, v8  }
0x258: {  	[hbm4b:s1+s3] =	stream.linear.scatter [tilespmem:s13], [sflag:$0x6], $0x80, $0x38;
	[tilespmem:$0x1DA00] =	vst v63  }
0x259: {  	s26 =	simm.s32 $0x18688;
	s10 =	sadd.s32 $0x10, s1  }
0x25a: {  	[hbm4b:s10+s3] =	stream.linear.scatter [tilespmem:s26], [sflag:$0x6], $0x80, $0x38;
	[tilespmem:$0x1DA00] =	vst v63  }
0x25b: {  	s30 =	simm.s32 $0x18710;
	s0 =	simm.s32 $0x440;
	s31 =	sadd.s32 $0x20, s1  }
0x25c: {  	[hbm4b:s31+s3] =	stream.linear.scatter [tilespmem:s30], [sflag:$0x6], $0x80, $0x38;
	[tilespmem:$0x1DA00] =	vst v63  }
0x25d: {  	s28 =	simm.s32 $0x189B8;
	s13 =	simm.s32 $0x18798;
	s26 =	sadd.s32 $0x30, s1  }
0x25e: {  	[hbm4b:s26+s3] =	stream.linear.scatter [tilespmem:s13], [sflag:$0x6], $0x80, $0x38;
	[tilespmem:$0x1DA00] =	vst v63  }
0x25f: {  	s29 =	sadd.s32 $0x70, s1;
	s30 =	simm.s32 $0x18820;
	s31 =	sadd.s32 $0x40, s1  }
0x260: {  	[hbm4b:s31+s3] =	stream.linear.scatter [tilespmem:s30], [sflag:$0x6], $0x80, $0x38;
	[tilespmem:$0x1DA00] =	vst v63  }
0x261: {  	s13 =	simm.s32 $0x188A8;
	s26 =	sadd.s32 $0x50, s1;
	s30 =	simm.s32 $0x18930  }
0x262: {  	[hbm4b:s26+s3] =	stream.linear.scatter [tilespmem:s13], [sflag:$0x6], $0x80, $0x38;
	[tilespmem:$0x1DA00] =	vst v63  }
0x263: {  	s31 =	sadd.s32 $0x60, s1;
	s1 =	sadd.s32 $0x1000, s1;
	s26 =	simm.s32 $0x2200  }
0x264: {  	[hbm4b:s31+s3] =	stream.linear.scatter [tilespmem:s30], [sflag:$0x6], $0x80, $0x38;
	[tilespmem:$0x1DA00] =	vst v63  }
.LBB2_17:
0x265: {  	[hbm4b:s29+s3] =	stream.linear.scatter [tilespmem:s28], [sflag:$0x6], $0x80, $0x38;
	[tilespmem:$0x1DA00] =	vst v63  }
0x266: {  	s10 =	smov.u32 s0;
	s0 =	smov.u32 s26  }
0x267: {  	s13 =	sadd.s32 $0x1100, s26;
	s0 =	sshra.s32 s0, $0x2;
	s28 =	sadd.s32 $0x18600, s10  }
0x268: {  	[hbm4b:s1+s3] =	stream.linear.scatter [tilespmem:s28], [sflag:$0x6], $0x80, $0x38;
	[tilespmem:$0x1DA00] =	vst v63  }
0x269: {  	p0 =	sne.s32 s26, $0x7700;
	s26 =	sadd.s32 $0x18688, s10;
	s28 =	sadd.s32 $0x10, s1  }
0x26a: {  	[hbm4b:s28+s3] =	stream.linear.scatter [tilespmem:s26], [sflag:$0x6], $0x80, $0x38;
	[tilespmem:$0x1DA00] =	vst v63  }
0x26b: {  	s26 =	sadd.s32 $0x18710, s10;
	s28 =	sadd.s32 $0x20, s1  }
0x26c: {  	[hbm4b:s28+s3] =	stream.linear.scatter [tilespmem:s26], [sflag:$0x6], $0x80, $0x38;
	[tilespmem:$0x1DA00] =	vst v63  }
0x26d: {  	s26 =	sadd.s32 $0x18798, s10;
	s28 =	sadd.s32 $0x30, s1  }
0x26e: {  	[hbm4b:s28+s3] =	stream.linear.scatter [tilespmem:s26], [sflag:$0x6], $0x80, $0x38;
	[tilespmem:$0x1DA00] =	vst v63  }
0x26f: {  	s26 =	sadd.s32 $0x18820, s10;
	s28 =	sadd.s32 $0x40, s1  }
0x270: {  	[hbm4b:s28+s3] =	stream.linear.scatter [tilespmem:s26], [sflag:$0x6], $0x80, $0x38;
	[tilespmem:$0x1DA00] =	vst v63  }
.Ltmp7:
0x271: {  	s26 =	sadd.s32 $0x188A8, s10;
	s28 =	sadd.s32 $0x50, s1;
	(pc) =	sbr.rel @p0 .LBB2_17-.Ltmp7, $4  }
0x272: {  	[hbm4b:s28+s3] =	stream.linear.scatter [tilespmem:s26], [sflag:$0x6], $0x80, $0x38;
	[tilespmem:$0x1DA00] =	vst v63  }
0x273: {  	s29 =	sadd.s32 $0x70, s1;
	s26 =	sadd.s32 $0x18930, s10;
	s28 =	sadd.s32 $0x60, s1  }
0x274: {  	[hbm4b:s28+s3] =	stream.linear.scatter [tilespmem:s26], [sflag:$0x6], $0x80, $0x38;
	[tilespmem:$0x1DA00] =	vst v63  }
0x275: {  	s1 =	sadd.s32 $0x1000, s1;
	s28 =	sadd.s32 $0x189B8, s10;
	s26 =	smov.u32 s13  }
0x276: {  	[hbm4b:s29+s3] =	stream.linear.scatter [tilespmem:s28], [sflag:$0x6], $0x80, $0x38;
	[tilespmem:$0x1DA00] =	vst v63  }
0x277: {  	s10 =	sadd.s32 $0x18600, s0  }
0x278: {  	[hbm4b:s1+s3] =	stream.linear.scatter [tilespmem:s10], [sflag:$0x6], $0x80, $0x38;
	[tilespmem:$0x1DA00] =	vst v63  }
0x279: {  	s31 =	sadd.s32 $0x18688, s0;
	s13 =	sadd.s32 $0x10, s1  }
0x27a: {  	[hbm4b:s13+s3] =	stream.linear.scatter [tilespmem:s31], [sflag:$0x6], $0x80, $0x38;
	[tilespmem:$0x1DA00] =	vst v63  }
0x27b: {  	s26 =	sadd.s32 $0x20, s1;
	s13 =	sadd.s32 $0x18710, s0  }
0x27c: {  	[hbm4b:s26+s3] =	stream.linear.scatter [tilespmem:s13], [sflag:$0x6], $0x80, $0x38;
	[tilespmem:$0x1DA00] =	vst v63  }
0x27d: {  	s28 =	sadd.s32 $0x18798, s0;
	s29 =	sadd.s32 $0x30, s1  }
0x27e: {  	[hbm4b:s29+s3] =	stream.linear.scatter [tilespmem:s28], [sflag:$0x6], $0x80, $0x38;
	[tilespmem:$0x1DA00] =	vst v63  }
0x27f: {  	s30 =	sadd.s32 $0x18820, s0;
	s25 =	sadd.s32 $0x1, s25;
	s31 =	sadd.s32 $0x40, s1  }
0x280: {  	[hbm4b:s31+s3] =	stream.linear.scatter [tilespmem:s30], [sflag:$0x6], $0x80, $0x38;
	[tilespmem:$0x1DA00] =	vst v63  }
0x281: {  	p0 =	sne.s32 s25, $0x32;
	s13 =	sadd.s32 $0x188A8, s0;
	s26 =	sadd.s32 $0x50, s1  }
0x282: {  	[hbm4b:s26+s3] =	stream.linear.scatter [tilespmem:s13], [sflag:$0x6], $0x80, $0x38;
	[tilespmem:$0x1DA00] =	vst v63  }
.Ltmp8:
0x283: {  	_ = 	snop;
	(pc) =	sbr.rel @p0 .LBB2_2-.Ltmp8, $4  }
0x284: {  	s28 =	sadd.s32 $0x18930, s0;
	s29 =	sadd.s32 $0x60, s1  }
0x285: {  	[hbm4b:s29+s3] =	stream.linear.scatter [tilespmem:s28], [sflag:$0x6], $0x80, $0x38;
	[tilespmem:$0x1DA00] =	vst v63  }
0x286: {  	s30 =	sadd.s32 $0x189B8, s0;
	s31 =	sadd.s32 $0x70, s1  }
0x287: {  	[hbm4b:s31+s3] =	stream.linear.scatter [tilespmem:s30], [sflag:$0x6], $0x80, $0x38;
	[tilespmem:$0x1DA00] =	vst v63  }
0x288: {  	s24 =	sadd.s32 $0x1, s24  }
0x289: {  	_ =	swait.ge [sflag:s20], $0x2000;
	p0 =	sne.s32 s24, s8  }
.Ltmp9:
0x28a: {  	[sflag:s20] =	ssyncset.done $0x0;
	(pc) =	sbr.rel @p0 .LBB2_1-.Ltmp9, $4  }
0x28b: {  	[sflag:s20] =	ssyncadd.s32 $0xFFFFE000  }
0x28c: {  	_ =	swait.ge [sflag:s22], $0x2000  }
0x28d: {  	[sflag:s22] =	ssyncset.done $0x0  }
0x28e: {  	[sflag:s22] =	ssyncadd.s32 $0xFFFFE000  }
0x28f: {  	_ =	sfence.sel $0x180000  }
0x290: {  	[bflag:$0x0] =	sbarrier.arrive $0xFFFF  }
0x291: {  	_ =	strace $0x90000047  }
0x292: {  	s0 =	stileid.u32;
	[bflag:$0x2] =	sbarrier.arrive $0xFFFF  }
0x293: {  	p0 =	sne.s32 s0, $0x0;
	s0 =	rddreg [dreg:$0x2]  }
0x294: {  	s0 =	sadd.s32 @!p0 $0x100000, s0  }
0x295: {  	[sflag:s0] =	ssyncadd.tile.s32 @!p0 $0x1;
	_ =	shalt  }
.Lfunc_end2:
_tile_overlayer_lowered:
.L_overlay_start_2:
0x296: {  	(tag) =	ssettag $0x2  }
0x297: {  	s0 =	rddreg [dreg:$0x0];
	s2 =	stileid.u32  }
0x298: {  	s1 =	rddreg [dreg:$0x1];
	p0 =	sne.s32 s2, $0x0  }
0x299: {  	s3 =	rddreg [dreg:$0x2];
	[bflag:$0x3] =	sbarrier.arrive $0xFFFF;
	s2 =	simm.s32 @!p0 $0x1C07  }
0x29a: {  	[timem:s3], [sflag:s2] =	dma.local @!p0 [hbm:s0], s1  }
0x29b: {  	s0 =	simm.s32 @!p0 $0x7  }
0x29c: {  	_ =	swait.ge @!p0 [sflag:s0], s1  }
0x29d: {  	s1 =	ssub.s32 @!p0 $0x0, s1;
	[sflag:s0] =	ssyncset.done @!p0 $0x0  }
0x29e: {  	[sflag:s0] =	ssyncadd.s32 @!p0 s1  }
0x29f: {  	[bflag:$0x3] =	sbarrier.arrive $0xFFFF  }
0x2a0: {  	_ =	shalt  }

</sc_bundles>
